<compile_context>
chip_gen: v7x
topology: tpu7x:2x2x1
jax: 0.10.2.dev20260603
libtpu: 0.0.44.dev20260713+nightly
codegen_flags: <defaults>
</compile_context>

<pallas_src>
import functools

import jax
import jax.numpy as jnp
from jax import lax
from jax.experimental import pallas as pl
from jax.experimental.pallas import tpu as pltpu
from jax.experimental.pallas import tpu_sc as plsc

N_NODES = 10000
D = 128
N_PAD = 10112
E_RAW = 320000
E_TOT = E_RAW + N_NODES
NW = 32
NS = 16
B1_CHUNK = 128
CHUNKS_B1 = 82
E_PAD = NW * CHUNKS_B1 * B1_CHUNK
EDGES_PER_TILE = CHUNKS_B1 * B1_CHUNK
FULL_LAST = (E_TOT - (NW - 1) * EDGES_PER_TILE) // B1_CHUNK
TAIL_ROWS = E_TOT - (NW - 1) * EDGES_PER_TILE - FULL_LAST * B1_CHUNK
CHUNK_B2 = 4096
N_CHUNKS_B2 = E_PAD // CHUNK_B2
F_PER_TILE = D // NW


def _tc_a_body(x_ref, wt_ref, ap_ref, act_ref, al_ref):
    act = jnp.dot(x_ref[...], wt_ref[...], preferred_element_type=jnp.float32)
    act_ref[...] = act
    al_ref[...] = lax.dot_general(
        ap_ref[...], act, (((1,), (1,)), ((), ())),
        preferred_element_type=jnp.float32,
        precision=lax.Precision.HIGHEST,
    )


def _tc_a(x_pad, w_t, a_pair):
    blk = N_PAD
    nblk = 1
    return pl.pallas_call(
        _tc_a_body,
        grid=(nblk,),
        in_specs=[
            pl.BlockSpec((blk, D), lambda i: (i, 0)),
            pl.BlockSpec((D, D), lambda i: (0, 0)),
            pl.BlockSpec((2, D), lambda i: (0, 0)),
        ],
        out_specs=[
            pl.BlockSpec((blk, D), lambda i: (i, 0)),
            pl.BlockSpec((2, blk), lambda i: (0, i)),
        ],
        out_shape=[
            jax.ShapeDtypeStruct((N_PAD, D), jnp.float32),
            jax.ShapeDtypeStruct((2, N_PAD), jnp.float32),
        ],
    )(x_pad, w_t, a_pair)


def _make_b1():
    mesh = plsc.VectorSubcoreMesh(
        core_axis_name="c", subcore_axis_name="s", num_cores=2, num_subcores=16
    )
    rows_per_sub = N_PAD // NS

    @functools.partial(
        pl.kernel,
        mesh=mesh,
        compiler_params=pltpu.CompilerParams(
            needs_layout_passes=False, use_tc_tiling_on_sc=False
        ),
        out_type=[
            jax.ShapeDtypeStruct((E_TOT, D), jnp.float32),
            jax.ShapeDtypeStruct((NW, CHUNKS_B1, B1_CHUNK), jnp.float32),
            jax.ShapeDtypeStruct((EDGES_PER_TILE, D), jnp.float32),
            jax.ShapeDtypeStruct((NW, N_PAD), jnp.float32),
        ],
        scratch_types=[
            pltpu.VMEM((CHUNKS_B1, B1_CHUNK), jnp.int32),
            pltpu.VMEM((CHUNKS_B1, B1_CHUNK), jnp.int32),
            pltpu.VMEM((N_PAD,), jnp.float32),
            pltpu.VMEM((N_PAD,), jnp.float32),
            pltpu.VMEM((CHUNKS_B1, B1_CHUNK), jnp.float32),
            pltpu.VMEM((N_PAD,), jnp.float32),
            pltpu.VMEM((4, B1_CHUNK, D), jnp.float32),
            pltpu.SemaphoreType.DMA,
            pltpu.SemaphoreType.DMA,
            pltpu.SemaphoreType.DMA,
            pltpu.SemaphoreType.DMA,
        ],
    )
    def b1(act_hbm, ad_hbm, as_hbm, src_hbm, dst_hbm, msgs_hbm, w_hbm,
           sink_hbm, denp_hbm, src_v, dst_v, ad_v, as_v, w_v, den_v, rows_v,
           gsem0, gsem1, wsem0, wsem1):
        sid = lax.axis_index("s")
        wid = sid * 2 + lax.axis_index("c")
        base = wid * EDGES_PER_TILE
        pltpu.sync_copy(src_hbm.at[wid], src_v)
        pltpu.sync_copy(dst_hbm.at[wid], dst_v)
        pltpu.sync_copy(ad_hbm, ad_v)
        pltpu.sync_copy(as_hbm, as_v)

        zf = jnp.zeros((16,), jnp.float32)

        @plsc.parallel_loop(0, N_PAD // 16, unroll=8)
        def _zero(i):
            den_v[pl.ds(i * 16, 16)] = zf

        pltpu.async_copy(act_hbm.at[src_v.at[0]], rows_v.at[0], gsem0)
        pltpu.async_copy(act_hbm.at[src_v.at[1]], rows_v.at[1], gsem1)

        def step(c, buf, buf2, gsem, wsem):
            pltpu.make_async_copy(
                act_hbm.at[src_v.at[c]], rows_v.at[buf], gsem
            ).wait()

            @pl.when(c >= 2)
            def _():
                pltpu.make_async_copy(
                    rows_v.at[buf], sink_hbm.at[pl.ds(0, B1_CHUNK)], wsem
                ).wait()

            full = jnp.logical_or(wid < NW - 1, c < FULL_LAST)

            @pl.when(full)
            def _():
                pltpu.async_copy(
                    rows_v.at[buf],
                    msgs_hbm.at[pl.ds(base + c * B1_CHUNK, B1_CHUNK)],
                    wsem,
                )

            @pl.when(jnp.logical_not(full))
            def _():
                pltpu.async_copy(
                    rows_v.at[buf],
                    sink_hbm.at[pl.ds(c * B1_CHUNK, B1_CHUNK)],
                    wsem,
                )

            @pl.when(jnp.logical_and(wid == NW - 1, c == FULL_LAST))
            def _():
                pltpu.sync_copy(
                    rows_v.at[buf, pl.ds(0, TAIL_ROWS)],
                    msgs_hbm.at[pl.ds(base + c * B1_CHUNK, TAIL_ROWS)],
                )

            @pl.when(c + 2 < CHUNKS_B1)
            def _():
                pltpu.async_copy(
                    act_hbm.at[src_v.at[c + 2]], rows_v.at[buf2], gsem
                )

            for g in range(B1_CHUNK // 16):
                s16 = src_v[c, pl.ds(g * 16, 16)]
                d16 = dst_v[c, pl.ds(g * 16, 16)]
                t = plsc.load_gather(ad_v, [d16]) + plsc.load_gather(as_v, [s16])
                w16 = jnp.exp(jnp.maximum(t, 0.01 * t))
                w_v[c, pl.ds(g * 16, 16)] = w16
                plsc.addupdate_scatter(den_v, [d16], w16)

        def body(cc, carry):
            half = lax.rem(cc, 2) * 2
            half2 = lax.rem(cc + 1, 2) * 2
            step(cc * 2, half, half2, gsem0, wsem0)
            step(cc * 2 + 1, half + 1, half2 + 1, gsem1, wsem1)
            return carry

        lax.fori_loop(0, CHUNKS_B1 // 2, body, 0)
        pltpu.make_async_copy(
            rows_v.at[0], sink_hbm.at[pl.ds(0, B1_CHUNK)], wsem0
        ).wait()
        pltpu.make_async_copy(
            rows_v.at[0], sink_hbm.at[pl.ds(0, B1_CHUNK)], wsem1
        ).wait()
        pltpu.sync_copy(w_v, w_hbm.at[wid])
        pltpu.sync_copy(den_v, denp_hbm.at[wid])

    return b1


def _make_b2():
    mesh = plsc.VectorSubcoreMesh(
        core_axis_name="c", subcore_axis_name="s", num_cores=2, num_subcores=16
    )
    n_grp = CHUNK_B2 // 16
    e_per_sub = E_PAD // NS

    @functools.partial(
        pl.kernel,
        mesh=mesh,
        compiler_params=pltpu.CompilerParams(
            needs_layout_passes=False, use_tc_tiling_on_sc=False
        ),
        out_type=[
            jax.ShapeDtypeStruct((NW, F_PER_TILE * N_PAD), jnp.float32),
        ],
        scratch_types=[
            pltpu.VMEM((F_PER_TILE * N_PAD,), jnp.float32),
            pltpu.VMEM((F_PER_TILE * N_PAD,), jnp.float32),
            pltpu.VMEM((N_PAD,), jnp.float32),
            pltpu.VMEM((2, CHUNK_B2), jnp.int32),
            pltpu.VMEM((2, CHUNK_B2), jnp.float32),
            pltpu.SemaphoreType.DMA,
        ],
    )
    def b2(act_hbm, sd_hbm, w_hbm, den_hbm, agg_hbm,
           actc_v, agg_v, den_v, sd_v, wc_v, esem):
        sid = lax.axis_index("s")
        wid = sid * 2 + lax.axis_index("c")
        pltpu.sync_copy(act_hbm.at[wid], actc_v)

        zf = jnp.zeros((16,), jnp.float32)

        @plsc.parallel_loop(0, N_PAD // 16, unroll=8)
        def _zero(i):
            den_v[pl.ds(i * 16, 16)] = zf
            for f in range(F_PER_TILE):
                agg_v[pl.ds(f * N_PAD + i * 16, 16)] = zf

        def start_chunk(ci, buf):
            off = ci * CHUNK_B2
            pltpu.async_copy(sd_hbm.at[pl.ds(off, CHUNK_B2)], sd_v.at[buf], esem)
            pltpu.async_copy(w_hbm.at[pl.ds(off, CHUNK_B2)], wc_v.at[buf], esem)

        def wait_chunk(ci, buf):
            off = ci * CHUNK_B2
            pltpu.make_async_copy(
                sd_hbm.at[pl.ds(off, CHUNK_B2)], sd_v.at[buf], esem
            ).wait()
            pltpu.make_async_copy(
                w_hbm.at[pl.ds(off, CHUNK_B2)], wc_v.at[buf], esem
            ).wait()

        start_chunk(0, 0)

        def chunk_body(ci, carry):
            buf = lax.rem(ci, 2)
            wait_chunk(ci, buf)

            @pl.when(ci + 1 < N_CHUNKS_B2)
            def _():
                start_chunk(ci + 1, 1 - buf)

            @plsc.parallel_loop(0, n_grp, unroll=8)
            def _grp(g):
                o = g * 16
                sd = sd_v[buf, pl.ds(o, 16)]
                w16 = wc_v[buf, pl.ds(o, 16)]
                s16 = jnp.bitwise_and(sd, 0xFFFF)
                d16 = jnp.right_shift(sd, 16)
                for f in range(F_PER_TILE):
                    av = plsc.load_gather(actc_v, [s16 + f * N_PAD] if f else [s16])
                    plsc.addupdate_scatter(
                        agg_v, [d16 + f * N_PAD] if f else [d16], av * w16
                    )

            return carry

        lax.fori_loop(0, N_CHUNKS_B2, chunk_body, 0)

        pltpu.sync_copy(den_hbm, den_v)

        @plsc.parallel_loop(0, N_PAD // 16, unroll=8)
        def _div(i):
            o = i * 16
            dn = den_v[pl.ds(o, 16)]
            for f in range(F_PER_TILE):
                g = agg_v[pl.ds(f * N_PAD + o, 16)]
                agg_v[pl.ds(f * N_PAD + o, 16)] = g / dn

        pltpu.sync_copy(agg_v, agg_hbm.at[wid])

    return b2


def kernel(x, edge_index, W, a):
    x = x.astype(jnp.float32)
    x_pad = jnp.concatenate(
        [x, jnp.zeros((N_PAD - N_NODES, D), jnp.float32)], axis=0
    )
    w_t = W.astype(jnp.float32).T
    a_pair = a.astype(jnp.float32).reshape(2, D)

    loop_ids = jnp.arange(N_NODES, dtype=jnp.int32)
    pad_src = jnp.arange(E_PAD - E_TOT, dtype=jnp.int32) % N_NODES
    pad_dst = jnp.full((E_PAD - E_TOT,), N_NODES, jnp.int32)
    src = jnp.concatenate([edge_index[0].astype(jnp.int32), loop_ids, pad_src])
    dst = jnp.concatenate([edge_index[1].astype(jnp.int32), loop_ids, pad_dst])
    src3 = src.reshape(NW, CHUNKS_B1, B1_CHUNK)
    dst3 = dst.reshape(NW, CHUNKS_B1, B1_CHUNK)
    sd_packed = jnp.bitwise_or(jnp.left_shift(dst, 16), src)

    act, al = _tc_a(x_pad, w_t, a_pair)
    ad = al[0]
    as_ = al[1]

    msgs, w3, _sink, den_part = _make_b1()(act, ad, as_, src3, dst3)
    w_flat = w3.reshape(E_PAD)
    den_sum = jnp.sum(den_part, axis=0)
    den_pad = jnp.where(den_sum == 0.0, 1.0, den_sum)

    act_cols = act.T.reshape(NW, F_PER_TILE * N_PAD)
    agg_cols, = _make_b2()(act_cols, sd_packed, w_flat, den_pad)
    agg_pad = agg_cols.reshape(D, N_PAD).T

    return (
        agg_pad[:N_NODES],
        w_flat[:E_TOT],
        den_pad[:N_NODES],
        msgs,
    )

# --- scband reference (transcript-rebuilt; emitter-appended) ---
"""Pipeline reference for scband-graph-attention-31671088841316 (READ-ONLY COPY).

The authoritative reference and input builder live on the scoring server;
editing this copy changes nothing except your own understanding.
"""

import jax, jax.numpy as jnp
import numpy as np

N_NODES = 10000
N_EDGES = 320000
D_IN = 128
D_OUT = 128


def setup_inputs(seed: int = 0) -> dict:
    key = jax.random.key(seed)
    k1, k2, k3, k4 = jax.random.split(key, 4)
    x = jax.random.normal(k1, (N_NODES, D_IN), dtype=jnp.float32)
    edge_index = jax.random.randint(k2, (2, N_EDGES), 0, N_NODES, dtype=jnp.int64)
    # xavier-uniform-like init for W [out_features, in_features]
    bound = float(np.sqrt(6.0 / (D_IN + D_OUT)))
    W = jax.random.uniform(k3, (D_OUT, D_IN), minval=-bound, maxval=bound, dtype=jnp.float32) * 0.3
    a = jax.random.uniform(k4, (2 * D_OUT,), minval=0.0, maxval=1.0, dtype=jnp.float32)
    return {"x": x, "edge_index": edge_index, "W": W, "a": a}


def add_self_loops(edge_index, num_nodes):
    loop = jnp.arange(num_nodes, dtype=edge_index.dtype)
    loops = jnp.stack([loop, loop], axis=0)
    return jnp.concatenate([edge_index, loops], axis=1)


def reference(x, edge_index, W, a):
    num_nodes = x.shape[0]
    ei = add_self_loops(edge_index, num_nodes)
    sources = ei[0]
    destinations = ei[1]
    activations = x @ W.T  # [N, d_out]
    messages = activations[sources]  # gather [E', d_out]
    attention_inputs = jnp.concatenate([activations[destinations], activations[sources]], axis=1)
    edge_weights_numerator = jnp.exp(jax.nn.leaky_relu((attention_inputs * a).sum(axis=1), negative_slope=0.01))
    weighted_messages = messages * edge_weights_numerator[:, None]
    softmax_denominator = jnp.zeros((num_nodes,), dtype=x.dtype).at[destinations].add(edge_weights_numerator)
    softmax_denominator = jnp.where(softmax_denominator == 0, jnp.ones_like(softmax_denominator), softmax_denominator)
    aggregated_messages = jnp.zeros_like(activations).at[destinations].add(weighted_messages)
    aggregated_messages = aggregated_messages / softmax_denominator[:, None]
    return (aggregated_messages, edge_weights_numerator, softmax_denominator, messages)

if __name__ == "__main__":
    import jax
    _d = setup_inputs()
    print(jax.jit(kernel)(*tuple(_d.values())))

</pallas_src>

<mosaic_0001>
#map = affine_map<(d0, d1) -> (0, 0)>
#map1 = affine_map<(d0, d1) -> (0)>
#map2 = affine_map<(d0, d1) -> (0, 0, 0)>
module attributes {stable_mosaic.version = 14 : i64} {
  func.func @b1(%arg0: i32, %arg1: i32, %arg2: memref<10112x128xf32, #tpu.memory_space<hbm>>, %arg3: memref<10112xf32, #tpu.memory_space<hbm>>, %arg4: memref<10112xf32, #tpu.memory_space<hbm>>, %arg5: memref<32x82x128xi32, #tpu.memory_space<hbm>>, %arg6: memref<32x82x128xi32, #tpu.memory_space<hbm>>, %arg7: memref<330000x128xf32, #tpu.memory_space<hbm>>, %arg8: memref<32x82x128xf32, #tpu.memory_space<hbm>>, %arg9: memref<10496x128xf32, #tpu.memory_space<hbm>>, %arg10: memref<32x10112xf32, #tpu.memory_space<hbm>>, %arg11: memref<82x128xi32, #tpu.memory_space<vmem>>, %arg12: memref<82x128xi32, #tpu.memory_space<vmem>>, %arg13: memref<10112xf32, #tpu.memory_space<vmem>>, %arg14: memref<10112xf32, #tpu.memory_space<vmem>>, %arg15: memref<82x128xf32, #tpu.memory_space<vmem>>, %arg16: memref<10112xf32, #tpu.memory_space<vmem>>, %arg17: memref<4x128x128xf32, #tpu.memory_space<vmem>>, %arg18: memref<!tpu.dma_semaphore, #tpu.memory_space<semaphore_mem>>, %arg19: memref<!tpu.dma_semaphore, #tpu.memory_space<semaphore_mem>>, %arg20: memref<!tpu.dma_semaphore, #tpu.memory_space<semaphore_mem>>, %arg21: memref<!tpu.dma_semaphore, #tpu.memory_space<semaphore_mem>>) attributes {dimension_semantics = [#tpu.dimension_semantics<core_parallel>, #tpu.dimension_semantics<subcore_parallel>], iteration_bounds = array<i64: 2, 16>, scalar_prefetch = 0 : i64, scratch_operands = 11 : i64, tpu.core_type = #tpu.core_type<sc_vector_subcore>, window_params = [{transform_indices = #map}, {transform_indices = #map1}, {transform_indices = #map1}, {transform_indices = #map2}, {transform_indices = #map2}, {transform_indices = #map}, {transform_indices = #map2}, {transform_indices = #map}, {transform_indices = #map}]} {
    %mul3A = arith.constant 2 : i32
    %mul3A_0 = arith.muli %arg1, %mul3A : i32
    %add3A = arith.addi %mul3A_0, %arg0 : i32
    %mul3A_1 = arith.constant 10496 : i32
    %mul3A_2 = arith.muli %add3A, %mul3A_1 : i32
    "tpu.region"() ({
      %run_scoped3A = tpu.sem_alloc : memref<!tpu.dma_semaphore, #tpu.memory_space<semaphore_mem>>
      %dma_start3A_63 = arith.constant 0 : i32
      %dma_start3A_64 = arith.constant 0 : i32
      %dma_start3A_65 = tpu.memref_slice %arg5[%add3A, %dma_start3A_63, %dma_start3A_64] : memref<32x82x128xi32, #tpu.memory_space<hbm>> -> memref<1x82x128xi32, #tpu.memory_space<hbm>>
      %dma_start3A_66 = tpu.memref_squeeze %dma_start3A_65 : memref<1x82x128xi32, #tpu.memory_space<hbm>> -> memref<82x128xi32, #tpu.memory_space<hbm>>
      %dma_start3A_67 = arith.constant 0 : i32
      %dma_start3A_68 = arith.constant 0 : i32
      %dma_start3A_69 = tpu.memref_slice %arg5[%add3A, %dma_start3A_67, %dma_start3A_68] : memref<32x82x128xi32, #tpu.memory_space<hbm>> -> memref<1x82x128xi32, #tpu.memory_space<hbm>>
      %dma_start3A_70 = tpu.memref_squeeze %dma_start3A_69 : memref<1x82x128xi32, #tpu.memory_space<hbm>> -> memref<82x128xi32, #tpu.memory_space<hbm>>
      tpu.enqueue_dma source(%dma_start3A_70 : memref<82x128xi32, #tpu.memory_space<hbm>>) target(%arg11 : memref<82x128xi32, #tpu.memory_space<vmem>>) target_semaphore(%run_scoped3A : memref<!tpu.dma_semaphore, #tpu.memory_space<semaphore_mem>>)
      %dma_wait3A_71 = arith.constant 0 : i32
      %dma_wait3A_72 = arith.constant 0 : i32
      %dma_wait3A_73 = tpu.memref_slice %arg5[%add3A, %dma_wait3A_71, %dma_wait3A_72] : memref<32x82x128xi32, #tpu.memory_space<hbm>> -> memref<1x82x128xi32, #tpu.memory_space<hbm>>
      %dma_wait3A_74 = tpu.memref_squeeze %dma_wait3A_73 : memref<1x82x128xi32, #tpu.memory_space<hbm>> -> memref<82x128xi32, #tpu.memory_space<hbm>>
      %dma_wait3A_75 = arith.constant 0 : i32
      %dma_wait3A_76 = arith.constant 0 : i32
      %dma_wait3A_77 = tpu.memref_slice %arg5[%add3A, %dma_wait3A_75, %dma_wait3A_76] : memref<32x82x128xi32, #tpu.memory_space<hbm>> -> memref<1x82x128xi32, #tpu.memory_space<hbm>>
      %dma_wait3A_78 = tpu.memref_squeeze %dma_wait3A_77 : memref<1x82x128xi32, #tpu.memory_space<hbm>> -> memref<82x128xi32, #tpu.memory_space<hbm>>
      tpu.wait_dma2 semaphore(%run_scoped3A : memref<!tpu.dma_semaphore, #tpu.memory_space<semaphore_mem>>) src(%dma_wait3A_78 : memref<82x128xi32, #tpu.memory_space<hbm>>) dst(%arg11 : memref<82x128xi32, #tpu.memory_space<vmem>>)
      tpu.yield
    }) : () -> ()
    "tpu.region"() ({
      %run_scoped3A = tpu.sem_alloc : memref<!tpu.dma_semaphore, #tpu.memory_space<semaphore_mem>>
      %dma_start3A_63 = arith.constant 0 : i32
      %dma_start3A_64 = arith.constant 0 : i32
      %dma_start3A_65 = tpu.memref_slice %arg6[%add3A, %dma_start3A_63, %dma_start3A_64] : memref<32x82x128xi32, #tpu.memory_space<hbm>> -> memref<1x82x128xi32, #tpu.memory_space<hbm>>
      %dma_start3A_66 = tpu.memref_squeeze %dma_start3A_65 : memref<1x82x128xi32, #tpu.memory_space<hbm>> -> memref<82x128xi32, #tpu.memory_space<hbm>>
      %dma_start3A_67 = arith.constant 0 : i32
      %dma_start3A_68 = arith.constant 0 : i32
      %dma_start3A_69 = tpu.memref_slice %arg6[%add3A, %dma_start3A_67, %dma_start3A_68] : memref<32x82x128xi32, #tpu.memory_space<hbm>> -> memref<1x82x128xi32, #tpu.memory_space<hbm>>
      %dma_start3A_70 = tpu.memref_squeeze %dma_start3A_69 : memref<1x82x128xi32, #tpu.memory_space<hbm>> -> memref<82x128xi32, #tpu.memory_space<hbm>>
      tpu.enqueue_dma source(%dma_start3A_70 : memref<82x128xi32, #tpu.memory_space<hbm>>) target(%arg12 : memref<82x128xi32, #tpu.memory_space<vmem>>) target_semaphore(%run_scoped3A : memref<!tpu.dma_semaphore, #tpu.memory_space<semaphore_mem>>)
      %dma_wait3A_71 = arith.constant 0 : i32
      %dma_wait3A_72 = arith.constant 0 : i32
      %dma_wait3A_73 = tpu.memref_slice %arg6[%add3A, %dma_wait3A_71, %dma_wait3A_72] : memref<32x82x128xi32, #tpu.memory_space<hbm>> -> memref<1x82x128xi32, #tpu.memory_space<hbm>>
      %dma_wait3A_74 = tpu.memref_squeeze %dma_wait3A_73 : memref<1x82x128xi32, #tpu.memory_space<hbm>> -> memref<82x128xi32, #tpu.memory_space<hbm>>
      %dma_wait3A_75 = arith.constant 0 : i32
      %dma_wait3A_76 = arith.constant 0 : i32
      %dma_wait3A_77 = tpu.memref_slice %arg6[%add3A, %dma_wait3A_75, %dma_wait3A_76] : memref<32x82x128xi32, #tpu.memory_space<hbm>> -> memref<1x82x128xi32, #tpu.memory_space<hbm>>
      %dma_wait3A_78 = tpu.memref_squeeze %dma_wait3A_77 : memref<1x82x128xi32, #tpu.memory_space<hbm>> -> memref<82x128xi32, #tpu.memory_space<hbm>>
      tpu.wait_dma2 semaphore(%run_scoped3A : memref<!tpu.dma_semaphore, #tpu.memory_space<semaphore_mem>>) src(%dma_wait3A_78 : memref<82x128xi32, #tpu.memory_space<hbm>>) dst(%arg12 : memref<82x128xi32, #tpu.memory_space<vmem>>)
      tpu.yield
    }) : () -> ()
    "tpu.region"() ({
      %run_scoped3A = tpu.sem_alloc : memref<!tpu.dma_semaphore, #tpu.memory_space<semaphore_mem>>
      tpu.enqueue_dma source(%arg3 : memref<10112xf32, #tpu.memory_space<hbm>>) target(%arg13 : memref<10112xf32, #tpu.memory_space<vmem>>) target_semaphore(%run_scoped3A : memref<!tpu.dma_semaphore, #tpu.memory_space<semaphore_mem>>)
      tpu.wait_dma2 semaphore(%run_scoped3A : memref<!tpu.dma_semaphore, #tpu.memory_space<semaphore_mem>>) src(%arg3 : memref<10112xf32, #tpu.memory_space<hbm>>) dst(%arg13 : memref<10112xf32, #tpu.memory_space<vmem>>)
      tpu.yield
    }) : () -> ()
    "tpu.region"() ({
      %run_scoped3A = tpu.sem_alloc : memref<!tpu.dma_semaphore, #tpu.memory_space<semaphore_mem>>
      tpu.enqueue_dma source(%arg4 : memref<10112xf32, #tpu.memory_space<hbm>>) target(%arg14 : memref<10112xf32, #tpu.memory_space<vmem>>) target_semaphore(%run_scoped3A : memref<!tpu.dma_semaphore, #tpu.memory_space<semaphore_mem>>)
      tpu.wait_dma2 semaphore(%run_scoped3A : memref<!tpu.dma_semaphore, #tpu.memory_space<semaphore_mem>>) src(%arg4 : memref<10112xf32, #tpu.memory_space<hbm>>) dst(%arg14 : memref<10112xf32, #tpu.memory_space<vmem>>)
      tpu.yield
    }) : () -> ()
    %broadcast_in_dim3A = arith.constant 0.000000e+00 : f32
    %broadcast_in_dim3A_3 = vector.broadcast %broadcast_in_dim3A : f32 to vector<16xf32>
    %parallel_loop3A = arith.constant 0 : i32
    %parallel_loop3A_4 = arith.constant 632 : i32
    %parallel_loop3A_5 = arith.constant 1 : i32
    scf.for %parallel_loop3A_63 = %parallel_loop3A to %parallel_loop3A_4 step %parallel_loop3A_5  : i32 {
      %parallel_loop3A_64 = arith.constant 16 : i32
      %parallel_loop3A_65 = arith.muli %parallel_loop3A_63, %parallel_loop3A_64 : i32
      %parallel_loop3A_66 = arith.index_cast %parallel_loop3A_65 : i32 to index
      %parallel_loop3A_67 = tpu.vector_load %arg16[%parallel_loop3A_66] {strides = array<i32>} : memref<10112xf32, #tpu.memory_space<vmem>>, vector<16xf32>,
      tpu.vector_store %arg16[%parallel_loop3A_66], %broadcast_in_dim3A_3 {strides = array<i32>} : memref<10112xf32, #tpu.memory_space<vmem>>, vector<16xf32>,
    } {sc.loop_unroll_factor = 8 : i64, sc.parallel_access}
    %dma_start3A = arith.constant 0 : i32
    %dma_start3A_6 = arith.constant 0 : i32
    %dma_start3A_7 = arith.constant 0 : i32
    %dma_start3A_8 = arith.constant 0 : i32
    %dma_start3A_9 = tpu.memref_slice %arg17[%dma_start3A_6, %dma_start3A_7, %dma_start3A_8] : memref<4x128x128xf32, #tpu.memory_space<vmem>> -> memref<1x128x128xf32, #tpu.memory_space<vmem>>
    %dma_start3A_10 = tpu.memref_squeeze %dma_start3A_9 : memref<1x128x128xf32, #tpu.memory_space<vmem>> -> memref<128x128xf32, #tpu.memory_space<vmem>>
    %dma_start3A_11 = arith.constant 0 : i32
    %dma_start3A_12 = tpu.memref_slice %arg11[%dma_start3A, %dma_start3A_11] : memref<82x128xi32, #tpu.memory_space<vmem>> -> memref<1x128xi32, #tpu.memory_space<vmem>>
    %dma_start3A_13 = tpu.memref_squeeze %dma_start3A_12 : memref<1x128xi32, #tpu.memory_space<vmem>> -> memref<128xi32, #tpu.memory_space<vmem>>
    %dma_start3A_14 = arith.constant 0 : i32
    %dma_start3A_15 = arith.constant 0 : i32
    %dma_start3A_16 = tpu.memref_slice %arg2[%dma_start3A_14, %dma_start3A_15] : memref<10112x128xf32, #tpu.memory_space<hbm>> -> memref<10112x128xf32, #tpu.memory_space<hbm>>
    tpu.enqueue_indirect_dma source(%dma_start3A_16 : memref<10112x128xf32, #tpu.memory_space<hbm>>) target(%dma_start3A_10 : memref<128x128xf32, #tpu.memory_space<vmem>>) offsets(%dma_start3A_13 : memref<128xi32, #tpu.memory_space<vmem>>) semaphore(%arg18 : memref<!tpu.dma_semaphore, #tpu.memory_space<semaphore_mem>>)
    %dma_start3A_17 = arith.constant 1 : i32
    %dma_start3A_18 = arith.constant 1 : i32
    %dma_start3A_19 = arith.constant 0 : i32
    %dma_start3A_20 = arith.constant 0 : i32
    %dma_start3A_21 = tpu.memref_slice %arg17[%dma_start3A_18, %dma_start3A_19, %dma_start3A_20] : memref<4x128x128xf32, #tpu.memory_space<vmem>> -> memref<1x128x128xf32, #tpu.memory_space<vmem>>
    %dma_start3A_22 = tpu.memref_squeeze %dma_start3A_21 : memref<1x128x128xf32, #tpu.memory_space<vmem>> -> memref<128x128xf32, #tpu.memory_space<vmem>>
    %dma_start3A_23 = arith.constant 0 : i32
    %dma_start3A_24 = tpu.memref_slice %arg11[%dma_start3A_17, %dma_start3A_23] : memref<82x128xi32, #tpu.memory_space<vmem>> -> memref<1x128xi32, #tpu.memory_space<vmem>>
    %dma_start3A_25 = tpu.memref_squeeze %dma_start3A_24 : memref<1x128xi32, #tpu.memory_space<vmem>> -> memref<128xi32, #tpu.memory_space<vmem>>
    %dma_start3A_26 = arith.constant 0 : i32
    %dma_start3A_27 = arith.constant 0 : i32
    %dma_start3A_28 = tpu.memref_slice %arg2[%dma_start3A_26, %dma_start3A_27] : memref<10112x128xf32, #tpu.memory_space<hbm>> -> memref<10112x128xf32, #tpu.memory_space<hbm>>
    tpu.enqueue_indirect_dma source(%dma_start3A_28 : memref<10112x128xf32, #tpu.memory_space<hbm>>) target(%dma_start3A_22 : memref<128x128xf32, #tpu.memory_space<vmem>>) offsets(%dma_start3A_25 : memref<128xi32, #tpu.memory_space<vmem>>) semaphore(%arg19 : memref<!tpu.dma_semaphore, #tpu.memory_space<semaphore_mem>>)
    %scan3A = arith.constant 0 : i32
    %scan3A_29 = arith.constant 0 : i32
    %scan3A_30 = arith.constant 41 : i32
    %scan3A_31 = arith.addi %scan3A_29, %scan3A_30 : i32
    %scan3A_32 = arith.constant 1 : i32
    scf.for %scan3A_63 = %scan3A_29 to %scan3A_31 step %scan3A_32  : i32 {
      %rem3A = arith.constant 2 : i32
      %rem3A_64 = arith.remsi %scan3A_63, %rem3A : i32
      %mul3A_65 = arith.constant 2 : i32
      %mul3A_66 = arith.muli %rem3A_64, %mul3A_65 : i32
      %add3A_67 = arith.constant 1 : i32
      %add3A_68 = arith.addi %scan3A_63, %add3A_67 : i32
      %rem3A_69 = arith.constant 2 : i32
      %rem3A_70 = arith.remsi %add3A_68, %rem3A_69 : i32
      %mul3A_71 = arith.constant 2 : i32
      %mul3A_72 = arith.muli %rem3A_70, %mul3A_71 : i32
      %mul3A_73 = arith.constant 2 : i32
      %mul3A_74 = arith.muli %scan3A_63, %mul3A_73 : i32
      %dma_wait3A_75 = arith.constant 0 : i32
      %dma_wait3A_76 = arith.constant 0 : i32
      %dma_wait3A_77 = tpu.memref_slice %arg17[%mul3A_66, %dma_wait3A_75, %dma_wait3A_76] : memref<4x128x128xf32, #tpu.memory_space<vmem>> -> memref<1x128x128xf32, #tpu.memory_space<vmem>>
      %dma_wait3A_78 = tpu.memref_squeeze %dma_wait3A_77 : memref<1x128x128xf32, #tpu.memory_space<vmem>> -> memref<128x128xf32, #tpu.memory_space<vmem>>
      %dma_wait3A_79 = arith.constant 0 : i32
      %dma_wait3A_80 = tpu.memref_slice %arg11[%mul3A_74, %dma_wait3A_79] : memref<82x128xi32, #tpu.memory_space<vmem>> -> memref<1x128xi32, #tpu.memory_space<vmem>>
      %dma_wait3A_81 = tpu.memref_squeeze %dma_wait3A_80 : memref<1x128xi32, #tpu.memory_space<vmem>> -> memref<128xi32, #tpu.memory_space<vmem>>
      %dma_wait3A_82 = arith.constant 0 : i32
      %dma_wait3A_83 = arith.constant 0 : i32
      %dma_wait3A_84 = tpu.memref_slice %arg2[%dma_wait3A_82, %dma_wait3A_83] : memref<10112x128xf32, #tpu.memory_space<hbm>> -> memref<10112x128xf32, #tpu.memory_space<hbm>>
      tpu.wait_indirect_dma semaphore(%arg18 : memref<!tpu.dma_semaphore, #tpu.memory_space<semaphore_mem>>) src(%dma_wait3A_84 : memref<10112x128xf32, #tpu.memory_space<hbm>>) dst(%dma_wait3A_78 : memref<128x128xf32, #tpu.memory_space<vmem>>)
      %ge3A = arith.constant 2 : i32
      %ge3A_85 = arith.cmpi sge, %mul3A_74, %ge3A : i32
      %convert_element_type3A = arith.extui %ge3A_85 : i1 to i32
      %cond3A = arith.constant 0 : i32
      %cond3A_86 = arith.cmpi ne, %convert_element_type3A, %cond3A : i32
      scf.if %cond3A_86 {
        %dma_wait3A_428 = arith.constant 0 : i32
        %dma_wait3A_429 = arith.constant 0 : i32
        %dma_wait3A_430 = tpu.memref_slice %arg17[%mul3A_66, %dma_wait3A_428, %dma_wait3A_429] : memref<4x128x128xf32, #tpu.memory_space<vmem>> -> memref<1x128x128xf32, #tpu.memory_space<vmem>>
        %dma_wait3A_431 = tpu.memref_squeeze %dma_wait3A_430 : memref<1x128x128xf32, #tpu.memory_space<vmem>> -> memref<128x128xf32, #tpu.memory_space<vmem>>
        %dma_wait3A_432 = arith.constant 0 : i32
        %dma_wait3A_433 = arith.constant 0 : i32
        %dma_wait3A_434 = tpu.memref_slice %arg9[%dma_wait3A_432, %dma_wait3A_433] : memref<10496x128xf32, #tpu.memory_space<hbm>> -> memref<128x128xf32, #tpu.memory_space<hbm>>
        %dma_wait3A_435 = arith.constant 0 : i32
        %dma_wait3A_436 = arith.constant 0 : i32
        %dma_wait3A_437 = tpu.memref_slice %arg9[%dma_wait3A_435, %dma_wait3A_436] : memref<10496x128xf32, #tpu.memory_space<hbm>> -> memref<128x128xf32, #tpu.memory_space<hbm>>
        %dma_wait3A_438 = arith.constant 0 : i32
        %dma_wait3A_439 = arith.constant 0 : i32
        %dma_wait3A_440 = tpu.memref_slice %arg17[%mul3A_66, %dma_wait3A_438, %dma_wait3A_439] : memref<4x128x128xf32, #tpu.memory_space<vmem>> -> memref<1x128x128xf32, #tpu.memory_space<vmem>>
        %dma_wait3A_441 = tpu.memref_squeeze %dma_wait3A_440 : memref<1x128x128xf32, #tpu.memory_space<vmem>> -> memref<128x128xf32, #tpu.memory_space<vmem>>
        tpu.wait_dma2 semaphore(%arg20 : memref<!tpu.dma_semaphore, #tpu.memory_space<semaphore_mem>>) src(%dma_wait3A_441 : memref<128x128xf32, #tpu.memory_space<vmem>>) dst(%dma_wait3A_437 : memref<128x128xf32, #tpu.memory_space<hbm>>)
      } else {
      }
      %lt3A = arith.constant 31 : i32
      %lt3A_87 = arith.cmpi slt, %add3A, %lt3A : i32
      %lt3A_88 = arith.constant 36 : i32
      %lt3A_89 = arith.cmpi slt, %mul3A_74, %lt3A_88 : i32
      %or3A = arith.ori %lt3A_87, %lt3A_89 : i1
      %convert_element_type3A_90 = arith.extui %or3A : i1 to i32
      %cond3A_91 = arith.constant 0 : i32
      %cond3A_92 = arith.cmpi ne, %convert_element_type3A_90, %cond3A_91 : i32
      scf.if %cond3A_92 {
        %mul3A_428 = arith.constant 128 : i32
        %mul3A_429 = arith.muli %mul3A_74, %mul3A_428 : i32
        %add3A_430 = arith.addi %mul3A_2, %mul3A_429 : i32
        %dma_start3A_431 = arith.constant 0 : i32
        %dma_start3A_432 = arith.constant 0 : i32
        %dma_start3A_433 = tpu.memref_slice %arg17[%mul3A_66, %dma_start3A_431, %dma_start3A_432] : memref<4x128x128xf32, #tpu.memory_space<vmem>> -> memref<1x128x128xf32, #tpu.memory_space<vmem>>
        %dma_start3A_434 = tpu.memref_squeeze %dma_start3A_433 : memref<1x128x128xf32, #tpu.memory_space<vmem>> -> memref<128x128xf32, #tpu.memory_space<vmem>>
        %dma_start3A_435 = arith.constant 0 : i32
        %dma_start3A_436 = tpu.memref_slice %arg7[%add3A_430, %dma_start3A_435] : memref<330000x128xf32, #tpu.memory_space<hbm>> -> memref<128x128xf32, #tpu.memory_space<hbm>>
        %dma_start3A_437 = arith.constant 0 : i32
        %dma_start3A_438 = tpu.memref_slice %arg7[%add3A_430, %dma_start3A_437] : memref<330000x128xf32, #tpu.memory_space<hbm>> -> memref<128x128xf32, #tpu.memory_space<hbm>>
        %dma_start3A_439 = arith.constant 0 : i32
        %dma_start3A_440 = arith.constant 0 : i32
        %dma_start3A_441 = tpu.memref_slice %arg17[%mul3A_66, %dma_start3A_439, %dma_start3A_440] : memref<4x128x128xf32, #tpu.memory_space<vmem>> -> memref<1x128x128xf32, #tpu.memory_space<vmem>>
        %dma_start3A_442 = tpu.memref_squeeze %dma_start3A_441 : memref<1x128x128xf32, #tpu.memory_space<vmem>> -> memref<128x128xf32, #tpu.memory_space<vmem>>
        tpu.enqueue_dma source(%dma_start3A_442 : memref<128x128xf32, #tpu.memory_space<vmem>>) target(%dma_start3A_438 : memref<128x128xf32, #tpu.memory_space<hbm>>) target_semaphore(%arg20 : memref<!tpu.dma_semaphore, #tpu.memory_space<semaphore_mem>>)
      } else {
      }
      %not3A = arith.constant true
      %not3A_93 = arith.xori %or3A, %not3A : i1
      %convert_element_type3A_94 = arith.extui %not3A_93 : i1 to i32
      %cond3A_95 = arith.constant 0 : i32
      %cond3A_96 = arith.cmpi ne, %convert_element_type3A_94, %cond3A_95 : i32
      scf.if %cond3A_96 {
        %mul3A_428 = arith.constant 128 : i32
        %mul3A_429 = arith.muli %mul3A_74, %mul3A_428 : i32
        %dma_start3A_430 = arith.constant 0 : i32
        %dma_start3A_431 = arith.constant 0 : i32
        %dma_start3A_432 = tpu.memref_slice %arg17[%mul3A_66, %dma_start3A_430, %dma_start3A_431] : memref<4x128x128xf32, #tpu.memory_space<vmem>> -> memref<1x128x128xf32, #tpu.memory_space<vmem>>
        %dma_start3A_433 = tpu.memref_squeeze %dma_start3A_432 : memref<1x128x128xf32, #tpu.memory_space<vmem>> -> memref<128x128xf32, #tpu.memory_space<vmem>>
        %dma_start3A_434 = arith.constant 0 : i32
        %dma_start3A_435 = tpu.memref_slice %arg9[%mul3A_429, %dma_start3A_434] : memref<10496x128xf32, #tpu.memory_space<hbm>> -> memref<128x128xf32, #tpu.memory_space<hbm>>
        %dma_start3A_436 = arith.constant 0 : i32
        %dma_start3A_437 = tpu.memref_slice %arg9[%mul3A_429, %dma_start3A_436] : memref<10496x128xf32, #tpu.memory_space<hbm>> -> memref<128x128xf32, #tpu.memory_space<hbm>>
        %dma_start3A_438 = arith.constant 0 : i32
        %dma_start3A_439 = arith.constant 0 : i32
        %dma_start3A_440 = tpu.memref_slice %arg17[%mul3A_66, %dma_start3A_438, %dma_start3A_439] : memref<4x128x128xf32, #tpu.memory_space<vmem>> -> memref<1x128x128xf32, #tpu.memory_space<vmem>>
        %dma_start3A_441 = tpu.memref_squeeze %dma_start3A_440 : memref<1x128x128xf32, #tpu.memory_space<vmem>> -> memref<128x128xf32, #tpu.memory_space<vmem>>
        tpu.enqueue_dma source(%dma_start3A_441 : memref<128x128xf32, #tpu.memory_space<vmem>>) target(%dma_start3A_437 : memref<128x128xf32, #tpu.memory_space<hbm>>) target_semaphore(%arg20 : memref<!tpu.dma_semaphore, #tpu.memory_space<semaphore_mem>>)
      } else {
      }
      %eq3A = arith.constant 31 : i32
      %eq3A_97 = arith.cmpi eq, %add3A, %eq3A : i32
      %eq3A_98 = arith.constant 36 : i32
      %eq3A_99 = arith.cmpi eq, %mul3A_74, %eq3A_98 : i32
      %and3A = arith.andi %eq3A_97, %eq3A_99 : i1
      %convert_element_type3A_100 = arith.extui %and3A : i1 to i32
      %cond3A_101 = arith.constant 0 : i32
      %cond3A_102 = arith.cmpi ne, %convert_element_type3A_100, %cond3A_101 : i32
      scf.if %cond3A_102 {
        %mul3A_428 = arith.constant 128 : i32
        %mul3A_429 = arith.muli %mul3A_74, %mul3A_428 : i32
        %add3A_430 = arith.addi %mul3A_2, %mul3A_429 : i32
        "tpu.region"() ({
          %run_scoped3A = tpu.sem_alloc : memref<!tpu.dma_semaphore, #tpu.memory_space<semaphore_mem>>
          %dma_start3A_431 = arith.constant 0 : i32
          %dma_start3A_432 = arith.constant 0 : i32
          %dma_start3A_433 = tpu.memref_slice %arg17[%mul3A_66, %dma_start3A_431, %dma_start3A_432] : memref<4x128x128xf32, #tpu.memory_space<vmem>> -> memref<1x16x128xf32, #tpu.memory_space<vmem>>
          %dma_start3A_434 = tpu.memref_squeeze %dma_start3A_433 : memref<1x16x128xf32, #tpu.memory_space<vmem>> -> memref<16x128xf32, #tpu.memory_space<vmem>>
          %dma_start3A_435 = arith.constant 0 : i32
          %dma_start3A_436 = tpu.memref_slice %arg7[%add3A_430, %dma_start3A_435] : memref<330000x128xf32, #tpu.memory_space<hbm>> -> memref<16x128xf32, #tpu.memory_space<hbm>>
          %dma_start3A_437 = arith.constant 0 : i32
          %dma_start3A_438 = tpu.memref_slice %arg7[%add3A_430, %dma_start3A_437] : memref<330000x128xf32, #tpu.memory_space<hbm>> -> memref<16x128xf32, #tpu.memory_space<hbm>>
          %dma_start3A_439 = arith.constant 0 : i32
          %dma_start3A_440 = arith.constant 0 : i32
          %dma_start3A_441 = tpu.memref_slice %arg17[%mul3A_66, %dma_start3A_439, %dma_start3A_440] : memref<4x128x128xf32, #tpu.memory_space<vmem>> -> memref<1x16x128xf32, #tpu.memory_space<vmem>>
          %dma_start3A_442 = tpu.memref_squeeze %dma_start3A_441 : memref<1x16x128xf32, #tpu.memory_space<vmem>> -> memref<16x128xf32, #tpu.memory_space<vmem>>
          tpu.enqueue_dma source(%dma_start3A_442 : memref<16x128xf32, #tpu.memory_space<vmem>>) target(%dma_start3A_438 : memref<16x128xf32, #tpu.memory_space<hbm>>) target_semaphore(%run_scoped3A : memref<!tpu.dma_semaphore, #tpu.memory_space<semaphore_mem>>)
          %dma_wait3A_443 = arith.constant 0 : i32
          %dma_wait3A_444 = arith.constant 0 : i32
          %dma_wait3A_445 = tpu.memref_slice %arg17[%mul3A_66, %dma_wait3A_443, %dma_wait3A_444] : memref<4x128x128xf32, #tpu.memory_space<vmem>> -> memref<1x16x128xf32, #tpu.memory_space<vmem>>
          %dma_wait3A_446 = tpu.memref_squeeze %dma_wait3A_445 : memref<1x16x128xf32, #tpu.memory_space<vmem>> -> memref<16x128xf32, #tpu.memory_space<vmem>>
          %dma_wait3A_447 = arith.constant 0 : i32
          %dma_wait3A_448 = tpu.memref_slice %arg7[%add3A_430, %dma_wait3A_447] : memref<330000x128xf32, #tpu.memory_space<hbm>> -> memref<16x128xf32, #tpu.memory_space<hbm>>
          %dma_wait3A_449 = arith.constant 0 : i32
          %dma_wait3A_450 = tpu.memref_slice %arg7[%add3A_430, %dma_wait3A_449] : memref<330000x128xf32, #tpu.memory_space<hbm>> -> memref<16x128xf32, #tpu.memory_space<hbm>>
          %dma_wait3A_451 = arith.constant 0 : i32
          %dma_wait3A_452 = arith.constant 0 : i32
          %dma_wait3A_453 = tpu.memref_slice %arg17[%mul3A_66, %dma_wait3A_451, %dma_wait3A_452] : memref<4x128x128xf32, #tpu.memory_space<vmem>> -> memref<1x16x128xf32, #tpu.memory_space<vmem>>
          %dma_wait3A_454 = tpu.memref_squeeze %dma_wait3A_453 : memref<1x16x128xf32, #tpu.memory_space<vmem>> -> memref<16x128xf32, #tpu.memory_space<vmem>>
          tpu.wait_dma2 semaphore(%run_scoped3A : memref<!tpu.dma_semaphore, #tpu.memory_space<semaphore_mem>>) src(%dma_wait3A_454 : memref<16x128xf32, #tpu.memory_space<vmem>>) dst(%dma_wait3A_450 : memref<16x128xf32, #tpu.memory_space<hbm>>)
          tpu.yield
        }) : () -> ()
      } else {
      }
      %add3A_103 = arith.constant 2 : i32
      %add3A_104 = arith.addi %mul3A_74, %add3A_103 : i32
      %lt3A_105 = arith.constant 82 : i32
      %lt3A_106 = arith.cmpi slt, %add3A_104, %lt3A_105 : i32
      %convert_element_type3A_107 = arith.extui %lt3A_106 : i1 to i32
      %cond3A_108 = arith.constant 0 : i32
      %cond3A_109 = arith.cmpi ne, %convert_element_type3A_107, %cond3A_108 : i32
      scf.if %cond3A_109 {
        %add3A_428 = arith.constant 2 : i32
        %add3A_429 = arith.addi %mul3A_74, %add3A_428 : i32
        %dma_start3A_430 = arith.constant 0 : i32
        %dma_start3A_431 = arith.constant 0 : i32
        %dma_start3A_432 = tpu.memref_slice %arg17[%mul3A_72, %dma_start3A_430, %dma_start3A_431] : memref<4x128x128xf32, #tpu.memory_space<vmem>> -> memref<1x128x128xf32, #tpu.memory_space<vmem>>
        %dma_start3A_433 = tpu.memref_squeeze %dma_start3A_432 : memref<1x128x128xf32, #tpu.memory_space<vmem>> -> memref<128x128xf32, #tpu.memory_space<vmem>>
        %dma_start3A_434 = arith.constant 0 : i32
        %dma_start3A_435 = tpu.memref_slice %arg11[%add3A_429, %dma_start3A_434] : memref<82x128xi32, #tpu.memory_space<vmem>> -> memref<1x128xi32, #tpu.memory_space<vmem>>
        %dma_start3A_436 = tpu.memref_squeeze %dma_start3A_435 : memref<1x128xi32, #tpu.memory_space<vmem>> -> memref<128xi32, #tpu.memory_space<vmem>>
        %dma_start3A_437 = arith.constant 0 : i32
        %dma_start3A_438 = arith.constant 0 : i32
        %dma_start3A_439 = tpu.memref_slice %arg2[%dma_start3A_437, %dma_start3A_438] : memref<10112x128xf32, #tpu.memory_space<hbm>> -> memref<10112x128xf32, #tpu.memory_space<hbm>>
        tpu.enqueue_indirect_dma source(%dma_start3A_439 : memref<10112x128xf32, #tpu.memory_space<hbm>>) target(%dma_start3A_433 : memref<128x128xf32, #tpu.memory_space<vmem>>) offsets(%dma_start3A_436 : memref<128xi32, #tpu.memory_space<vmem>>) semaphore(%arg18 : memref<!tpu.dma_semaphore, #tpu.memory_space<semaphore_mem>>)
      } else {
      }
      %get3A = arith.index_cast %mul3A_74 : i32 to index
      %get3A_110 = arith.constant 0 : index
      %get3A_111 = tpu.vector_load %arg11[%get3A, %get3A_110] {strides = array<i32>} : memref<82x128xi32, #tpu.memory_space<vmem>>, vector<16xi32>,
      %get3A_112 = arith.index_cast %mul3A_74 : i32 to index
      %get3A_113 = arith.constant 0 : index
      %get3A_114 = tpu.vector_load %arg12[%get3A_112, %get3A_113] {strides = array<i32>} : memref<82x128xi32, #tpu.memory_space<vmem>>, vector<16xi32>,
      %gather3A = tpu.vector_load_idx %arg13[%get3A_114] : memref<10112xf32, #tpu.memory_space<vmem>>[vector<16xi32>], vector<16xf32>,
      %gather3A_115 = tpu.vector_load_idx %arg14[%get3A_111] : memref<10112xf32, #tpu.memory_space<vmem>>[vector<16xi32>], vector<16xf32>,
      %add3A_116 = arith.addf %gather3A, %gather3A_115 : vector<16xf32>
      %mul3A_117 = arith.constant 0.00999999977 : f32
      %mul3A_118 = vector.broadcast %mul3A_117 : f32 to vector<16xf32>
      %mul3A_119 = arith.mulf %mul3A_118, %add3A_116 : vector<16xf32>
      %max3A = arith.maximumf %add3A_116, %mul3A_119 : vector<16xf32>
      %exp3A = math.exp %max3A : vector<16xf32>
      %swap3A = arith.index_cast %mul3A_74 : i32 to index
      %swap3A_120 = arith.constant 0 : index
      %swap3A_121 = tpu.vector_load %arg15[%swap3A, %swap3A_120] {strides = array<i32>} : memref<82x128xf32, #tpu.memory_space<vmem>>, vector<16xf32>,
      tpu.vector_store %arg15[%swap3A, %swap3A_120], %exp3A {strides = array<i32>} : memref<82x128xf32, #tpu.memory_space<vmem>>, vector<16xf32>,
      tpu.vector_store_idx %arg16[%get3A_114], %exp3A {add = true} : memref<10112xf32, #tpu.memory_space<vmem>>[vector<16xi32>], vector<16xf32>,
      %get3A_122 = arith.index_cast %mul3A_74 : i32 to index
      %get3A_123 = arith.constant 16 : index
      %get3A_124 = tpu.vector_load %arg11[%get3A_122, %get3A_123] {strides = array<i32>} : memref<82x128xi32, #tpu.memory_space<vmem>>, vector<16xi32>,
      %get3A_125 = arith.index_cast %mul3A_74 : i32 to index
      %get3A_126 = arith.constant 16 : index
      %get3A_127 = tpu.vector_load %arg12[%get3A_125, %get3A_126] {strides = array<i32>} : memref<82x128xi32, #tpu.memory_space<vmem>>, vector<16xi32>,
      %gather3A_128 = tpu.vector_load_idx %arg13[%get3A_127] : memref<10112xf32, #tpu.memory_space<vmem>>[vector<16xi32>], vector<16xf32>,
      %gather3A_129 = tpu.vector_load_idx %arg14[%get3A_124] : memref<10112xf32, #tpu.memory_space<vmem>>[vector<16xi32>], vector<16xf32>,
      %add3A_130 = arith.addf %gather3A_128, %gather3A_129 : vector<16xf32>
      %mul3A_131 = arith.constant 0.00999999977 : f32
      %mul3A_132 = vector.broadcast %mul3A_131 : f32 to vector<16xf32>
      %mul3A_133 = arith.mulf %mul3A_132, %add3A_130 : vector<16xf32>
      %max3A_134 = arith.maximumf %add3A_130, %mul3A_133 : vector<16xf32>
      %exp3A_135 = math.exp %max3A_134 : vector<16xf32>
      %swap3A_136 = arith.index_cast %mul3A_74 : i32 to index
      %swap3A_137 = arith.constant 16 : index
      %swap3A_138 = tpu.vector_load %arg15[%swap3A_136, %swap3A_137] {strides = array<i32>} : memref<82x128xf32, #tpu.memory_space<vmem>>, vector<16xf32>,
      tpu.vector_store %arg15[%swap3A_136, %swap3A_137], %exp3A_135 {strides = array<i32>} : memref<82x128xf32, #tpu.memory_space<vmem>>, vector<16xf32>,
      tpu.vector_store_idx %arg16[%get3A_127], %exp3A_135 {add = true} : memref<10112xf32, #tpu.memory_space<vmem>>[vector<16xi32>], vector<16xf32>,
      %get3A_139 = arith.index_cast %mul3A_74 : i32 to index
      %get3A_140 = arith.constant 32 : index
      %get3A_141 = tpu.vector_load %arg11[%get3A_139, %get3A_140] {strides = array<i32>} : memref<82x128xi32, #tpu.memory_space<vmem>>, vector<16xi32>,
      %get3A_142 = arith.index_cast %mul3A_74 : i32 to index
      %get3A_143 = arith.constant 32 : index
      %get3A_144 = tpu.vector_load %arg12[%get3A_142, %get3A_143] {strides = array<i32>} : memref<82x128xi32, #tpu.memory_space<vmem>>, vector<16xi32>,
      %gather3A_145 = tpu.vector_load_idx %arg13[%get3A_144] : memref<10112xf32, #tpu.memory_space<vmem>>[vector<16xi32>], vector<16xf32>,
      %gather3A_146 = tpu.vector_load_idx %arg14[%get3A_141] : memref<10112xf32, #tpu.memory_space<vmem>>[vector<16xi32>], vector<16xf32>,
      %add3A_147 = arith.addf %gather3A_145, %gather3A_146 : vector<16xf32>
      %mul3A_148 = arith.constant 0.00999999977 : f32
      %mul3A_149 = vector.broadcast %mul3A_148 : f32 to vector<16xf32>
      %mul3A_150 = arith.mulf %mul3A_149, %add3A_147 : vector<16xf32>
      %max3A_151 = arith.maximumf %add3A_147, %mul3A_150 : vector<16xf32>
      %exp3A_152 = math.exp %max3A_151 : vector<16xf32>
      %swap3A_153 = arith.index_cast %mul3A_74 : i32 to index
      %swap3A_154 = arith.constant 32 : index
      %swap3A_155 = tpu.vector_load %arg15[%swap3A_153, %swap3A_154] {strides = array<i32>} : memref<82x128xf32, #tpu.memory_space<vmem>>, vector<16xf32>,
      tpu.vector_store %arg15[%swap3A_153, %swap3A_154], %exp3A_152 {strides = array<i32>} : memref<82x128xf32, #tpu.memory_space<vmem>>, vector<16xf32>,
      tpu.vector_store_idx %arg16[%get3A_144], %exp3A_152 {add = true} : memref<10112xf32, #tpu.memory_space<vmem>>[vector<16xi32>], vector<16xf32>,
      %get3A_156 = arith.index_cast %mul3A_74 : i32 to index
      %get3A_157 = arith.constant 48 : index
      %get3A_158 = tpu.vector_load %arg11[%get3A_156, %get3A_157] {strides = array<i32>} : memref<82x128xi32, #tpu.memory_space<vmem>>, vector<16xi32>,
      %get3A_159 = arith.index_cast %mul3A_74 : i32 to index
      %get3A_160 = arith.constant 48 : index
      %get3A_161 = tpu.vector_load %arg12[%get3A_159, %get3A_160] {strides = array<i32>} : memref<82x128xi32, #tpu.memory_space<vmem>>, vector<16xi32>,
      %gather3A_162 = tpu.vector_load_idx %arg13[%get3A_161] : memref<10112xf32, #tpu.memory_space<vmem>>[vector<16xi32>], vector<16xf32>,
      %gather3A_163 = tpu.vector_load_idx %arg14[%get3A_158] : memref<10112xf32, #tpu.memory_space<vmem>>[vector<16xi32>], vector<16xf32>,
      %add3A_164 = arith.addf %gather3A_162, %gather3A_163 : vector<16xf32>
      %mul3A_165 = arith.constant 0.00999999977 : f32
      %mul3A_166 = vector.broadcast %mul3A_165 : f32 to vector<16xf32>
      %mul3A_167 = arith.mulf %mul3A_166, %add3A_164 : vector<16xf32>
      %max3A_168 = arith.maximumf %add3A_164, %mul3A_167 : vector<16xf32>
      %exp3A_169 = math.exp %max3A_168 : vector<16xf32>
      %swap3A_170 = arith.index_cast %mul3A_74 : i32 to index
      %swap3A_171 = arith.constant 48 : index
      %swap3A_172 = tpu.vector_load %arg15[%swap3A_170, %swap3A_171] {strides = array<i32>} : memref<82x128xf32, #tpu.memory_space<vmem>>, vector<16xf32>,
      tpu.vector_store %arg15[%swap3A_170, %swap3A_171], %exp3A_169 {strides = array<i32>} : memref<82x128xf32, #tpu.memory_space<vmem>>, vector<16xf32>,
      tpu.vector_store_idx %arg16[%get3A_161], %exp3A_169 {add = true} : memref<10112xf32, #tpu.memory_space<vmem>>[vector<16xi32>], vector<16xf32>,
      %get3A_173 = arith.index_cast %mul3A_74 : i32 to index
      %get3A_174 = arith.constant 64 : index
      %get3A_175 = tpu.vector_load %arg11[%get3A_173, %get3A_174] {strides = array<i32>} : memref<82x128xi32, #tpu.memory_space<vmem>>, vector<16xi32>,
      %get3A_176 = arith.index_cast %mul3A_74 : i32 to index
      %get3A_177 = arith.constant 64 : index
      %get3A_178 = tpu.vector_load %arg12[%get3A_176, %get3A_177] {strides = array<i32>} : memref<82x128xi32, #tpu.memory_space<vmem>>, vector<16xi32>,
      %gather3A_179 = tpu.vector_load_idx %arg13[%get3A_178] : memref<10112xf32, #tpu.memory_space<vmem>>[vector<16xi32>], vector<16xf32>,
      %gather3A_180 = tpu.vector_load_idx %arg14[%get3A_175] : memref<10112xf32, #tpu.memory_space<vmem>>[vector<16xi32>], vector<16xf32>,
      %add3A_181 = arith.addf %gather3A_179, %gather3A_180 : vector<16xf32>
      %mul3A_182 = arith.constant 0.00999999977 : f32
      %mul3A_183 = vector.broadcast %mul3A_182 : f32 to vector<16xf32>
      %mul3A_184 = arith.mulf %mul3A_183, %add3A_181 : vector<16xf32>
      %max3A_185 = arith.maximumf %add3A_181, %mul3A_184 : vector<16xf32>
      %exp3A_186 = math.exp %max3A_185 : vector<16xf32>
      %swap3A_187 = arith.index_cast %mul3A_74 : i32 to index
      %swap3A_188 = arith.constant 64 : index
      %swap3A_189 = tpu.vector_load %arg15[%swap3A_187, %swap3A_188] {strides = array<i32>} : memref<82x128xf32, #tpu.memory_space<vmem>>, vector<16xf32>,
      tpu.vector_store %arg15[%swap3A_187, %swap3A_188], %exp3A_186 {strides = array<i32>} : memref<82x128xf32, #tpu.memory_space<vmem>>, vector<16xf32>,
      tpu.vector_store_idx %arg16[%get3A_178], %exp3A_186 {add = true} : memref<10112xf32, #tpu.memory_space<vmem>>[vector<16xi32>], vector<16xf32>,
      %get3A_190 = arith.index_cast %mul3A_74 : i32 to index
      %get3A_191 = arith.constant 80 : index
      %get3A_192 = tpu.vector_load %arg11[%get3A_190, %get3A_191] {strides = array<i32>} : memref<82x128xi32, #tpu.memory_space<vmem>>, vector<16xi32>,
      %get3A_193 = arith.index_cast %mul3A_74 : i32 to index
      %get3A_194 = arith.constant 80 : index
      %get3A_195 = tpu.vector_load %arg12[%get3A_193, %get3A_194] {strides = array<i32>} : memref<82x128xi32, #tpu.memory_space<vmem>>, vector<16xi32>,
      %gather3A_196 = tpu.vector_load_idx %arg13[%get3A_195] : memref<10112xf32, #tpu.memory_space<vmem>>[vector<16xi32>], vector<16xf32>,
      %gather3A_197 = tpu.vector_load_idx %arg14[%get3A_192] : memref<10112xf32, #tpu.memory_space<vmem>>[vector<16xi32>], vector<16xf32>,
      %add3A_198 = arith.addf %gather3A_196, %gather3A_197 : vector<16xf32>
      %mul3A_199 = arith.constant 0.00999999977 : f32
      %mul3A_200 = vector.broadcast %mul3A_199 : f32 to vector<16xf32>
      %mul3A_201 = arith.mulf %mul3A_200, %add3A_198 : vector<16xf32>
      %max3A_202 = arith.maximumf %add3A_198, %mul3A_201 : vector<16xf32>
      %exp3A_203 = math.exp %max3A_202 : vector<16xf32>
      %swap3A_204 = arith.index_cast %mul3A_74 : i32 to index
      %swap3A_205 = arith.constant 80 : index
      %swap3A_206 = tpu.vector_load %arg15[%swap3A_204, %swap3A_205] {strides = array<i32>} : memref<82x128xf32, #tpu.memory_space<vmem>>, vector<16xf32>,
      tpu.vector_store %arg15[%swap3A_204, %swap3A_205], %exp3A_203 {strides = array<i32>} : memref<82x128xf32, #tpu.memory_space<vmem>>, vector<16xf32>,
      tpu.vector_store_idx %arg16[%get3A_195], %exp3A_203 {add = true} : memref<10112xf32, #tpu.memory_space<vmem>>[vector<16xi32>], vector<16xf32>,
      %get3A_207 = arith.index_cast %mul3A_74 : i32 to index
      %get3A_208 = arith.constant 96 : index
      %get3A_209 = tpu.vector_load %arg11[%get3A_207, %get3A_208] {strides = array<i32>} : memref<82x128xi32, #tpu.memory_space<vmem>>, vector<16xi32>,
      %get3A_210 = arith.index_cast %mul3A_74 : i32 to index
      %get3A_211 = arith.constant 96 : index
      %get3A_212 = tpu.vector_load %arg12[%get3A_210, %get3A_211] {strides = array<i32>} : memref<82x128xi32, #tpu.memory_space<vmem>>, vector<16xi32>,
      %gather3A_213 = tpu.vector_load_idx %arg13[%get3A_212] : memref<10112xf32, #tpu.memory_space<vmem>>[vector<16xi32>], vector<16xf32>,
      %gather3A_214 = tpu.vector_load_idx %arg14[%get3A_209] : memref<10112xf32, #tpu.memory_space<vmem>>[vector<16xi32>], vector<16xf32>,
      %add3A_215 = arith.addf %gather3A_213, %gather3A_214 : vector<16xf32>
      %mul3A_216 = arith.constant 0.00999999977 : f32
      %mul3A_217 = vector.broadcast %mul3A_216 : f32 to vector<16xf32>
      %mul3A_218 = arith.mulf %mul3A_217, %add3A_215 : vector<16xf32>
      %max3A_219 = arith.maximumf %add3A_215, %mul3A_218 : vector<16xf32>
      %exp3A_220 = math.exp %max3A_219 : vector<16xf32>
      %swap3A_221 = arith.index_cast %mul3A_74 : i32 to index
      %swap3A_222 = arith.constant 96 : index
      %swap3A_223 = tpu.vector_load %arg15[%swap3A_221, %swap3A_222] {strides = array<i32>} : memref<82x128xf32, #tpu.memory_space<vmem>>, vector<16xf32>,
      tpu.vector_store %arg15[%swap3A_221, %swap3A_222], %exp3A_220 {strides = array<i32>} : memref<82x128xf32, #tpu.memory_space<vmem>>, vector<16xf32>,
      tpu.vector_store_idx %arg16[%get3A_212], %exp3A_220 {add = true} : memref<10112xf32, #tpu.memory_space<vmem>>[vector<16xi32>], vector<16xf32>,
      %get3A_224 = arith.index_cast %mul3A_74 : i32 to index
      %get3A_225 = arith.constant 112 : index
      %get3A_226 = tpu.vector_load %arg11[%get3A_224, %get3A_225] {strides = array<i32>} : memref<82x128xi32, #tpu.memory_space<vmem>>, vector<16xi32>,
      %get3A_227 = arith.index_cast %mul3A_74 : i32 to index
      %get3A_228 = arith.constant 112 : index
      %get3A_229 = tpu.vector_load %arg12[%get3A_227, %get3A_228] {strides = array<i32>} : memref<82x128xi32, #tpu.memory_space<vmem>>, vector<16xi32>,
      %gather3A_230 = tpu.vector_load_idx %arg13[%get3A_229] : memref<10112xf32, #tpu.memory_space<vmem>>[vector<16xi32>], vector<16xf32>,
      %gather3A_231 = tpu.vector_load_idx %arg14[%get3A_226] : memref<10112xf32, #tpu.memory_space<vmem>>[vector<16xi32>], vector<16xf32>,
      %add3A_232 = arith.addf %gather3A_230, %gather3A_231 : vector<16xf32>
      %mul3A_233 = arith.constant 0.00999999977 : f32
      %mul3A_234 = vector.broadcast %mul3A_233 : f32 to vector<16xf32>
      %mul3A_235 = arith.mulf %mul3A_234, %add3A_232 : vector<16xf32>
      %max3A_236 = arith.maximumf %add3A_232, %mul3A_235 : vector<16xf32>
      %exp3A_237 = math.exp %max3A_236 : vector<16xf32>
      %swap3A_238 = arith.index_cast %mul3A_74 : i32 to index
      %swap3A_239 = arith.constant 112 : index
      %swap3A_240 = tpu.vector_load %arg15[%swap3A_238, %swap3A_239] {strides = array<i32>} : memref<82x128xf32, #tpu.memory_space<vmem>>, vector<16xf32>,
      tpu.vector_store %arg15[%swap3A_238, %swap3A_239], %exp3A_237 {strides = array<i32>} : memref<82x128xf32, #tpu.memory_space<vmem>>, vector<16xf32>,
      tpu.vector_store_idx %arg16[%get3A_229], %exp3A_237 {add = true} : memref<10112xf32, #tpu.memory_space<vmem>>[vector<16xi32>], vector<16xf32>,
      %mul3A_241 = arith.constant 2 : i32
      %mul3A_242 = arith.muli %scan3A_63, %mul3A_241 : i32
      %add3A_243 = arith.constant 1 : i32
      %add3A_244 = arith.addi %mul3A_242, %add3A_243 : i32
      %add3A_245 = arith.constant 1 : i32
      %add3A_246 = arith.addi %mul3A_66, %add3A_245 : i32
      %add3A_247 = arith.constant 1 : i32
      %add3A_248 = arith.addi %mul3A_72, %add3A_247 : i32
      %dma_wait3A_249 = arith.constant 0 : i32
      %dma_wait3A_250 = arith.constant 0 : i32
      %dma_wait3A_251 = tpu.memref_slice %arg17[%add3A_246, %dma_wait3A_249, %dma_wait3A_250] : memref<4x128x128xf32, #tpu.memory_space<vmem>> -> memref<1x128x128xf32, #tpu.memory_space<vmem>>
      %dma_wait3A_252 = tpu.memref_squeeze %dma_wait3A_251 : memref<1x128x128xf32, #tpu.memory_space<vmem>> -> memref<128x128xf32, #tpu.memory_space<vmem>>
      %dma_wait3A_253 = arith.constant 0 : i32
      %dma_wait3A_254 = tpu.memref_slice %arg11[%add3A_244, %dma_wait3A_253] : memref<82x128xi32, #tpu.memory_space<vmem>> -> memref<1x128xi32, #tpu.memory_space<vmem>>
      %dma_wait3A_255 = tpu.memref_squeeze %dma_wait3A_254 : memref<1x128xi32, #tpu.memory_space<vmem>> -> memref<128xi32, #tpu.memory_space<vmem>>
      %dma_wait3A_256 = arith.constant 0 : i32
      %dma_wait3A_257 = arith.constant 0 : i32
      %dma_wait3A_258 = tpu.memref_slice %arg2[%dma_wait3A_256, %dma_wait3A_257] : memref<10112x128xf32, #tpu.memory_space<hbm>> -> memref<10112x128xf32, #tpu.memory_space<hbm>>
      tpu.wait_indirect_dma semaphore(%arg19 : memref<!tpu.dma_semaphore, #tpu.memory_space<semaphore_mem>>) src(%dma_wait3A_258 : memref<10112x128xf32, #tpu.memory_space<hbm>>) dst(%dma_wait3A_252 : memref<128x128xf32, #tpu.memory_space<vmem>>)
      %ge3A_259 = arith.constant 2 : i32
      %ge3A_260 = arith.cmpi sge, %add3A_244, %ge3A_259 : i32
      %convert_element_type3A_261 = arith.extui %ge3A_260 : i1 to i32
      %cond3A_262 = arith.constant 0 : i32
      %cond3A_263 = arith.cmpi ne, %convert_element_type3A_261, %cond3A_262 : i32
      scf.if %cond3A_263 {
        %dma_wait3A_428 = arith.constant 0 : i32
        %dma_wait3A_429 = arith.constant 0 : i32
        %dma_wait3A_430 = tpu.memref_slice %arg17[%add3A_246, %dma_wait3A_428, %dma_wait3A_429] : memref<4x128x128xf32, #tpu.memory_space<vmem>> -> memref<1x128x128xf32, #tpu.memory_space<vmem>>
        %dma_wait3A_431 = tpu.memref_squeeze %dma_wait3A_430 : memref<1x128x128xf32, #tpu.memory_space<vmem>> -> memref<128x128xf32, #tpu.memory_space<vmem>>
        %dma_wait3A_432 = arith.constant 0 : i32
        %dma_wait3A_433 = arith.constant 0 : i32
        %dma_wait3A_434 = tpu.memref_slice %arg9[%dma_wait3A_432, %dma_wait3A_433] : memref<10496x128xf32, #tpu.memory_space<hbm>> -> memref<128x128xf32, #tpu.memory_space<hbm>>
        %dma_wait3A_435 = arith.constant 0 : i32
        %dma_wait3A_436 = arith.constant 0 : i32
        %dma_wait3A_437 = tpu.memref_slice %arg9[%dma_wait3A_435, %dma_wait3A_436] : memref<10496x128xf32, #tpu.memory_space<hbm>> -> memref<128x128xf32, #tpu.memory_space<hbm>>
        %dma_wait3A_438 = arith.constant 0 : i32
        %dma_wait3A_439 = arith.constant 0 : i32
        %dma_wait3A_440 = tpu.memref_slice %arg17[%add3A_246, %dma_wait3A_438, %dma_wait3A_439] : memref<4x128x128xf32, #tpu.memory_space<vmem>> -> memref<1x128x128xf32, #tpu.memory_space<vmem>>
        %dma_wait3A_441 = tpu.memref_squeeze %dma_wait3A_440 : memref<1x128x128xf32, #tpu.memory_space<vmem>> -> memref<128x128xf32, #tpu.memory_space<vmem>>
        tpu.wait_dma2 semaphore(%arg21 : memref<!tpu.dma_semaphore, #tpu.memory_space<semaphore_mem>>) src(%dma_wait3A_441 : memref<128x128xf32, #tpu.memory_space<vmem>>) dst(%dma_wait3A_437 : memref<128x128xf32, #tpu.memory_space<hbm>>)
      } else {
      }
      %lt3A_264 = arith.constant 31 : i32
      %lt3A_265 = arith.cmpi slt, %add3A, %lt3A_264 : i32
      %lt3A_266 = arith.constant 36 : i32
      %lt3A_267 = arith.cmpi slt, %add3A_244, %lt3A_266 : i32
      %or3A_268 = arith.ori %lt3A_265, %lt3A_267 : i1
      %convert_element_type3A_269 = arith.extui %or3A_268 : i1 to i32
      %cond3A_270 = arith.constant 0 : i32
      %cond3A_271 = arith.cmpi ne, %convert_element_type3A_269, %cond3A_270 : i32
      scf.if %cond3A_271 {
        %mul3A_428 = arith.constant 128 : i32
        %mul3A_429 = arith.muli %add3A_244, %mul3A_428 : i32
        %add3A_430 = arith.addi %mul3A_2, %mul3A_429 : i32
        %dma_start3A_431 = arith.constant 0 : i32
        %dma_start3A_432 = arith.constant 0 : i32
        %dma_start3A_433 = tpu.memref_slice %arg17[%add3A_246, %dma_start3A_431, %dma_start3A_432] : memref<4x128x128xf32, #tpu.memory_space<vmem>> -> memref<1x128x128xf32, #tpu.memory_space<vmem>>
        %dma_start3A_434 = tpu.memref_squeeze %dma_start3A_433 : memref<1x128x128xf32, #tpu.memory_space<vmem>> -> memref<128x128xf32, #tpu.memory_space<vmem>>
        %dma_start3A_435 = arith.constant 0 : i32
        %dma_start3A_436 = tpu.memref_slice %arg7[%add3A_430, %dma_start3A_435] : memref<330000x128xf32, #tpu.memory_space<hbm>> -> memref<128x128xf32, #tpu.memory_space<hbm>>
        %dma_start3A_437 = arith.constant 0 : i32
        %dma_start3A_438 = tpu.memref_slice %arg7[%add3A_430, %dma_start3A_437] : memref<330000x128xf32, #tpu.memory_space<hbm>> -> memref<128x128xf32, #tpu.memory_space<hbm>>
        %dma_start3A_439 = arith.constant 0 : i32
        %dma_start3A_440 = arith.constant 0 : i32
        %dma_start3A_441 = tpu.memref_slice %arg17[%add3A_246, %dma_start3A_439, %dma_start3A_440] : memref<4x128x128xf32, #tpu.memory_space<vmem>> -> memref<1x128x128xf32, #tpu.memory_space<vmem>>
        %dma_start3A_442 = tpu.memref_squeeze %dma_start3A_441 : memref<1x128x128xf32, #tpu.memory_space<vmem>> -> memref<128x128xf32, #tpu.memory_space<vmem>>
        tpu.enqueue_dma source(%dma_start3A_442 : memref<128x128xf32, #tpu.memory_space<vmem>>) target(%dma_start3A_438 : memref<128x128xf32, #tpu.memory_space<hbm>>) target_semaphore(%arg21 : memref<!tpu.dma_semaphore, #tpu.memory_space<semaphore_mem>>)
      } else {
      }
      %not3A_272 = arith.constant true
      %not3A_273 = arith.xori %or3A_268, %not3A_272 : i1
      %convert_element_type3A_274 = arith.extui %not3A_273 : i1 to i32
      %cond3A_275 = arith.constant 0 : i32
      %cond3A_276 = arith.cmpi ne, %convert_element_type3A_274, %cond3A_275 : i32
      scf.if %cond3A_276 {
        %mul3A_428 = arith.constant 128 : i32
        %mul3A_429 = arith.muli %add3A_244, %mul3A_428 : i32
        %dma_start3A_430 = arith.constant 0 : i32
        %dma_start3A_431 = arith.constant 0 : i32
        %dma_start3A_432 = tpu.memref_slice %arg17[%add3A_246, %dma_start3A_430, %dma_start3A_431] : memref<4x128x128xf32, #tpu.memory_space<vmem>> -> memref<1x128x128xf32, #tpu.memory_space<vmem>>
        %dma_start3A_433 = tpu.memref_squeeze %dma_start3A_432 : memref<1x128x128xf32, #tpu.memory_space<vmem>> -> memref<128x128xf32, #tpu.memory_space<vmem>>
        %dma_start3A_434 = arith.constant 0 : i32
        %dma_start3A_435 = tpu.memref_slice %arg9[%mul3A_429, %dma_start3A_434] : memref<10496x128xf32, #tpu.memory_space<hbm>> -> memref<128x128xf32, #tpu.memory_space<hbm>>
        %dma_start3A_436 = arith.constant 0 : i32
        %dma_start3A_437 = tpu.memref_slice %arg9[%mul3A_429, %dma_start3A_436] : memref<10496x128xf32, #tpu.memory_space<hbm>> -> memref<128x128xf32, #tpu.memory_space<hbm>>
        %dma_start3A_438 = arith.constant 0 : i32
        %dma_start3A_439 = arith.constant 0 : i32
        %dma_start3A_440 = tpu.memref_slice %arg17[%add3A_246, %dma_start3A_438, %dma_start3A_439] : memref<4x128x128xf32, #tpu.memory_space<vmem>> -> memref<1x128x128xf32, #tpu.memory_space<vmem>>
        %dma_start3A_441 = tpu.memref_squeeze %dma_start3A_440 : memref<1x128x128xf32, #tpu.memory_space<vmem>> -> memref<128x128xf32, #tpu.memory_space<vmem>>
        tpu.enqueue_dma source(%dma_start3A_441 : memref<128x128xf32, #tpu.memory_space<vmem>>) target(%dma_start3A_437 : memref<128x128xf32, #tpu.memory_space<hbm>>) target_semaphore(%arg21 : memref<!tpu.dma_semaphore, #tpu.memory_space<semaphore_mem>>)
      } else {
      }
      %eq3A_277 = arith.constant 31 : i32
      %eq3A_278 = arith.cmpi eq, %add3A, %eq3A_277 : i32
      %eq3A_279 = arith.constant 36 : i32
      %eq3A_280 = arith.cmpi eq, %add3A_244, %eq3A_279 : i32
      %and3A_281 = arith.andi %eq3A_278, %eq3A_280 : i1
      %convert_element_type3A_282 = arith.extui %and3A_281 : i1 to i32
      %cond3A_283 = arith.constant 0 : i32
      %cond3A_284 = arith.cmpi ne, %convert_element_type3A_282, %cond3A_283 : i32
      scf.if %cond3A_284 {
        %mul3A_428 = arith.constant 128 : i32
        %mul3A_429 = arith.muli %add3A_244, %mul3A_428 : i32
        %add3A_430 = arith.addi %mul3A_2, %mul3A_429 : i32
        "tpu.region"() ({
          %run_scoped3A = tpu.sem_alloc : memref<!tpu.dma_semaphore, #tpu.memory_space<semaphore_mem>>
          %dma_start3A_431 = arith.constant 0 : i32
          %dma_start3A_432 = arith.constant 0 : i32
          %dma_start3A_433 = tpu.memref_slice %arg17[%add3A_246, %dma_start3A_431, %dma_start3A_432] : memref<4x128x128xf32, #tpu.memory_space<vmem>> -> memref<1x16x128xf32, #tpu.memory_space<vmem>>
          %dma_start3A_434 = tpu.memref_squeeze %dma_start3A_433 : memref<1x16x128xf32, #tpu.memory_space<vmem>> -> memref<16x128xf32, #tpu.memory_space<vmem>>
          %dma_start3A_435 = arith.constant 0 : i32
          %dma_start3A_436 = tpu.memref_slice %arg7[%add3A_430, %dma_start3A_435] : memref<330000x128xf32, #tpu.memory_space<hbm>> -> memref<16x128xf32, #tpu.memory_space<hbm>>
          %dma_start3A_437 = arith.constant 0 : i32
          %dma_start3A_438 = tpu.memref_slice %arg7[%add3A_430, %dma_start3A_437] : memref<330000x128xf32, #tpu.memory_space<hbm>> -> memref<16x128xf32, #tpu.memory_space<hbm>>
          %dma_start3A_439 = arith.constant 0 : i32
          %dma_start3A_440 = arith.constant 0 : i32
          %dma_start3A_441 = tpu.memref_slice %arg17[%add3A_246, %dma_start3A_439, %dma_start3A_440] : memref<4x128x128xf32, #tpu.memory_space<vmem>> -> memref<1x16x128xf32, #tpu.memory_space<vmem>>
          %dma_start3A_442 = tpu.memref_squeeze %dma_start3A_441 : memref<1x16x128xf32, #tpu.memory_space<vmem>> -> memref<16x128xf32, #tpu.memory_space<vmem>>
          tpu.enqueue_dma source(%dma_start3A_442 : memref<16x128xf32, #tpu.memory_space<vmem>>) target(%dma_start3A_438 : memref<16x128xf32, #tpu.memory_space<hbm>>) target_semaphore(%run_scoped3A : memref<!tpu.dma_semaphore, #tpu.memory_space<semaphore_mem>>)
          %dma_wait3A_443 = arith.constant 0 : i32
          %dma_wait3A_444 = arith.constant 0 : i32
          %dma_wait3A_445 = tpu.memref_slice %arg17[%add3A_246, %dma_wait3A_443, %dma_wait3A_444] : memref<4x128x128xf32, #tpu.memory_space<vmem>> -> memref<1x16x128xf32, #tpu.memory_space<vmem>>
          %dma_wait3A_446 = tpu.memref_squeeze %dma_wait3A_445 : memref<1x16x128xf32, #tpu.memory_space<vmem>> -> memref<16x128xf32, #tpu.memory_space<vmem>>
          %dma_wait3A_447 = arith.constant 0 : i32
          %dma_wait3A_448 = tpu.memref_slice %arg7[%add3A_430, %dma_wait3A_447] : memref<330000x128xf32, #tpu.memory_space<hbm>> -> memref<16x128xf32, #tpu.memory_space<hbm>>
          %dma_wait3A_449 = arith.constant 0 : i32
          %dma_wait3A_450 = tpu.memref_slice %arg7[%add3A_430, %dma_wait3A_449] : memref<330000x128xf32, #tpu.memory_space<hbm>> -> memref<16x128xf32, #tpu.memory_space<hbm>>
          %dma_wait3A_451 = arith.constant 0 : i32
          %dma_wait3A_452 = arith.constant 0 : i32
          %dma_wait3A_453 = tpu.memref_slice %arg17[%add3A_246, %dma_wait3A_451, %dma_wait3A_452] : memref<4x128x128xf32, #tpu.memory_space<vmem>> -> memref<1x16x128xf32, #tpu.memory_space<vmem>>
          %dma_wait3A_454 = tpu.memref_squeeze %dma_wait3A_453 : memref<1x16x128xf32, #tpu.memory_space<vmem>> -> memref<16x128xf32, #tpu.memory_space<vmem>>
          tpu.wait_dma2 semaphore(%run_scoped3A : memref<!tpu.dma_semaphore, #tpu.memory_space<semaphore_mem>>) src(%dma_wait3A_454 : memref<16x128xf32, #tpu.memory_space<vmem>>) dst(%dma_wait3A_450 : memref<16x128xf32, #tpu.memory_space<hbm>>)
          tpu.yield
        }) : () -> ()
      } else {
      }
      %add3A_285 = arith.constant 2 : i32
      %add3A_286 = arith.addi %add3A_244, %add3A_285 : i32
      %lt3A_287 = arith.constant 82 : i32
      %lt3A_288 = arith.cmpi slt, %add3A_286, %lt3A_287 : i32
      %convert_element_type3A_289 = arith.extui %lt3A_288 : i1 to i32
      %cond3A_290 = arith.constant 0 : i32
      %cond3A_291 = arith.cmpi ne, %convert_element_type3A_289, %cond3A_290 : i32
      scf.if %cond3A_291 {
        %add3A_428 = arith.constant 2 : i32
        %add3A_429 = arith.addi %add3A_244, %add3A_428 : i32
        %dma_start3A_430 = arith.constant 0 : i32
        %dma_start3A_431 = arith.constant 0 : i32
        %dma_start3A_432 = tpu.memref_slice %arg17[%add3A_248, %dma_start3A_430, %dma_start3A_431] : memref<4x128x128xf32, #tpu.memory_space<vmem>> -> memref<1x128x128xf32, #tpu.memory_space<vmem>>
        %dma_start3A_433 = tpu.memref_squeeze %dma_start3A_432 : memref<1x128x128xf32, #tpu.memory_space<vmem>> -> memref<128x128xf32, #tpu.memory_space<vmem>>
        %dma_start3A_434 = arith.constant 0 : i32
        %dma_start3A_435 = tpu.memref_slice %arg11[%add3A_429, %dma_start3A_434] : memref<82x128xi32, #tpu.memory_space<vmem>> -> memref<1x128xi32, #tpu.memory_space<vmem>>
        %dma_start3A_436 = tpu.memref_squeeze %dma_start3A_435 : memref<1x128xi32, #tpu.memory_space<vmem>> -> memref<128xi32, #tpu.memory_space<vmem>>
        %dma_start3A_437 = arith.constant 0 : i32
        %dma_start3A_438 = arith.constant 0 : i32
        %dma_start3A_439 = tpu.memref_slice %arg2[%dma_start3A_437, %dma_start3A_438] : memref<10112x128xf32, #tpu.memory_space<hbm>> -> memref<10112x128xf32, #tpu.memory_space<hbm>>
        tpu.enqueue_indirect_dma source(%dma_start3A_439 : memref<10112x128xf32, #tpu.memory_space<hbm>>) target(%dma_start3A_433 : memref<128x128xf32, #tpu.memory_space<vmem>>) offsets(%dma_start3A_436 : memref<128xi32, #tpu.memory_space<vmem>>) semaphore(%arg19 : memref<!tpu.dma_semaphore, #tpu.memory_space<semaphore_mem>>)
      } else {
      }
      %get3A_292 = arith.index_cast %add3A_244 : i32 to index
      %get3A_293 = arith.constant 0 : index
      %get3A_294 = tpu.vector_load %arg11[%get3A_292, %get3A_293] {strides = array<i32>} : memref<82x128xi32, #tpu.memory_space<vmem>>, vector<16xi32>,
      %get3A_295 = arith.index_cast %add3A_244 : i32 to index
      %get3A_296 = arith.constant 0 : index
      %get3A_297 = tpu.vector_load %arg12[%get3A_295, %get3A_296] {strides = array<i32>} : memref<82x128xi32, #tpu.memory_space<vmem>>, vector<16xi32>,
      %gather3A_298 = tpu.vector_load_idx %arg13[%get3A_297] : memref<10112xf32, #tpu.memory_space<vmem>>[vector<16xi32>], vector<16xf32>,
      %gather3A_299 = tpu.vector_load_idx %arg14[%get3A_294] : memref<10112xf32, #tpu.memory_space<vmem>>[vector<16xi32>], vector<16xf32>,
      %add3A_300 = arith.addf %gather3A_298, %gather3A_299 : vector<16xf32>
      %mul3A_301 = arith.constant 0.00999999977 : f32
      %mul3A_302 = vector.broadcast %mul3A_301 : f32 to vector<16xf32>
      %mul3A_303 = arith.mulf %mul3A_302, %add3A_300 : vector<16xf32>
      %max3A_304 = arith.maximumf %add3A_300, %mul3A_303 : vector<16xf32>
      %exp3A_305 = math.exp %max3A_304 : vector<16xf32>
      %swap3A_306 = arith.index_cast %add3A_244 : i32 to index
      %swap3A_307 = arith.constant 0 : index
      %swap3A_308 = tpu.vector_load %arg15[%swap3A_306, %swap3A_307] {strides = array<i32>} : memref<82x128xf32, #tpu.memory_space<vmem>>, vector<16xf32>,
      tpu.vector_store %arg15[%swap3A_306, %swap3A_307], %exp3A_305 {strides = array<i32>} : memref<82x128xf32, #tpu.memory_space<vmem>>, vector<16xf32>,
      tpu.vector_store_idx %arg16[%get3A_297], %exp3A_305 {add = true} : memref<10112xf32, #tpu.memory_space<vmem>>[vector<16xi32>], vector<16xf32>,
      %get3A_309 = arith.index_cast %add3A_244 : i32 to index
      %get3A_310 = arith.constant 16 : index
      %get3A_311 = tpu.vector_load %arg11[%get3A_309, %get3A_310] {strides = array<i32>} : memref<82x128xi32, #tpu.memory_space<vmem>>, vector<16xi32>,
      %get3A_312 = arith.index_cast %add3A_244 : i32 to index
      %get3A_313 = arith.constant 16 : index
      %get3A_314 = tpu.vector_load %arg12[%get3A_312, %get3A_313] {strides = array<i32>} : memref<82x128xi32, #tpu.memory_space<vmem>>, vector<16xi32>,
      %gather3A_315 = tpu.vector_load_idx %arg13[%get3A_314] : memref<10112xf32, #tpu.memory_space<vmem>>[vector<16xi32>], vector<16xf32>,
      %gather3A_316 = tpu.vector_load_idx %arg14[%get3A_311] : memref<10112xf32, #tpu.memory_space<vmem>>[vector<16xi32>], vector<16xf32>,
      %add3A_317 = arith.addf %gather3A_315, %gather3A_316 : vector<16xf32>
      %mul3A_318 = arith.constant 0.00999999977 : f32
      %mul3A_319 = vector.broadcast %mul3A_318 : f32 to vector<16xf32>
      %mul3A_320 = arith.mulf %mul3A_319, %add3A_317 : vector<16xf32>
      %max3A_321 = arith.maximumf %add3A_317, %mul3A_320 : vector<16xf32>
      %exp3A_322 = math.exp %max3A_321 : vector<16xf32>
      %swap3A_323 = arith.index_cast %add3A_244 : i32 to index
      %swap3A_324 = arith.constant 16 : index
      %swap3A_325 = tpu.vector_load %arg15[%swap3A_323, %swap3A_324] {strides = array<i32>} : memref<82x128xf32, #tpu.memory_space<vmem>>, vector<16xf32>,
      tpu.vector_store %arg15[%swap3A_323, %swap3A_324], %exp3A_322 {strides = array<i32>} : memref<82x128xf32, #tpu.memory_space<vmem>>, vector<16xf32>,
      tpu.vector_store_idx %arg16[%get3A_314], %exp3A_322 {add = true} : memref<10112xf32, #tpu.memory_space<vmem>>[vector<16xi32>], vector<16xf32>,
      %get3A_326 = arith.index_cast %add3A_244 : i32 to index
      %get3A_327 = arith.constant 32 : index
      %get3A_328 = tpu.vector_load %arg11[%get3A_326, %get3A_327] {strides = array<i32>} : memref<82x128xi32, #tpu.memory_space<vmem>>, vector<16xi32>,
      %get3A_329 = arith.index_cast %add3A_244 : i32 to index
      %get3A_330 = arith.constant 32 : index
      %get3A_331 = tpu.vector_load %arg12[%get3A_329, %get3A_330] {strides = array<i32>} : memref<82x128xi32, #tpu.memory_space<vmem>>, vector<16xi32>,
      %gather3A_332 = tpu.vector_load_idx %arg13[%get3A_331] : memref<10112xf32, #tpu.memory_space<vmem>>[vector<16xi32>], vector<16xf32>,
      %gather3A_333 = tpu.vector_load_idx %arg14[%get3A_328] : memref<10112xf32, #tpu.memory_space<vmem>>[vector<16xi32>], vector<16xf32>,
      %add3A_334 = arith.addf %gather3A_332, %gather3A_333 : vector<16xf32>
      %mul3A_335 = arith.constant 0.00999999977 : f32
      %mul3A_336 = vector.broadcast %mul3A_335 : f32 to vector<16xf32>
      %mul3A_337 = arith.mulf %mul3A_336, %add3A_334 : vector<16xf32>
      %max3A_338 = arith.maximumf %add3A_334, %mul3A_337 : vector<16xf32>
      %exp3A_339 = math.exp %max3A_338 : vector<16xf32>
      %swap3A_340 = arith.index_cast %add3A_244 : i32 to index
      %swap3A_341 = arith.constant 32 : index
      %swap3A_342 = tpu.vector_load %arg15[%swap3A_340, %swap3A_341] {strides = array<i32>} : memref<82x128xf32, #tpu.memory_space<vmem>>, vector<16xf32>,
      tpu.vector_store %arg15[%swap3A_340, %swap3A_341], %exp3A_339 {strides = array<i32>} : memref<82x128xf32, #tpu.memory_space<vmem>>, vector<16xf32>,
      tpu.vector_store_idx %arg16[%get3A_331], %exp3A_339 {add = true} : memref<10112xf32, #tpu.memory_space<vmem>>[vector<16xi32>], vector<16xf32>,
      %get3A_343 = arith.index_cast %add3A_244 : i32 to index
      %get3A_344 = arith.constant 48 : index
      %get3A_345 = tpu.vector_load %arg11[%get3A_343, %get3A_344] {strides = array<i32>} : memref<82x128xi32, #tpu.memory_space<vmem>>, vector<16xi32>,
      %get3A_346 = arith.index_cast %add3A_244 : i32 to index
      %get3A_347 = arith.constant 48 : index
      %get3A_348 = tpu.vector_load %arg12[%get3A_346, %get3A_347] {strides = array<i32>} : memref<82x128xi32, #tpu.memory_space<vmem>>, vector<16xi32>,
      %gather3A_349 = tpu.vector_load_idx %arg13[%get3A_348] : memref<10112xf32, #tpu.memory_space<vmem>>[vector<16xi32>], vector<16xf32>,
      %gather3A_350 = tpu.vector_load_idx %arg14[%get3A_345] : memref<10112xf32, #tpu.memory_space<vmem>>[vector<16xi32>], vector<16xf32>,
      %add3A_351 = arith.addf %gather3A_349, %gather3A_350 : vector<16xf32>
      %mul3A_352 = arith.constant 0.00999999977 : f32
      %mul3A_353 = vector.broadcast %mul3A_352 : f32 to vector<16xf32>
      %mul3A_354 = arith.mulf %mul3A_353, %add3A_351 : vector<16xf32>
      %max3A_355 = arith.maximumf %add3A_351, %mul3A_354 : vector<16xf32>
      %exp3A_356 = math.exp %max3A_355 : vector<16xf32>
      %swap3A_357 = arith.index_cast %add3A_244 : i32 to index
      %swap3A_358 = arith.constant 48 : index
      %swap3A_359 = tpu.vector_load %arg15[%swap3A_357, %swap3A_358] {strides = array<i32>} : memref<82x128xf32, #tpu.memory_space<vmem>>, vector<16xf32>,
      tpu.vector_store %arg15[%swap3A_357, %swap3A_358], %exp3A_356 {strides = array<i32>} : memref<82x128xf32, #tpu.memory_space<vmem>>, vector<16xf32>,
      tpu.vector_store_idx %arg16[%get3A_348], %exp3A_356 {add = true} : memref<10112xf32, #tpu.memory_space<vmem>>[vector<16xi32>], vector<16xf32>,
      %get3A_360 = arith.index_cast %add3A_244 : i32 to index
      %get3A_361 = arith.constant 64 : index
      %get3A_362 = tpu.vector_load %arg11[%get3A_360, %get3A_361] {strides = array<i32>} : memref<82x128xi32, #tpu.memory_space<vmem>>, vector<16xi32>,
      %get3A_363 = arith.index_cast %add3A_244 : i32 to index
      %get3A_364 = arith.constant 64 : index
      %get3A_365 = tpu.vector_load %arg12[%get3A_363, %get3A_364] {strides = array<i32>} : memref<82x128xi32, #tpu.memory_space<vmem>>, vector<16xi32>,
      %gather3A_366 = tpu.vector_load_idx %arg13[%get3A_365] : memref<10112xf32, #tpu.memory_space<vmem>>[vector<16xi32>], vector<16xf32>,
      %gather3A_367 = tpu.vector_load_idx %arg14[%get3A_362] : memref<10112xf32, #tpu.memory_space<vmem>>[vector<16xi32>], vector<16xf32>,
      %add3A_368 = arith.addf %gather3A_366, %gather3A_367 : vector<16xf32>
      %mul3A_369 = arith.constant 0.00999999977 : f32
      %mul3A_370 = vector.broadcast %mul3A_369 : f32 to vector<16xf32>
      %mul3A_371 = arith.mulf %mul3A_370, %add3A_368 : vector<16xf32>
      %max3A_372 = arith.maximumf %add3A_368, %mul3A_371 : vector<16xf32>
      %exp3A_373 = math.exp %max3A_372 : vector<16xf32>
      %swap3A_374 = arith.index_cast %add3A_244 : i32 to index
      %swap3A_375 = arith.constant 64 : index
      %swap3A_376 = tpu.vector_load %arg15[%swap3A_374, %swap3A_375] {strides = array<i32>} : memref<82x128xf32, #tpu.memory_space<vmem>>, vector<16xf32>,
      tpu.vector_store %arg15[%swap3A_374, %swap3A_375], %exp3A_373 {strides = array<i32>} : memref<82x128xf32, #tpu.memory_space<vmem>>, vector<16xf32>,
      tpu.vector_store_idx %arg16[%get3A_365], %exp3A_373 {add = true} : memref<10112xf32, #tpu.memory_space<vmem>>[vector<16xi32>], vector<16xf32>,
      %get3A_377 = arith.index_cast %add3A_244 : i32 to index
      %get3A_378 = arith.constant 80 : index
      %get3A_379 = tpu.vector_load %arg11[%get3A_377, %get3A_378] {strides = array<i32>} : memref<82x128xi32, #tpu.memory_space<vmem>>, vector<16xi32>,
      %get3A_380 = arith.index_cast %add3A_244 : i32 to index
      %get3A_381 = arith.constant 80 : index
      %get3A_382 = tpu.vector_load %arg12[%get3A_380, %get3A_381] {strides = array<i32>} : memref<82x128xi32, #tpu.memory_space<vmem>>, vector<16xi32>,
      %gather3A_383 = tpu.vector_load_idx %arg13[%get3A_382] : memref<10112xf32, #tpu.memory_space<vmem>>[vector<16xi32>], vector<16xf32>,
      %gather3A_384 = tpu.vector_load_idx %arg14[%get3A_379] : memref<10112xf32, #tpu.memory_space<vmem>>[vector<16xi32>], vector<16xf32>,
      %add3A_385 = arith.addf %gather3A_383, %gather3A_384 : vector<16xf32>
      %mul3A_386 = arith.constant 0.00999999977 : f32
      %mul3A_387 = vector.broadcast %mul3A_386 : f32 to vector<16xf32>
      %mul3A_388 = arith.mulf %mul3A_387, %add3A_385 : vector<16xf32>
      %max3A_389 = arith.maximumf %add3A_385, %mul3A_388 : vector<16xf32>
      %exp3A_390 = math.exp %max3A_389 : vector<16xf32>
      %swap3A_391 = arith.index_cast %add3A_244 : i32 to index
      %swap3A_392 = arith.constant 80 : index
      %swap3A_393 = tpu.vector_load %arg15[%swap3A_391, %swap3A_392] {strides = array<i32>} : memref<82x128xf32, #tpu.memory_space<vmem>>, vector<16xf32>,
      tpu.vector_store %arg15[%swap3A_391, %swap3A_392], %exp3A_390 {strides = array<i32>} : memref<82x128xf32, #tpu.memory_space<vmem>>, vector<16xf32>,
      tpu.vector_store_idx %arg16[%get3A_382], %exp3A_390 {add = true} : memref<10112xf32, #tpu.memory_space<vmem>>[vector<16xi32>], vector<16xf32>,
      %get3A_394 = arith.index_cast %add3A_244 : i32 to index
      %get3A_395 = arith.constant 96 : index
      %get3A_396 = tpu.vector_load %arg11[%get3A_394, %get3A_395] {strides = array<i32>} : memref<82x128xi32, #tpu.memory_space<vmem>>, vector<16xi32>,
      %get3A_397 = arith.index_cast %add3A_244 : i32 to index
      %get3A_398 = arith.constant 96 : index
      %get3A_399 = tpu.vector_load %arg12[%get3A_397, %get3A_398] {strides = array<i32>} : memref<82x128xi32, #tpu.memory_space<vmem>>, vector<16xi32>,
      %gather3A_400 = tpu.vector_load_idx %arg13[%get3A_399] : memref<10112xf32, #tpu.memory_space<vmem>>[vector<16xi32>], vector<16xf32>,
      %gather3A_401 = tpu.vector_load_idx %arg14[%get3A_396] : memref<10112xf32, #tpu.memory_space<vmem>>[vector<16xi32>], vector<16xf32>,
      %add3A_402 = arith.addf %gather3A_400, %gather3A_401 : vector<16xf32>
      %mul3A_403 = arith.constant 0.00999999977 : f32
      %mul3A_404 = vector.broadcast %mul3A_403 : f32 to vector<16xf32>
      %mul3A_405 = arith.mulf %mul3A_404, %add3A_402 : vector<16xf32>
      %max3A_406 = arith.maximumf %add3A_402, %mul3A_405 : vector<16xf32>
      %exp3A_407 = math.exp %max3A_406 : vector<16xf32>
      %swap3A_408 = arith.index_cast %add3A_244 : i32 to index
      %swap3A_409 = arith.constant 96 : index
      %swap3A_410 = tpu.vector_load %arg15[%swap3A_408, %swap3A_409] {strides = array<i32>} : memref<82x128xf32, #tpu.memory_space<vmem>>, vector<16xf32>,
      tpu.vector_store %arg15[%swap3A_408, %swap3A_409], %exp3A_407 {strides = array<i32>} : memref<82x128xf32, #tpu.memory_space<vmem>>, vector<16xf32>,
      tpu.vector_store_idx %arg16[%get3A_399], %exp3A_407 {add = true} : memref<10112xf32, #tpu.memory_space<vmem>>[vector<16xi32>], vector<16xf32>,
      %get3A_411 = arith.index_cast %add3A_244 : i32 to index
      %get3A_412 = arith.constant 112 : index
      %get3A_413 = tpu.vector_load %arg11[%get3A_411, %get3A_412] {strides = array<i32>} : memref<82x128xi32, #tpu.memory_space<vmem>>, vector<16xi32>,
      %get3A_414 = arith.index_cast %add3A_244 : i32 to index
      %get3A_415 = arith.constant 112 : index
      %get3A_416 = tpu.vector_load %arg12[%get3A_414, %get3A_415] {strides = array<i32>} : memref<82x128xi32, #tpu.memory_space<vmem>>, vector<16xi32>,
      %gather3A_417 = tpu.vector_load_idx %arg13[%get3A_416] : memref<10112xf32, #tpu.memory_space<vmem>>[vector<16xi32>], vector<16xf32>,
      %gather3A_418 = tpu.vector_load_idx %arg14[%get3A_413] : memref<10112xf32, #tpu.memory_space<vmem>>[vector<16xi32>], vector<16xf32>,
      %add3A_419 = arith.addf %gather3A_417, %gather3A_418 : vector<16xf32>
      %mul3A_420 = arith.constant 0.00999999977 : f32
      %mul3A_421 = vector.broadcast %mul3A_420 : f32 to vector<16xf32>
      %mul3A_422 = arith.mulf %mul3A_421, %add3A_419 : vector<16xf32>
      %max3A_423 = arith.maximumf %add3A_419, %mul3A_422 : vector<16xf32>
      %exp3A_424 = math.exp %max3A_423 : vector<16xf32>
      %swap3A_425 = arith.index_cast %add3A_244 : i32 to index
      %swap3A_426 = arith.constant 112 : index
      %swap3A_427 = tpu.vector_load %arg15[%swap3A_425, %swap3A_426] {strides = array<i32>} : memref<82x128xf32, #tpu.memory_space<vmem>>, vector<16xf32>,
      tpu.vector_store %arg15[%swap3A_425, %swap3A_426], %exp3A_424 {strides = array<i32>} : memref<82x128xf32, #tpu.memory_space<vmem>>, vector<16xf32>,
      tpu.vector_store_idx %arg16[%get3A_416], %exp3A_424 {add = true} : memref<10112xf32, #tpu.memory_space<vmem>>[vector<16xi32>], vector<16xf32>,
    }
    %scan3A_33 = arith.constant 41 : i32
    %dma_wait3A = arith.constant 0 : i32
    %dma_wait3A_34 = arith.constant 0 : i32
    %dma_wait3A_35 = arith.constant 0 : i32
    %dma_wait3A_36 = tpu.memref_slice %arg17[%dma_wait3A, %dma_wait3A_34, %dma_wait3A_35] : memref<4x128x128xf32, #tpu.memory_space<vmem>> -> memref<1x128x128xf32, #tpu.memory_space<vmem>>
    %dma_wait3A_37 = tpu.memref_squeeze %dma_wait3A_36 : memref<1x128x128xf32, #tpu.memory_space<vmem>> -> memref<128x128xf32, #tpu.memory_space<vmem>>
    %dma_wait3A_38 = arith.constant 0 : i32
    %dma_wait3A_39 = arith.constant 0 : i32
    %dma_wait3A_40 = tpu.memref_slice %arg9[%dma_wait3A_38, %dma_wait3A_39] : memref<10496x128xf32, #tpu.memory_space<hbm>> -> memref<128x128xf32, #tpu.memory_space<hbm>>
    %dma_wait3A_41 = arith.constant 0 : i32
    %dma_wait3A_42 = arith.constant 0 : i32
    %dma_wait3A_43 = tpu.memref_slice %arg9[%dma_wait3A_41, %dma_wait3A_42] : memref<10496x128xf32, #tpu.memory_space<hbm>> -> memref<128x128xf32, #tpu.memory_space<hbm>>
    %dma_wait3A_44 = arith.constant 0 : i32
    %dma_wait3A_45 = arith.constant 0 : i32
    %dma_wait3A_46 = tpu.memref_slice %arg17[%dma_wait3A, %dma_wait3A_44, %dma_wait3A_45] : memref<4x128x128xf32, #tpu.memory_space<vmem>> -> memref<1x128x128xf32, #tpu.memory_space<vmem>>
    %dma_wait3A_47 = tpu.memref_squeeze %dma_wait3A_46 : memref<1x128x128xf32, #tpu.memory_space<vmem>> -> memref<128x128xf32, #tpu.memory_space<vmem>>
    tpu.wait_dma2 semaphore(%arg20 : memref<!tpu.dma_semaphore, #tpu.memory_space<semaphore_mem>>) src(%dma_wait3A_47 : memref<128x128xf32, #tpu.memory_space<vmem>>) dst(%dma_wait3A_43 : memref<128x128xf32, #tpu.memory_space<hbm>>)
    %dma_wait3A_48 = arith.constant 0 : i32
    %dma_wait3A_49 = arith.constant 0 : i32
    %dma_wait3A_50 = arith.constant 0 : i32
    %dma_wait3A_51 = tpu.memref_slice %arg17[%dma_wait3A_48, %dma_wait3A_49, %dma_wait3A_50] : memref<4x128x128xf32, #tpu.memory_space<vmem>> -> memref<1x128x128xf32, #tpu.memory_space<vmem>>
    %dma_wait3A_52 = tpu.memref_squeeze %dma_wait3A_51 : memref<1x128x128xf32, #tpu.memory_space<vmem>> -> memref<128x128xf32, #tpu.memory_space<vmem>>
    %dma_wait3A_53 = arith.constant 0 : i32
    %dma_wait3A_54 = arith.constant 0 : i32
    %dma_wait3A_55 = tpu.memref_slice %arg9[%dma_wait3A_53, %dma_wait3A_54] : memref<10496x128xf32, #tpu.memory_space<hbm>> -> memref<128x128xf32, #tpu.memory_space<hbm>>
    %dma_wait3A_56 = arith.constant 0 : i32
    %dma_wait3A_57 = arith.constant 0 : i32
    %dma_wait3A_58 = tpu.memref_slice %arg9[%dma_wait3A_56, %dma_wait3A_57] : memref<10496x128xf32, #tpu.memory_space<hbm>> -> memref<128x128xf32, #tpu.memory_space<hbm>>
    %dma_wait3A_59 = arith.constant 0 : i32
    %dma_wait3A_60 = arith.constant 0 : i32
    %dma_wait3A_61 = tpu.memref_slice %arg17[%dma_wait3A_48, %dma_wait3A_59, %dma_wait3A_60] : memref<4x128x128xf32, #tpu.memory_space<vmem>> -> memref<1x128x128xf32, #tpu.memory_space<vmem>>
    %dma_wait3A_62 = tpu.memref_squeeze %dma_wait3A_61 : memref<1x128x128xf32, #tpu.memory_space<vmem>> -> memref<128x128xf32, #tpu.memory_space<vmem>>
    tpu.wait_dma2 semaphore(%arg21 : memref<!tpu.dma_semaphore, #tpu.memory_space<semaphore_mem>>) src(%dma_wait3A_62 : memref<128x128xf32, #tpu.memory_space<vmem>>) dst(%dma_wait3A_58 : memref<128x128xf32, #tpu.memory_space<hbm>>)
    "tpu.region"() ({
      %run_scoped3A = tpu.sem_alloc : memref<!tpu.dma_semaphore, #tpu.memory_space<semaphore_mem>>
      %dma_start3A_63 = arith.constant 0 : i32
      %dma_start3A_64 = arith.constant 0 : i32
      %dma_start3A_65 = tpu.memref_slice %arg8[%add3A, %dma_start3A_63, %dma_start3A_64] : memref<32x82x128xf32, #tpu.memory_space<hbm>> -> memref<1x82x128xf32, #tpu.memory_space<hbm>>
      %dma_start3A_66 = tpu.memref_squeeze %dma_start3A_65 : memref<1x82x128xf32, #tpu.memory_space<hbm>> -> memref<82x128xf32, #tpu.memory_space<hbm>>
      %dma_start3A_67 = arith.constant 0 : i32
      %dma_start3A_68 = arith.constant 0 : i32
      %dma_start3A_69 = tpu.memref_slice %arg8[%add3A, %dma_start3A_67, %dma_start3A_68] : memref<32x82x128xf32, #tpu.memory_space<hbm>> -> memref<1x82x128xf32, #tpu.memory_space<hbm>>
      %dma_start3A_70 = tpu.memref_squeeze %dma_start3A_69 : memref<1x82x128xf32, #tpu.memory_space<hbm>> -> memref<82x128xf32, #tpu.memory_space<hbm>>
      tpu.enqueue_dma source(%arg15 : memref<82x128xf32, #tpu.memory_space<vmem>>) target(%dma_start3A_70 : memref<82x128xf32, #tpu.memory_space<hbm>>) target_semaphore(%run_scoped3A : memref<!tpu.dma_semaphore, #tpu.memory_space<semaphore_mem>>)
      %dma_wait3A_71 = arith.constant 0 : i32
      %dma_wait3A_72 = arith.constant 0 : i32
      %dma_wait3A_73 = tpu.memref_slice %arg8[%add3A, %dma_wait3A_71, %dma_wait3A_72] : memref<32x82x128xf32, #tpu.memory_space<hbm>> -> memref<1x82x128xf32, #tpu.memory_space<hbm>>
      %dma_wait3A_74 = tpu.memref_squeeze %dma_wait3A_73 : memref<1x82x128xf32, #tpu.memory_space<hbm>> -> memref<82x128xf32, #tpu.memory_space<hbm>>
      %dma_wait3A_75 = arith.constant 0 : i32
      %dma_wait3A_76 = arith.constant 0 : i32
      %dma_wait3A_77 = tpu.memref_slice %arg8[%add3A, %dma_wait3A_75, %dma_wait3A_76] : memref<32x82x128xf32, #tpu.memory_space<hbm>> -> memref<1x82x128xf32, #tpu.memory_space<hbm>>
      %dma_wait3A_78 = tpu.memref_squeeze %dma_wait3A_77 : memref<1x82x128xf32, #tpu.memory_space<hbm>> -> memref<82x128xf32, #tpu.memory_space<hbm>>
      tpu.wait_dma2 semaphore(%run_scoped3A : memref<!tpu.dma_semaphore, #tpu.memory_space<semaphore_mem>>) src(%arg15 : memref<82x128xf32, #tpu.memory_space<vmem>>) dst(%dma_wait3A_78 : memref<82x128xf32, #tpu.memory_space<hbm>>)
      tpu.yield
    }) : () -> ()
    "tpu.region"() ({
      %run_scoped3A = tpu.sem_alloc : memref<!tpu.dma_semaphore, #tpu.memory_space<semaphore_mem>>
      %dma_start3A_63 = arith.constant 0 : i32
      %dma_start3A_64 = tpu.memref_slice %arg10[%add3A, %dma_start3A_63] : memref<32x10112xf32, #tpu.memory_space<hbm>> -> memref<1x10112xf32, #tpu.memory_space<hbm>>
      %dma_start3A_65 = tpu.memref_squeeze %dma_start3A_64 : memref<1x10112xf32, #tpu.memory_space<hbm>> -> memref<10112xf32, #tpu.memory_space<hbm>>
      %dma_start3A_66 = arith.constant 0 : i32
      %dma_start3A_67 = tpu.memref_slice %arg10[%add3A, %dma_start3A_66] : memref<32x10112xf32, #tpu.memory_space<hbm>> -> memref<1x10112xf32, #tpu.memory_space<hbm>>
      %dma_start3A_68 = tpu.memref_squeeze %dma_start3A_67 : memref<1x10112xf32, #tpu.memory_space<hbm>> -> memref<10112xf32, #tpu.memory_space<hbm>>
      tpu.enqueue_dma source(%arg16 : memref<10112xf32, #tpu.memory_space<vmem>>) target(%dma_start3A_68 : memref<10112xf32, #tpu.memory_space<hbm>>) target_semaphore(%run_scoped3A : memref<!tpu.dma_semaphore, #tpu.memory_space<semaphore_mem>>)
      %dma_wait3A_69 = arith.constant 0 : i32
      %dma_wait3A_70 = tpu.memref_slice %arg10[%add3A, %dma_wait3A_69] : memref<32x10112xf32, #tpu.memory_space<hbm>> -> memref<1x10112xf32, #tpu.memory_space<hbm>>
      %dma_wait3A_71 = tpu.memref_squeeze %dma_wait3A_70 : memref<1x10112xf32, #tpu.memory_space<hbm>> -> memref<10112xf32, #tpu.memory_space<hbm>>
      %dma_wait3A_72 = arith.constant 0 : i32
      %dma_wait3A_73 = tpu.memref_slice %arg10[%add3A, %dma_wait3A_72] : memref<32x10112xf32, #tpu.memory_space<hbm>> -> memref<1x10112xf32, #tpu.memory_space<hbm>>
      %dma_wait3A_74 = tpu.memref_squeeze %dma_wait3A_73 : memref<1x10112xf32, #tpu.memory_space<hbm>> -> memref<10112xf32, #tpu.memory_space<hbm>>
      tpu.wait_dma2 semaphore(%run_scoped3A : memref<!tpu.dma_semaphore, #tpu.memory_space<semaphore_mem>>) src(%arg16 : memref<10112xf32, #tpu.memory_space<vmem>>) dst(%dma_wait3A_74 : memref<10112xf32, #tpu.memory_space<hbm>>)
      tpu.yield
    }) : () -> ()
    return
  }
}

#map = affine_map<(d0, d1) -> (0, 0)>
#map1 = affine_map<(d0, d1) -> (0)>
module attributes {stable_mosaic.version = 14 : i64} {
  func.func @b2(%arg0: i32, %arg1: i32, %arg2: memref<32x40448xf32, #tpu.memory_space<hbm>>, %arg3: memref<335872xi32, #tpu.memory_space<hbm>>, %arg4: memref<335872xf32, #tpu.memory_space<hbm>>, %arg5: memref<10112xf32, #tpu.memory_space<hbm>>, %arg6: memref<32x40448xf32, #tpu.memory_space<hbm>>, %arg7: memref<40448xf32, #tpu.memory_space<vmem>>, %arg8: memref<40448xf32, #tpu.memory_space<vmem>>, %arg9: memref<10112xf32, #tpu.memory_space<vmem>>, %arg10: memref<2x4096xi32, #tpu.memory_space<vmem>>, %arg11: memref<2x4096xf32, #tpu.memory_space<vmem>>, %arg12: memref<!tpu.dma_semaphore, #tpu.memory_space<semaphore_mem>>) attributes {dimension_semantics = [#tpu.dimension_semantics<core_parallel>, #tpu.dimension_semantics<subcore_parallel>], iteration_bounds = array<i64: 2, 16>, scalar_prefetch = 0 : i64, scratch_operands = 6 : i64, tpu.core_type = #tpu.core_type<sc_vector_subcore>, window_params = [{transform_indices = #map}, {transform_indices = #map1}, {transform_indices = #map1}, {transform_indices = #map1}, {transform_indices = #map}]} {
    %mul3A = arith.constant 2 : i32
    %mul3A_0 = arith.muli %arg1, %mul3A : i32
    %add3A = arith.addi %mul3A_0, %arg0 : i32
    "tpu.region"() ({
      %run_scoped3A = tpu.sem_alloc : memref<!tpu.dma_semaphore, #tpu.memory_space<semaphore_mem>>
      %dma_start3A_33 = arith.constant 0 : i32
      %dma_start3A_34 = tpu.memref_slice %arg2[%add3A, %dma_start3A_33] : memref<32x40448xf32, #tpu.memory_space<hbm>> -> memref<1x40448xf32, #tpu.memory_space<hbm>>
      %dma_start3A_35 = tpu.memref_squeeze %dma_start3A_34 : memref<1x40448xf32, #tpu.memory_space<hbm>> -> memref<40448xf32, #tpu.memory_space<hbm>>
      %dma_start3A_36 = arith.constant 0 : i32
      %dma_start3A_37 = tpu.memref_slice %arg2[%add3A, %dma_start3A_36] : memref<32x40448xf32, #tpu.memory_space<hbm>> -> memref<1x40448xf32, #tpu.memory_space<hbm>>
      %dma_start3A_38 = tpu.memref_squeeze %dma_start3A_37 : memref<1x40448xf32, #tpu.memory_space<hbm>> -> memref<40448xf32, #tpu.memory_space<hbm>>
      tpu.enqueue_dma source(%dma_start3A_38 : memref<40448xf32, #tpu.memory_space<hbm>>) target(%arg7 : memref<40448xf32, #tpu.memory_space<vmem>>) target_semaphore(%run_scoped3A : memref<!tpu.dma_semaphore, #tpu.memory_space<semaphore_mem>>)
      %dma_wait3A = arith.constant 0 : i32
      %dma_wait3A_39 = tpu.memref_slice %arg2[%add3A, %dma_wait3A] : memref<32x40448xf32, #tpu.memory_space<hbm>> -> memref<1x40448xf32, #tpu.memory_space<hbm>>
      %dma_wait3A_40 = tpu.memref_squeeze %dma_wait3A_39 : memref<1x40448xf32, #tpu.memory_space<hbm>> -> memref<40448xf32, #tpu.memory_space<hbm>>
      %dma_wait3A_41 = arith.constant 0 : i32
      %dma_wait3A_42 = tpu.memref_slice %arg2[%add3A, %dma_wait3A_41] : memref<32x40448xf32, #tpu.memory_space<hbm>> -> memref<1x40448xf32, #tpu.memory_space<hbm>>
      %dma_wait3A_43 = tpu.memref_squeeze %dma_wait3A_42 : memref<1x40448xf32, #tpu.memory_space<hbm>> -> memref<40448xf32, #tpu.memory_space<hbm>>
      tpu.wait_dma2 semaphore(%run_scoped3A : memref<!tpu.dma_semaphore, #tpu.memory_space<semaphore_mem>>) src(%dma_wait3A_43 : memref<40448xf32, #tpu.memory_space<hbm>>) dst(%arg7 : memref<40448xf32, #tpu.memory_space<vmem>>)
      tpu.yield
    }) : () -> ()
    %broadcast_in_dim3A = arith.constant 0.000000e+00 : f32
    %broadcast_in_dim3A_1 = vector.broadcast %broadcast_in_dim3A : f32 to vector<16xf32>
    %parallel_loop3A = arith.constant 0 : i32
    %parallel_loop3A_2 = arith.constant 632 : i32
    %parallel_loop3A_3 = arith.constant 1 : i32
    scf.for %parallel_loop3A_33 = %parallel_loop3A to %parallel_loop3A_2 step %parallel_loop3A_3  : i32 {
      %parallel_loop3A_34 = arith.constant 16 : i32
      %parallel_loop3A_35 = arith.muli %parallel_loop3A_33, %parallel_loop3A_34 : i32
      %parallel_loop3A_36 = arith.index_cast %parallel_loop3A_35 : i32 to index
      %parallel_loop3A_37 = tpu.vector_load %arg9[%parallel_loop3A_36] {strides = array<i32>} : memref<10112xf32, #tpu.memory_space<vmem>>, vector<16xf32>,
      tpu.vector_store %arg9[%parallel_loop3A_36], %broadcast_in_dim3A_1 {strides = array<i32>} : memref<10112xf32, #tpu.memory_space<vmem>>, vector<16xf32>,
      %parallel_loop3A_38 = arith.constant 16 : i32
      %parallel_loop3A_39 = arith.muli %parallel_loop3A_33, %parallel_loop3A_38 : i32
      %parallel_loop3A_40 = arith.constant 0 : i32
      %parallel_loop3A_41 = arith.addi %parallel_loop3A_40, %parallel_loop3A_39 : i32
      %parallel_loop3A_42 = arith.index_cast %parallel_loop3A_41 : i32 to index
      %parallel_loop3A_43 = tpu.vector_load %arg8[%parallel_loop3A_42] {strides = array<i32>} : memref<40448xf32, #tpu.memory_space<vmem>>, vector<16xf32>,
      tpu.vector_store %arg8[%parallel_loop3A_42], %broadcast_in_dim3A_1 {strides = array<i32>} : memref<40448xf32, #tpu.memory_space<vmem>>, vector<16xf32>,
      %parallel_loop3A_44 = arith.constant 16 : i32
      %parallel_loop3A_45 = arith.muli %parallel_loop3A_33, %parallel_loop3A_44 : i32
      %parallel_loop3A_46 = arith.constant 10112 : i32
      %parallel_loop3A_47 = arith.addi %parallel_loop3A_46, %parallel_loop3A_45 : i32
      %parallel_loop3A_48 = arith.index_cast %parallel_loop3A_47 : i32 to index
      %parallel_loop3A_49 = tpu.vector_load %arg8[%parallel_loop3A_48] {strides = array<i32>} : memref<40448xf32, #tpu.memory_space<vmem>>, vector<16xf32>,
      tpu.vector_store %arg8[%parallel_loop3A_48], %broadcast_in_dim3A_1 {strides = array<i32>} : memref<40448xf32, #tpu.memory_space<vmem>>, vector<16xf32>,
      %parallel_loop3A_50 = arith.constant 16 : i32
      %parallel_loop3A_51 = arith.muli %parallel_loop3A_33, %parallel_loop3A_50 : i32
      %parallel_loop3A_52 = arith.constant 20224 : i32
      %parallel_loop3A_53 = arith.addi %parallel_loop3A_52, %parallel_loop3A_51 : i32
      %parallel_loop3A_54 = arith.index_cast %parallel_loop3A_53 : i32 to index
      %parallel_loop3A_55 = tpu.vector_load %arg8[%parallel_loop3A_54] {strides = array<i32>} : memref<40448xf32, #tpu.memory_space<vmem>>, vector<16xf32>,
      tpu.vector_store %arg8[%parallel_loop3A_54], %broadcast_in_dim3A_1 {strides = array<i32>} : memref<40448xf32, #tpu.memory_space<vmem>>, vector<16xf32>,
      %parallel_loop3A_56 = arith.constant 16 : i32
      %parallel_loop3A_57 = arith.muli %parallel_loop3A_33, %parallel_loop3A_56 : i32
      %parallel_loop3A_58 = arith.constant 30336 : i32
      %parallel_loop3A_59 = arith.addi %parallel_loop3A_58, %parallel_loop3A_57 : i32
      %parallel_loop3A_60 = arith.index_cast %parallel_loop3A_59 : i32 to index
      %parallel_loop3A_61 = tpu.vector_load %arg8[%parallel_loop3A_60] {strides = array<i32>} : memref<40448xf32, #tpu.memory_space<vmem>>, vector<16xf32>,
      tpu.vector_store %arg8[%parallel_loop3A_60], %broadcast_in_dim3A_1 {strides = array<i32>} : memref<40448xf32, #tpu.memory_space<vmem>>, vector<16xf32>,
    } {sc.loop_unroll_factor = 8 : i64, sc.parallel_access}
    %dma_start3A = arith.constant 0 : i32
    %dma_start3A_4 = arith.constant 0 : i32
    %dma_start3A_5 = tpu.memref_slice %arg10[%dma_start3A, %dma_start3A_4] : memref<2x4096xi32, #tpu.memory_space<vmem>> -> memref<1x4096xi32, #tpu.memory_space<vmem>>
    %dma_start3A_6 = tpu.memref_squeeze %dma_start3A_5 : memref<1x4096xi32, #tpu.memory_space<vmem>> -> memref<4096xi32, #tpu.memory_space<vmem>>
    %dma_start3A_7 = arith.constant 0 : i32
    %dma_start3A_8 = tpu.memref_slice %arg3[%dma_start3A_7] : memref<335872xi32, #tpu.memory_space<hbm>> -> memref<4096xi32, #tpu.memory_space<hbm>>
    %dma_start3A_9 = arith.constant 0 : i32
    %dma_start3A_10 = tpu.memref_slice %arg10[%dma_start3A, %dma_start3A_9] : memref<2x4096xi32, #tpu.memory_space<vmem>> -> memref<1x4096xi32, #tpu.memory_space<vmem>>
    %dma_start3A_11 = tpu.memref_squeeze %dma_start3A_10 : memref<1x4096xi32, #tpu.memory_space<vmem>> -> memref<4096xi32, #tpu.memory_space<vmem>>
    %dma_start3A_12 = arith.constant 0 : i32
    %dma_start3A_13 = tpu.memref_slice %arg3[%dma_start3A_12] : memref<335872xi32, #tpu.memory_space<hbm>> -> memref<4096xi32, #tpu.memory_space<hbm>>
    tpu.enqueue_dma source(%dma_start3A_13 : memref<4096xi32, #tpu.memory_space<hbm>>) target(%dma_start3A_11 : memref<4096xi32, #tpu.memory_space<vmem>>) target_semaphore(%arg12 : memref<!tpu.dma_semaphore, #tpu.memory_space<semaphore_mem>>)
    %dma_start3A_14 = arith.constant 0 : i32
    %dma_start3A_15 = arith.constant 0 : i32
    %dma_start3A_16 = tpu.memref_slice %arg11[%dma_start3A_14, %dma_start3A_15] : memref<2x4096xf32, #tpu.memory_space<vmem>> -> memref<1x4096xf32, #tpu.memory_space<vmem>>
    %dma_start3A_17 = tpu.memref_squeeze %dma_start3A_16 : memref<1x4096xf32, #tpu.memory_space<vmem>> -> memref<4096xf32, #tpu.memory_space<vmem>>
    %dma_start3A_18 = arith.constant 0 : i32
    %dma_start3A_19 = tpu.memref_slice %arg4[%dma_start3A_18] : memref<335872xf32, #tpu.memory_space<hbm>> -> memref<4096xf32, #tpu.memory_space<hbm>>
    %dma_start3A_20 = arith.constant 0 : i32
    %dma_start3A_21 = tpu.memref_slice %arg11[%dma_start3A_14, %dma_start3A_20] : memref<2x4096xf32, #tpu.memory_space<vmem>> -> memref<1x4096xf32, #tpu.memory_space<vmem>>
    %dma_start3A_22 = tpu.memref_squeeze %dma_start3A_21 : memref<1x4096xf32, #tpu.memory_space<vmem>> -> memref<4096xf32, #tpu.memory_space<vmem>>
    %dma_start3A_23 = arith.constant 0 : i32
    %dma_start3A_24 = tpu.memref_slice %arg4[%dma_start3A_23] : memref<335872xf32, #tpu.memory_space<hbm>> -> memref<4096xf32, #tpu.memory_space<hbm>>
    tpu.enqueue_dma source(%dma_start3A_24 : memref<4096xf32, #tpu.memory_space<hbm>>) target(%dma_start3A_22 : memref<4096xf32, #tpu.memory_space<vmem>>) target_semaphore(%arg12 : memref<!tpu.dma_semaphore, #tpu.memory_space<semaphore_mem>>)
    %scan3A = arith.constant 0 : i32
    %scan3A_25 = arith.constant 0 : i32
    %scan3A_26 = arith.constant 82 : i32
    %scan3A_27 = arith.addi %scan3A_25, %scan3A_26 : i32
    %scan3A_28 = arith.constant 1 : i32
    scf.for %scan3A_33 = %scan3A_25 to %scan3A_27 step %scan3A_28  : i32 {
      %rem3A = arith.constant 2 : i32
      %rem3A_34 = arith.remsi %scan3A_33, %rem3A : i32
      %mul3A_35 = arith.constant 4096 : i32
      %mul3A_36 = arith.muli %scan3A_33, %mul3A_35 : i32
      %dma_wait3A = arith.constant 0 : i32
      %dma_wait3A_37 = tpu.memref_slice %arg10[%rem3A_34, %dma_wait3A] : memref<2x4096xi32, #tpu.memory_space<vmem>> -> memref<1x4096xi32, #tpu.memory_space<vmem>>
      %dma_wait3A_38 = tpu.memref_squeeze %dma_wait3A_37 : memref<1x4096xi32, #tpu.memory_space<vmem>> -> memref<4096xi32, #tpu.memory_space<vmem>>
      %dma_wait3A_39 = tpu.memref_slice %arg3[%mul3A_36] : memref<335872xi32, #tpu.memory_space<hbm>> -> memref<4096xi32, #tpu.memory_space<hbm>>
      %dma_wait3A_40 = arith.constant 0 : i32
      %dma_wait3A_41 = tpu.memref_slice %arg10[%rem3A_34, %dma_wait3A_40] : memref<2x4096xi32, #tpu.memory_space<vmem>> -> memref<1x4096xi32, #tpu.memory_space<vmem>>
      %dma_wait3A_42 = tpu.memref_squeeze %dma_wait3A_41 : memref<1x4096xi32, #tpu.memory_space<vmem>> -> memref<4096xi32, #tpu.memory_space<vmem>>
      %dma_wait3A_43 = tpu.memref_slice %arg3[%mul3A_36] : memref<335872xi32, #tpu.memory_space<hbm>> -> memref<4096xi32, #tpu.memory_space<hbm>>
      tpu.wait_dma2 semaphore(%arg12 : memref<!tpu.dma_semaphore, #tpu.memory_space<semaphore_mem>>) src(%dma_wait3A_43 : memref<4096xi32, #tpu.memory_space<hbm>>) dst(%dma_wait3A_42 : memref<4096xi32, #tpu.memory_space<vmem>>)
      %dma_wait3A_44 = arith.constant 0 : i32
      %dma_wait3A_45 = tpu.memref_slice %arg11[%rem3A_34, %dma_wait3A_44] : memref<2x4096xf32, #tpu.memory_space<vmem>> -> memref<1x4096xf32, #tpu.memory_space<vmem>>
      %dma_wait3A_46 = tpu.memref_squeeze %dma_wait3A_45 : memref<1x4096xf32, #tpu.memory_space<vmem>> -> memref<4096xf32, #tpu.memory_space<vmem>>
      %dma_wait3A_47 = tpu.memref_slice %arg4[%mul3A_36] : memref<335872xf32, #tpu.memory_space<hbm>> -> memref<4096xf32, #tpu.memory_space<hbm>>
      %dma_wait3A_48 = arith.constant 0 : i32
      %dma_wait3A_49 = tpu.memref_slice %arg11[%rem3A_34, %dma_wait3A_48] : memref<2x4096xf32, #tpu.memory_space<vmem>> -> memref<1x4096xf32, #tpu.memory_space<vmem>>
      %dma_wait3A_50 = tpu.memref_squeeze %dma_wait3A_49 : memref<1x4096xf32, #tpu.memory_space<vmem>> -> memref<4096xf32, #tpu.memory_space<vmem>>
      %dma_wait3A_51 = tpu.memref_slice %arg4[%mul3A_36] : memref<335872xf32, #tpu.memory_space<hbm>> -> memref<4096xf32, #tpu.memory_space<hbm>>
      tpu.wait_dma2 semaphore(%arg12 : memref<!tpu.dma_semaphore, #tpu.memory_space<semaphore_mem>>) src(%dma_wait3A_51 : memref<4096xf32, #tpu.memory_space<hbm>>) dst(%dma_wait3A_50 : memref<4096xf32, #tpu.memory_space<vmem>>)
      %add3A_52 = arith.constant 1 : i32
      %add3A_53 = arith.addi %scan3A_33, %add3A_52 : i32
      %lt3A = arith.constant 82 : i32
      %lt3A_54 = arith.cmpi slt, %add3A_53, %lt3A : i32
      %convert_element_type3A = arith.extui %lt3A_54 : i1 to i32
      %cond3A = arith.constant 0 : i32
      %cond3A_55 = arith.cmpi ne, %convert_element_type3A, %cond3A : i32
      scf.if %cond3A_55 {
        %add3A_59 = arith.constant 1 : i32
        %add3A_60 = arith.addi %scan3A_33, %add3A_59 : i32
        %sub3A = arith.constant 1 : i32
        %sub3A_61 = arith.subi %sub3A, %rem3A_34 : i32
        %mul3A_62 = arith.constant 4096 : i32
        %mul3A_63 = arith.muli %add3A_60, %mul3A_62 : i32
        %dma_start3A_64 = arith.constant 0 : i32
        %dma_start3A_65 = tpu.memref_slice %arg10[%sub3A_61, %dma_start3A_64] : memref<2x4096xi32, #tpu.memory_space<vmem>> -> memref<1x4096xi32, #tpu.memory_space<vmem>>
        %dma_start3A_66 = tpu.memref_squeeze %dma_start3A_65 : memref<1x4096xi32, #tpu.memory_space<vmem>> -> memref<4096xi32, #tpu.memory_space<vmem>>
        %dma_start3A_67 = tpu.memref_slice %arg3[%mul3A_63] : memref<335872xi32, #tpu.memory_space<hbm>> -> memref<4096xi32, #tpu.memory_space<hbm>>
        %dma_start3A_68 = arith.constant 0 : i32
        %dma_start3A_69 = tpu.memref_slice %arg10[%sub3A_61, %dma_start3A_68] : memref<2x4096xi32, #tpu.memory_space<vmem>> -> memref<1x4096xi32, #tpu.memory_space<vmem>>
        %dma_start3A_70 = tpu.memref_squeeze %dma_start3A_69 : memref<1x4096xi32, #tpu.memory_space<vmem>> -> memref<4096xi32, #tpu.memory_space<vmem>>
        %dma_start3A_71 = tpu.memref_slice %arg3[%mul3A_63] : memref<335872xi32, #tpu.memory_space<hbm>> -> memref<4096xi32, #tpu.memory_space<hbm>>
        tpu.enqueue_dma source(%dma_start3A_71 : memref<4096xi32, #tpu.memory_space<hbm>>) target(%dma_start3A_70 : memref<4096xi32, #tpu.memory_space<vmem>>) target_semaphore(%arg12 : memref<!tpu.dma_semaphore, #tpu.memory_space<semaphore_mem>>)
        %dma_start3A_72 = arith.constant 0 : i32
        %dma_start3A_73 = tpu.memref_slice %arg11[%sub3A_61, %dma_start3A_72] : memref<2x4096xf32, #tpu.memory_space<vmem>> -> memref<1x4096xf32, #tpu.memory_space<vmem>>
        %dma_start3A_74 = tpu.memref_squeeze %dma_start3A_73 : memref<1x4096xf32, #tpu.memory_space<vmem>> -> memref<4096xf32, #tpu.memory_space<vmem>>
        %dma_start3A_75 = tpu.memref_slice %arg4[%mul3A_63] : memref<335872xf32, #tpu.memory_space<hbm>> -> memref<4096xf32, #tpu.memory_space<hbm>>
        %dma_start3A_76 = arith.constant 0 : i32
        %dma_start3A_77 = tpu.memref_slice %arg11[%sub3A_61, %dma_start3A_76] : memref<2x4096xf32, #tpu.memory_space<vmem>> -> memref<1x4096xf32, #tpu.memory_space<vmem>>
        %dma_start3A_78 = tpu.memref_squeeze %dma_start3A_77 : memref<1x4096xf32, #tpu.memory_space<vmem>> -> memref<4096xf32, #tpu.memory_space<vmem>>
        %dma_start3A_79 = tpu.memref_slice %arg4[%mul3A_63] : memref<335872xf32, #tpu.memory_space<hbm>> -> memref<4096xf32, #tpu.memory_space<hbm>>
        tpu.enqueue_dma source(%dma_start3A_79 : memref<4096xf32, #tpu.memory_space<hbm>>) target(%dma_start3A_78 : memref<4096xf32, #tpu.memory_space<vmem>>) target_semaphore(%arg12 : memref<!tpu.dma_semaphore, #tpu.memory_space<semaphore_mem>>)
      } else {
      }
      %parallel_loop3A_56 = arith.constant 0 : i32
      %parallel_loop3A_57 = arith.constant 256 : i32
      %parallel_loop3A_58 = arith.constant 1 : i32
      scf.for %parallel_loop3A_59 = %parallel_loop3A_56 to %parallel_loop3A_57 step %parallel_loop3A_58  : i32 {
        %parallel_loop3A_60 = arith.constant 16 : i32
        %parallel_loop3A_61 = arith.muli %parallel_loop3A_59, %parallel_loop3A_60 : i32
        %parallel_loop3A_62 = arith.index_cast %rem3A_34 : i32 to index
        %parallel_loop3A_63 = arith.index_cast %parallel_loop3A_61 : i32 to index
        %parallel_loop3A_64 = tpu.vector_load %arg10[%parallel_loop3A_62, %parallel_loop3A_63] {strides = array<i32>} : memref<2x4096xi32, #tpu.memory_space<vmem>>, vector<16xi32>,
        %parallel_loop3A_65 = arith.index_cast %rem3A_34 : i32 to index
        %parallel_loop3A_66 = arith.index_cast %parallel_loop3A_61 : i32 to index
        %parallel_loop3A_67 = tpu.vector_load %arg11[%parallel_loop3A_65, %parallel_loop3A_66] {strides = array<i32>} : memref<2x4096xf32, #tpu.memory_space<vmem>>, vector<16xf32>,
        %parallel_loop3A_68 = arith.constant 65535 : i32
        %parallel_loop3A_69 = vector.broadcast %parallel_loop3A_68 : i32 to vector<16xi32>
        %parallel_loop3A_70 = arith.andi %parallel_loop3A_64, %parallel_loop3A_69 : vector<16xi32>
        %parallel_loop3A_71 = arith.constant 16 : i32
        %parallel_loop3A_72 = vector.broadcast %parallel_loop3A_71 : i32 to vector<16xi32>
        %parallel_loop3A_73 = arith.shrsi %parallel_loop3A_64, %parallel_loop3A_72 : vector<16xi32>
        %parallel_loop3A_74 = tpu.vector_load_idx %arg7[%parallel_loop3A_70] : memref<40448xf32, #tpu.memory_space<vmem>>[vector<16xi32>], vector<16xf32>,
        %parallel_loop3A_75 = arith.mulf %parallel_loop3A_74, %parallel_loop3A_67 : vector<16xf32>
        tpu.vector_store_idx %arg8[%parallel_loop3A_73], %parallel_loop3A_75 {add = true} : memref<40448xf32, #tpu.memory_space<vmem>>[vector<16xi32>], vector<16xf32>,
        %parallel_loop3A_76 = arith.constant 10112 : i32
        %parallel_loop3A_77 = vector.broadcast %parallel_loop3A_76 : i32 to vector<16xi32>
        %parallel_loop3A_78 = arith.addi %parallel_loop3A_70, %parallel_loop3A_77 : vector<16xi32>
        %parallel_loop3A_79 = tpu.vector_load_idx %arg7[%parallel_loop3A_78] : memref<40448xf32, #tpu.memory_space<vmem>>[vector<16xi32>], vector<16xf32>,
        %parallel_loop3A_80 = arith.constant 10112 : i32
        %parallel_loop3A_81 = vector.broadcast %parallel_loop3A_80 : i32 to vector<16xi32>
        %parallel_loop3A_82 = arith.addi %parallel_loop3A_73, %parallel_loop3A_81 : vector<16xi32>
        %parallel_loop3A_83 = arith.mulf %parallel_loop3A_79, %parallel_loop3A_67 : vector<16xf32>
        tpu.vector_store_idx %arg8[%parallel_loop3A_82], %parallel_loop3A_83 {add = true} : memref<40448xf32, #tpu.memory_space<vmem>>[vector<16xi32>], vector<16xf32>,
        %parallel_loop3A_84 = arith.constant 20224 : i32
        %parallel_loop3A_85 = vector.broadcast %parallel_loop3A_84 : i32 to vector<16xi32>
        %parallel_loop3A_86 = arith.addi %parallel_loop3A_70, %parallel_loop3A_85 : vector<16xi32>
        %parallel_loop3A_87 = tpu.vector_load_idx %arg7[%parallel_loop3A_86] : memref<40448xf32, #tpu.memory_space<vmem>>[vector<16xi32>], vector<16xf32>,
        %parallel_loop3A_88 = arith.constant 20224 : i32
        %parallel_loop3A_89 = vector.broadcast %parallel_loop3A_88 : i32 to vector<16xi32>
        %parallel_loop3A_90 = arith.addi %parallel_loop3A_73, %parallel_loop3A_89 : vector<16xi32>
        %parallel_loop3A_91 = arith.mulf %parallel_loop3A_87, %parallel_loop3A_67 : vector<16xf32>
        tpu.vector_store_idx %arg8[%parallel_loop3A_90], %parallel_loop3A_91 {add = true} : memref<40448xf32, #tpu.memory_space<vmem>>[vector<16xi32>], vector<16xf32>,
        %parallel_loop3A_92 = arith.constant 30336 : i32
        %parallel_loop3A_93 = vector.broadcast %parallel_loop3A_92 : i32 to vector<16xi32>
        %parallel_loop3A_94 = arith.addi %parallel_loop3A_70, %parallel_loop3A_93 : vector<16xi32>
        %parallel_loop3A_95 = tpu.vector_load_idx %arg7[%parallel_loop3A_94] : memref<40448xf32, #tpu.memory_space<vmem>>[vector<16xi32>], vector<16xf32>,
        %parallel_loop3A_96 = arith.constant 30336 : i32
        %parallel_loop3A_97 = vector.broadcast %parallel_loop3A_96 : i32 to vector<16xi32>
        %parallel_loop3A_98 = arith.addi %parallel_loop3A_73, %parallel_loop3A_97 : vector<16xi32>
        %parallel_loop3A_99 = arith.mulf %parallel_loop3A_95, %parallel_loop3A_67 : vector<16xf32>
        tpu.vector_store_idx %arg8[%parallel_loop3A_98], %parallel_loop3A_99 {add = true} : memref<40448xf32, #tpu.memory_space<vmem>>[vector<16xi32>], vector<16xf32>,
      } {sc.loop_unroll_factor = 8 : i64, sc.parallel_access}
    }
    %scan3A_29 = arith.constant 82 : i32
    "tpu.region"() ({
      %run_scoped3A = tpu.sem_alloc : memref<!tpu.dma_semaphore, #tpu.memory_space<semaphore_mem>>
      tpu.enqueue_dma source(%arg5 : memref<10112xf32, #tpu.memory_space<hbm>>) target(%arg9 : memref<10112xf32, #tpu.memory_space<vmem>>) target_semaphore(%run_scoped3A : memref<!tpu.dma_semaphore, #tpu.memory_space<semaphore_mem>>)
      tpu.wait_dma2 semaphore(%run_scoped3A : memref<!tpu.dma_semaphore, #tpu.memory_space<semaphore_mem>>) src(%arg5 : memref<10112xf32, #tpu.memory_space<hbm>>) dst(%arg9 : memref<10112xf32, #tpu.memory_space<vmem>>)
      tpu.yield
    }) : () -> ()
    %parallel_loop3A_30 = arith.constant 0 : i32
    %parallel_loop3A_31 = arith.constant 632 : i32
    %parallel_loop3A_32 = arith.constant 1 : i32
    scf.for %parallel_loop3A_33 = %parallel_loop3A_30 to %parallel_loop3A_31 step %parallel_loop3A_32  : i32 {
      %parallel_loop3A_34 = arith.constant 16 : i32
      %parallel_loop3A_35 = arith.muli %parallel_loop3A_33, %parallel_loop3A_34 : i32
      %parallel_loop3A_36 = arith.index_cast %parallel_loop3A_35 : i32 to index
      %parallel_loop3A_37 = tpu.vector_load %arg9[%parallel_loop3A_36] {strides = array<i32>} : memref<10112xf32, #tpu.memory_space<vmem>>, vector<16xf32>,
      %parallel_loop3A_38 = arith.constant 0 : i32
      %parallel_loop3A_39 = arith.addi %parallel_loop3A_38, %parallel_loop3A_35 : i32
      %parallel_loop3A_40 = arith.index_cast %parallel_loop3A_39 : i32 to index
      %parallel_loop3A_41 = tpu.vector_load %arg8[%parallel_loop3A_40] {strides = array<i32>} : memref<40448xf32, #tpu.memory_space<vmem>>, vector<16xf32>,
      %parallel_loop3A_42 = arith.divf %parallel_loop3A_41, %parallel_loop3A_37 : vector<16xf32>
      %parallel_loop3A_43 = arith.constant 0 : i32
      %parallel_loop3A_44 = arith.addi %parallel_loop3A_43, %parallel_loop3A_35 : i32
      %parallel_loop3A_45 = arith.index_cast %parallel_loop3A_44 : i32 to index
      %parallel_loop3A_46 = tpu.vector_load %arg8[%parallel_loop3A_45] {strides = array<i32>} : memref<40448xf32, #tpu.memory_space<vmem>>, vector<16xf32>,
      tpu.vector_store %arg8[%parallel_loop3A_45], %parallel_loop3A_42 {strides = array<i32>} : memref<40448xf32, #tpu.memory_space<vmem>>, vector<16xf32>,
      %parallel_loop3A_47 = arith.constant 10112 : i32
      %parallel_loop3A_48 = arith.addi %parallel_loop3A_47, %parallel_loop3A_35 : i32
      %parallel_loop3A_49 = arith.index_cast %parallel_loop3A_48 : i32 to index
      %parallel_loop3A_50 = tpu.vector_load %arg8[%parallel_loop3A_49] {strides = array<i32>} : memref<40448xf32, #tpu.memory_space<vmem>>, vector<16xf32>,
      %parallel_loop3A_51 = arith.divf %parallel_loop3A_50, %parallel_loop3A_37 : vector<16xf32>
      %parallel_loop3A_52 = arith.constant 10112 : i32
      %parallel_loop3A_53 = arith.addi %parallel_loop3A_52, %parallel_loop3A_35 : i32
      %parallel_loop3A_54 = arith.index_cast %parallel_loop3A_53 : i32 to index
      %parallel_loop3A_55 = tpu.vector_load %arg8[%parallel_loop3A_54] {strides = array<i32>} : memref<40448xf32, #tpu.memory_space<vmem>>, vector<16xf32>,
      tpu.vector_store %arg8[%parallel_loop3A_54], %parallel_loop3A_51 {strides = array<i32>} : memref<40448xf32, #tpu.memory_space<vmem>>, vector<16xf32>,
      %parallel_loop3A_56 = arith.constant 20224 : i32
      %parallel_loop3A_57 = arith.addi %parallel_loop3A_56, %parallel_loop3A_35 : i32
      %parallel_loop3A_58 = arith.index_cast %parallel_loop3A_57 : i32 to index
      %parallel_loop3A_59 = tpu.vector_load %arg8[%parallel_loop3A_58] {strides = array<i32>} : memref<40448xf32, #tpu.memory_space<vmem>>, vector<16xf32>,
      %parallel_loop3A_60 = arith.divf %parallel_loop3A_59, %parallel_loop3A_37 : vector<16xf32>
      %parallel_loop3A_61 = arith.constant 20224 : i32
      %parallel_loop3A_62 = arith.addi %parallel_loop3A_61, %parallel_loop3A_35 : i32
      %parallel_loop3A_63 = arith.index_cast %parallel_loop3A_62 : i32 to index
      %parallel_loop3A_64 = tpu.vector_load %arg8[%parallel_loop3A_63] {strides = array<i32>} : memref<40448xf32, #tpu.memory_space<vmem>>, vector<16xf32>,
      tpu.vector_store %arg8[%parallel_loop3A_63], %parallel_loop3A_60 {strides = array<i32>} : memref<40448xf32, #tpu.memory_space<vmem>>, vector<16xf32>,
      %parallel_loop3A_65 = arith.constant 30336 : i32
      %parallel_loop3A_66 = arith.addi %parallel_loop3A_65, %parallel_loop3A_35 : i32
      %parallel_loop3A_67 = arith.index_cast %parallel_loop3A_66 : i32 to index
      %parallel_loop3A_68 = tpu.vector_load %arg8[%parallel_loop3A_67] {strides = array<i32>} : memref<40448xf32, #tpu.memory_space<vmem>>, vector<16xf32>,
      %parallel_loop3A_69 = arith.divf %parallel_loop3A_68, %parallel_loop3A_37 : vector<16xf32>
      %parallel_loop3A_70 = arith.constant 30336 : i32
      %parallel_loop3A_71 = arith.addi %parallel_loop3A_70, %parallel_loop3A_35 : i32
      %parallel_loop3A_72 = arith.index_cast %parallel_loop3A_71 : i32 to index
      %parallel_loop3A_73 = tpu.vector_load %arg8[%parallel_loop3A_72] {strides = array<i32>} : memref<40448xf32, #tpu.memory_space<vmem>>, vector<16xf32>,
      tpu.vector_store %arg8[%parallel_loop3A_72], %parallel_loop3A_69 {strides = array<i32>} : memref<40448xf32, #tpu.memory_space<vmem>>, vector<16xf32>,
    } {sc.loop_unroll_factor = 8 : i64, sc.parallel_access}
    "tpu.region"() ({
      %run_scoped3A = tpu.sem_alloc : memref<!tpu.dma_semaphore, #tpu.memory_space<semaphore_mem>>
      %dma_start3A_33 = arith.constant 0 : i32
      %dma_start3A_34 = tpu.memref_slice %arg6[%add3A, %dma_start3A_33] : memref<32x40448xf32, #tpu.memory_space<hbm>> -> memref<1x40448xf32, #tpu.memory_space<hbm>>
      %dma_start3A_35 = tpu.memref_squeeze %dma_start3A_34 : memref<1x40448xf32, #tpu.memory_space<hbm>> -> memref<40448xf32, #tpu.memory_space<hbm>>
      %dma_start3A_36 = arith.constant 0 : i32
      %dma_start3A_37 = tpu.memref_slice %arg6[%add3A, %dma_start3A_36] : memref<32x40448xf32, #tpu.memory_space<hbm>> -> memref<1x40448xf32, #tpu.memory_space<hbm>>
      %dma_start3A_38 = tpu.memref_squeeze %dma_start3A_37 : memref<1x40448xf32, #tpu.memory_space<hbm>> -> memref<40448xf32, #tpu.memory_space<hbm>>
      tpu.enqueue_dma source(%arg8 : memref<40448xf32, #tpu.memory_space<vmem>>) target(%dma_start3A_38 : memref<40448xf32, #tpu.memory_space<hbm>>) target_semaphore(%run_scoped3A : memref<!tpu.dma_semaphore, #tpu.memory_space<semaphore_mem>>)
      %dma_wait3A = arith.constant 0 : i32
      %dma_wait3A_39 = tpu.memref_slice %arg6[%add3A, %dma_wait3A] : memref<32x40448xf32, #tpu.memory_space<hbm>> -> memref<1x40448xf32, #tpu.memory_space<hbm>>
      %dma_wait3A_40 = tpu.memref_squeeze %dma_wait3A_39 : memref<1x40448xf32, #tpu.memory_space<hbm>> -> memref<40448xf32, #tpu.memory_space<hbm>>
      %dma_wait3A_41 = arith.constant 0 : i32
      %dma_wait3A_42 = tpu.memref_slice %arg6[%add3A, %dma_wait3A_41] : memref<32x40448xf32, #tpu.memory_space<hbm>> -> memref<1x40448xf32, #tpu.memory_space<hbm>>
      %dma_wait3A_43 = tpu.memref_squeeze %dma_wait3A_42 : memref<1x40448xf32, #tpu.memory_space<hbm>> -> memref<40448xf32, #tpu.memory_space<hbm>>
      tpu.wait_dma2 semaphore(%run_scoped3A : memref<!tpu.dma_semaphore, #tpu.memory_space<semaphore_mem>>) src(%arg8 : memref<40448xf32, #tpu.memory_space<vmem>>) dst(%dma_wait3A_43 : memref<40448xf32, #tpu.memory_space<hbm>>)
      tpu.yield
    }) : () -> ()
    return
  }
}

module attributes {stable_mosaic.version = 14 : i64} {
  func.func @_tc_a_body(%arg0: i32, %arg1: memref<10112x128xf32, #tpu.memory_space<vmem>>, %arg2: memref<128x128xf32, #tpu.memory_space<vmem>>, %arg3: memref<2x128xf32, #tpu.memory_space<vmem>>, %arg4: memref<10112x128xf32, #tpu.memory_space<vmem>>, %arg5: memref<2x10112xf32, #tpu.memory_space<vmem>>) attributes {dimension_semantics = [#tpu.dimension_semantics<arbitrary>], iteration_bounds = array<i64: 1>, scalar_prefetch = 0 : i64, scratch_operands = 0 : i64, tpu.core_type = #tpu.core_type<tc>, window_params = [{transform_indices = @transform_0, window_bounds = array<i64: 10112, 128>}, {pipeline_mode = #tpu.pipeline_mode<synchronous>, transform_indices = @transform_1, window_bounds = array<i64: 128, 128>}, {pipeline_mode = #tpu.pipeline_mode<synchronous>, transform_indices = @transform_2, window_bounds = array<i64: 2, 128>}, {transform_indices = @transform_3, window_bounds = array<i64: 10112, 128>}, {transform_indices = @transform_4, window_bounds = array<i64: 2, 10112>}]} {
    %get3A = arith.constant 0 : index
    %get3A_0 = arith.constant 0 : index
    %get3A_1 = vector.load %arg1[%get3A, %get3A_0] : memref<10112x128xf32, #tpu.memory_space<vmem>>, vector<10112x128xf32>
    %get3A_2 = arith.constant 0 : index
    %get3A_3 = arith.constant 0 : index
    %get3A_4 = vector.load %arg2[%get3A_2, %get3A_3] : memref<128x128xf32, #tpu.memory_space<vmem>>, vector<128x128xf32>
    %dot_general3A = arith.constant dense<0.000000e+00> : vector<10112x128xf32>
    %dot_general3A_5 = tpu.matmul %get3A_1, %get3A_4, %dot_general3A {dimension_numbers = #tpu.dot_dimension_numbers<[1], [0], [0], [1], [0, 0, 1, 1], [], []>, transpose_lhs_hint = false} : vector<10112x128xf32>, vector<128x128xf32>, vector<10112x128xf32> -> vector<10112x128xf32>
    %swap3A = arith.constant 0 : index
    %swap3A_6 = arith.constant 0 : index
    %swap3A_7 = vector.load %arg4[%swap3A, %swap3A_6] : memref<10112x128xf32, #tpu.memory_space<vmem>>, vector<10112x128xf32>
    tpu.vector_store %arg4[%swap3A, %swap3A_6], %dot_general3A_5 {strides = array<i32>} : memref<10112x128xf32, #tpu.memory_space<vmem>>, vector<10112x128xf32>,
    %get3A_8 = arith.constant 0 : index
    %get3A_9 = arith.constant 0 : index
    %get3A_10 = vector.load %arg3[%get3A_8, %get3A_9] : memref<2x128xf32, #tpu.memory_space<vmem>>, vector<2x128xf32>
    %dot_general3A_11 = arith.constant dense<0.000000e+00> : vector<2x10112xf32>
    %dot_general3A_12 = tpu.matmul %get3A_10, %dot_general3A_5, %dot_general3A_11 {dimension_numbers = #tpu.dot_dimension_numbers<[1], [1], [0], [0], [0, 0, 1, 0], [], []>, precision = #tpu.contract_precision<fp32>, transpose_lhs_hint = false} : vector<2x128xf32>, vector<10112x128xf32>, vector<2x10112xf32> -> vector<2x10112xf32>
    %swap3A_13 = arith.constant 0 : index
    %swap3A_14 = arith.constant 0 : index
    %swap3A_15 = vector.load %arg5[%swap3A_13, %swap3A_14] : memref<2x10112xf32, #tpu.memory_space<vmem>>, vector<2x10112xf32>
    tpu.vector_store %arg5[%swap3A_13, %swap3A_14], %dot_general3A_12 {strides = array<i32>} : memref<2x10112xf32, #tpu.memory_space<vmem>>, vector<2x10112xf32>,
    return
  }
  func.func @transform_0(%arg0: i32) -> (i32, i32) {
    %c0_i32 = arith.constant 0 : i32
    %c0_i32_0 = arith.constant 0 : i32
    return %arg0, %c0_i32 : i32, i32
  }
  func.func @transform_1(%arg0: i32) -> (i32, i32) {
    %c0_i32 = arith.constant 0 : i32
    %c0_i32_0 = arith.constant 0 : i32
    %c0_i32_1 = arith.constant 0 : i32
    return %c0_i32, %c0_i32_0 : i32, i32
  }
  func.func @transform_2(%arg0: i32) -> (i32, i32) {
    %c0_i32 = arith.constant 0 : i32
    %c0_i32_0 = arith.constant 0 : i32
    %c0_i32_1 = arith.constant 0 : i32
    return %c0_i32, %c0_i32_0 : i32, i32
  }
  func.func @transform_3(%arg0: i32) -> (i32, i32) {
    %c0_i32 = arith.constant 0 : i32
    %c0_i32_0 = arith.constant 0 : i32
    return %arg0, %c0_i32 : i32, i32
  }
  func.func @transform_4(%arg0: i32) -> (i32, i32) {
    %c0_i32 = arith.constant 0 : i32
    %c0_i32_0 = arith.constant 0 : i32
    return %c0_i32, %arg0 : i32, i32
  }
}

</mosaic_0001>

<sc_bundles>
// kernel: kernel.5.cloned.1.call-start
scs
__scs_entry_jumppad:
0x0: {  	(pc) =	sbr.rel $0x88, $3  }
0x1: {  	(tag) =	ssettag $0x0;
	lr =	simm.s32 $0x1  }
0x2: {  	[smem:$0x3F9D] =	sst lr;
	_ =	strace $0xD0000000  }
0x3: {  	_ = 	snop  }
0x4: {  	_ = 	snop  }
0x5: {  	_ = 	snop  }
0x6: {  	_ = 	snop  }
0x7: {  	_ = 	snop  }
__scs_overlays_trampoline_lowered:
0x8: {  	[smem:$0x3FAC] =	sst s0  }
0x9: {  	[smem:$0x3FAD] =	sst s1  }
0xa: {  	[smem:$0x3FAE] =	sst s2  }
0xb: {  	[smem:$0x3FAF] =	sst s3  }
0xc: {  	[smem:$0x3FB0] =	sst s4  }
0xd: {  	[smem:$0x3FB1] =	sst s5  }
0xe: {  	[smem:$0x3FB2] =	sst s6  }
0xf: {  	[smem:$0x3FB3] =	sst s7  }
0x10: {  	[smem:$0x3FB4] =	sst s8  }
0x11: {  	[smem:$0x3FB5] =	sst s9;
	s0 =	simm.s32 @!p0 $0x0  }
0x12: {  	s1 =	sld [smem:$0x3F9B];
	s0 =	simm.s32 @p0 $0x1  }
0x13: {  	[smem:$0x3FB6] =	sst s0;
	s0 =	simm.s32 @!p1 $0x0  }
0x14: {  	s2 =	sld [smem:$0x3F9A];
	s0 =	simm.s32 @p1 $0x1  }
0x15: {  	[smem:$0x3FB7] =	sst s0;
	s0 =	simm.s32 @!p2 $0x0  }
0x16: {  	s3 =	sld [smem:$0x3FDB];
	s0 =	simm.s32 @p2 $0x1  }
0x17: {  	s4 =	simm.s32 $0x1BF5;
	[smem:$0x3FB9] =	sst s0  }
0x18: {  	s0 =	sld [smem:$0x3F9C];
	_ =	swait.ge [sflag:s4], $0x0  }
0x19: {  	s7 =	sld [smem:$0x3F9D]  }
0x1a: {  	s8 =	sadd.s32 $0xFFFFE003, lr  }
0x1b: {  	s9 =	sadd.s32 $0xFFFFFEF7, lr;
	s5 =	simm.s32 $0xFFFFFFFF;
	p2 =	slt.u32 s8, $0xFFFFF086  }
0x1c: {  	p1 =	slt.u32 s9, $0xF7A;
	s5 =	simm.s32 @!p2 $0x0  }
0x1d: {  	s5 =	simm.s32 @p1 $0x1;
	p0 =	seq.s32 s7, s2  }
0x1e: {  	s7 =	smul.u32 @!p0 $0xF7A, s2;
	p2 =	seq.s32 @!p0 s5, $0x0  }
0x1f: {  	s9 =	smul.u32 $0xF7A, s1;
	s8 =	simm.s32 @!p0 $0x1BF5;
	p2 =	por !p2, p0  }
0x20: {  	[sflag:s8] =	ssyncset.s32 @!p0 $0xFFFFF086;
	s6 =	sadd.s32 @!p0 s3, s7;
	s7 =	simm.s32 @!p0 $0x108  }
0x21: {  	s3 =	sadd.s32 s3, s9;
	s6 =	sadd.s32 @!p0 $0x88, s6;
	s7 =	simm.s32 @p2 $0x1082  }
0x22: {  	[simem:s7], [sflag:s8] =	dma.local @!p0 [hbm:s6], $0xF7A  }
0x23: {  	s9 =	sor.u32 $0xD0000000, s2;
	s6 =	simm.s32 $0x108;
	_ =	swait.ge @!p0 [sflag:s8], $0x0  }
0x24: {  	s3 =	sadd.s32 $0x88, s3;
	s6 =	simm.s32 @!p1 $0x1082;
	[sflag:s4] =	ssyncset.s32 $0xFFFFF086  }
0x25: {  	[simem:s6], [sflag:s4] =	dma.local [hbm:s3], $0xF7A  }
0x26: {  	[smem:$0x3F9D] =	sst s1;
	(tag) =	ssettag s2;
	_ =	strace s9  }
0x27: {  	s1 =	sld [smem:$0x3FAD]  }
0x28: {  	s2 =	sld [smem:$0x3FAE]  }
0x29: {  	s4 =	sld [smem:$0x3FB0]  }
0x2a: {  	p0 =	seq.s32 s5, $0x0;
	s5 =	sld [smem:$0x3FB1]  }
0x2b: {  	s6 =	sld [smem:$0x3FB2]  }
0x2c: {  	s7 =	sld [smem:$0x3FB3]  }
0x2d: {  	s3 =	simm.s32 $0x108;
	s8 =	sld [smem:$0x3FB4]  }
0x2e: {  	s3 =	simm.s32 @!p0 $0x1082;
	s9 =	sld [smem:$0x3FB5]  }
0x2f: {  	lr =	sadd.s32 s0, s3;
	s0 =	sld [smem:$0x3FAC]  }
0x30: {  	s3 =	sld [smem:$0x3FAF]  }
0x31: {  	[smem:$0x3FB8] =	sst s10  }
0x32: {  	s10 =	sld [smem:$0x3FB6];
	_ =	sdelay $0x3  }
0x33: {  	p0 =	seq.s32 s10, $0x1;
	s10 =	sld [smem:$0x3FB8];
	_ =	sdelay $0x3  }
0x34: {  	[smem:$0x3FB8] =	sst s10  }
0x35: {  	s10 =	sld [smem:$0x3FB7];
	_ =	sdelay $0x3  }
0x36: {  	p1 =	seq.s32 s10, $0x1;
	s10 =	sld [smem:$0x3FB8];
	_ =	sdelay $0x3  }
0x37: {  	[smem:$0x3FB8] =	sst s10  }
0x38: {  	s10 =	sld [smem:$0x3FB9]  }
0x39: {  	_ = 	snop;
	(pc) =	sbr.ind lr, $3  }
0x3a: {  	_ = 	snop  }
0x3b: {  	_ = 	snop  }
0x3c: {  	p2 =	seq.s32 s10, $0x1;
	s10 =	sld [smem:$0x3FB8]  }
0x3d: {  	_ =	shalt  }
0x3e: {  	_ =	shalt  }
0x3f: {  	_ =	shalt  }
0x40: {  	_ =	shalt  }
0x41: {  	_ =	shalt  }
0x42: {  	_ =	shalt  }
0x43: {  	_ =	shalt  }
0x44: {  	_ =	shalt  }
0x45: {  	_ =	shalt  }
0x46: {  	_ =	shalt  }
0x47: {  	_ =	shalt  }
0x48: {  	_ =	shalt  }
0x49: {  	_ =	shalt  }
0x4a: {  	_ =	shalt  }
0x4b: {  	_ =	shalt  }
0x4c: {  	_ =	shalt  }
0x4d: {  	_ =	shalt  }
0x4e: {  	_ =	shalt  }
0x4f: {  	_ =	shalt  }
0x50: {  	_ =	shalt  }
0x51: {  	_ =	shalt  }
0x52: {  	_ =	shalt  }
0x53: {  	_ =	shalt  }
0x54: {  	_ =	shalt  }
0x55: {  	_ =	shalt  }
0x56: {  	_ =	shalt  }
0x57: {  	_ =	shalt  }
0x58: {  	_ =	shalt  }
0x59: {  	_ =	shalt  }
0x5a: {  	_ =	shalt  }
0x5b: {  	_ =	shalt  }
0x5c: {  	_ =	shalt  }
0x5d: {  	_ =	shalt  }
0x5e: {  	_ =	shalt  }
0x5f: {  	_ =	shalt  }
0x60: {  	_ =	shalt  }
0x61: {  	_ =	shalt  }
0x62: {  	_ =	shalt  }
0x63: {  	_ =	shalt  }
0x64: {  	_ =	shalt  }
0x65: {  	_ =	shalt  }
0x66: {  	_ =	shalt  }
0x67: {  	_ =	shalt  }
0x68: {  	_ =	shalt  }
0x69: {  	_ =	shalt  }
0x6a: {  	_ =	shalt  }
0x6b: {  	_ =	shalt  }
0x6c: {  	_ =	shalt  }
0x6d: {  	_ =	shalt  }
0x6e: {  	_ =	shalt  }
0x6f: {  	_ =	shalt  }
0x70: {  	_ =	shalt  }
0x71: {  	_ =	shalt  }
0x72: {  	_ =	shalt  }
0x73: {  	_ =	shalt  }
0x74: {  	_ =	shalt  }
0x75: {  	_ =	shalt  }
0x76: {  	_ =	shalt  }
0x77: {  	_ =	shalt  }
0x78: {  	_ =	shalt  }
0x79: {  	_ =	shalt  }
0x7a: {  	_ =	shalt  }
0x7b: {  	_ =	shalt  }
0x7c: {  	_ =	shalt  }
0x7d: {  	_ =	shalt  }
0x7e: {  	_ =	shalt  }
0x7f: {  	_ =	shalt  }
0x80: {  	_ =	shalt  }
0x81: {  	_ =	shalt  }
0x82: {  	_ =	shalt  }
0x83: {  	_ =	shalt  }
0x84: {  	_ =	shalt  }
0x85: {  	_ =	shalt  }
0x86: {  	_ =	shalt  }
0x87: {  	_ =	shalt  }
.Lfunc_end0:
.L_simem_size_0:
called_computation_lowered:
.L_overlay_start_0:
0x88: {  	s2 =	sld [smem:$0x3FD9]  }
0x89: {  	s3 =	sld [smem:$0x3FFE];
	_ =	sdelay $0x1  }
0x8a: {  	s1 =	srdreg.scid  }
0x8b: {  	s0 =	sand.u32 $0x1, s1  }
0x8c: {  	s14 =	sshll.u32 s0, $0xA;
	s2 =	sadd.s32 s3, s2  }
0x8d: {  	s2 =	sadd.s32 s2, s14  }
0x8e: {  	[smem:$0x3FC4] =	sst s2  }
0x8f: {  	_ = 	snop  }
0x90: {  	s2 =	sld [smem:$0x3FD0];
	_ =	sdelay $0x2  }
0x91: {  	s15 =	simm.s32 $0xA;
	s4 =	simm.s32 $0x10  }
0x92: {  	[smem:s4], [sflag:s15] =	dma.local [hbm:s2], $0x1  }
0x93: {  	_ =	swait.eq [sflag:s15], $0x1  }
0x94: {  	s16 =	sld [smem:$0x10]  }
0x95: {  	s17 =	sld [smem:$0x11];
	[sflag:s15] =	ssyncset.done $0x0  }
0x96: {  	s5 =	sld [smem:$0x12];
	[sflag:s15] =	ssyncadd.s32 $0xFFFFFFFF  }
0x97: {  	s18 =	sld [smem:$0x13];
	(tm) =	ssettm $0x1  }
0x98: {  	s6 =	sld [smem:$0x3FFB];
	_ =	sdelay $0x3  }
0x99: {  	_ =	strace s6  }
0x9a: {  	s6 =	sld [smem:$0x3FFC];
	_ =	sdelay $0x3  }
0x9b: {  	_ =	strace s6  }
0x9c: {  	s6 =	sld [smem:$0x3FFD];
	_ =	sdelay $0x3  }
0x9d: {  	_ =	strace s6  }
0x9e: {  	_ =	strace $0x8FFFFFFF  }
0x9f: {  	s19 =	sld [smem:$0x3FDB];
	_ =	sdelay $0x1  }
0xa0: {  	s7 =	simm.s32 $_scs_section_size  }
0xa1: {  	s8 =	simm.s32 $_size__tile_overlayer_lowered;
	s9 =	simm.s32 $_tile_overlayer_lowered  }
0xa2: {  	s22 =	simm.s32 $0x1BFF;
	s21 =	sshll.u32 s9, $0x1;
	s6 =	sadd.s32 s7, s19  }
0xa3: {  	s10 =	simm.s32 $0x0;
	s20 =	sshll.u32 s8, $0x1;
	s8 =	sadd.s32 s21, s6  }
0xa4: {  	[timem:s10], [sflag:s22] =	dma.local [hbm:s8], s20  }
0xa5: {  	_ =	swait.ge [sflag:s22], s20  }
0xa6: {  	s7 =	ssub.s32 $0x0, s20;
	[sflag:s22] =	ssyncset.done $0x0  }
0xa7: {  	[sflag:s22] =	ssyncadd.s32 s7;
	_ =	sdelay $0x1  }
0xa8: {  	s23 =	simm.s32 $0x1B8B  }
0xa9: {  	_ =	swait.ge [sflag:s23], $0x1  }
0xaa: {  	[sflag:s23] =	ssyncset.done $0x0  }
0xab: {  	s25 =	simm.s32 $0x1B8E;
	s24 =	sld [smem:$0x3FFE];
	[sflag:s23] =	ssyncadd.s32 $0xFFFFFFFF  }
0xac: {  	s26 =	simm.s32 $execute0_lowered;
	[smem:$0x3FD2] =	sst s25  }
0xad: {  	s8 =	sshll.u32 s26, $0x1;
	_ =	strace $0x80000046;
	[dreg:$0x1] =	wrdreg $0xFFFFFFFF  }
0xae: {  	s28 =	simm.s32 $_size_execute0_lowered;
	s6 =	sadd.s32 s6, s8;
	[dreg:$0x0] =	wrdreg $0x0  }
0xaf: {  	s8 =	sshll.u32 s28, $0x1;
	[dreg:$0x2] =	wrdreg s6  }
0xb0: {  	[dreg:$0x3] =	wrdreg s8  }
0xb1: {  	[dreg:$0x4] =	wrdreg $0xC0  }
0xb2: {  	_ =	task [dreg:s10], $0x5FFFF  }
0xb3: {  	[dreg:$0x1] =	wrdreg $0xFFFFFFFF  }
0xb4: {  	[dreg:$0x0] =	wrdreg $0x60  }
0xb5: {  	[dreg:$0x2] =	wrdreg s24  }
0xb6: {  	[dreg:$0x3] =	wrdreg s5  }
0xb7: {  	[dreg:$0x4] =	wrdreg s16  }
0xb8: {  	[dreg:$0x5] =	wrdreg s18  }
0xb9: {  	[dreg:$0x6] =	wrdreg s17  }
0xba: {  	[dreg:$0x7] =	wrdreg $0x9  }
0xbb: {  	_ =	task.clear_ibuf [dreg:s10], $0x8FFFF;
	_ =	strace $0x90000046  }
0xbc: {  	s29 =	simm.s32 $0x9;
	_ =	strace $0x80000048  }
0xbd: {  	_ =	swait.ge [sflag:s29], $0x1  }
0xbe: {  	[sflag:s29] =	ssyncadd.s32 $0xFFFFFFFF  }
0xbf: {  	_ =	strace $0x90000048  }
0xc0: {  	_ =	sfence  }
0xc1: {  	s30 =	sld [smem:$0x0];
	_ =	sdelay $0x2  }
0xc2: {  	s31 =	sshll.u32 s1, $0xD;
	s1 =	sshrl.u32 s1, $0x2  }
0xc3: {  	s3 =	sand.u32 $0x4000, s31;
	s1 =	sadd.s32 s1, s30  }
0xc4: {  	s0 =	sor.u32 s3, s0;
	s1 =	sshll.u32 s1, $0x11  }
0xc5: {  	s0 =	sor.u32 s1, s0  }
0xc6: {  	s0 =	sadd.s32 $0x8F2B, s0  }
0xc7: {  	[sflag:s0] =	ssyncadd.remote.s32 $0x1  }
0xc8: {  	_ =	sfence.sel $0xFFFF  }
0xc9: {  	[dreg:$0x0] =	wrdreg $0xFFFFFFFF;
	(pc) =	sbr.abs _section_cstart, $3  }
0xca: {  	[dreg:$0x1] =	wrdreg $0xFFFFFFFF  }
0xcb: {  	_ =	task.clear_ibuf [dreg:s10], $0x2FFFF;
	_ =	strace $0x9FFFFFFF  }
0xcc: {  	(tm) =	ssettm $0x7FFFFFFF  }
0xcd: {  	_ =	shalt  }
tec
execute0_lowered:
.L_overlay_start_1:
0x0: {  	(tag) =	ssettag $0x1  }
0x1: {  	s0 =	rddreg [dreg:$0x0]  }
0x2: {  	s2 =	rddreg [dreg:$0x2]  }
0x3: {  	s3 =	rddreg [dreg:$0x3]  }
0x4: {  	s7 =	rddreg [dreg:$0x4]  }
0x5: {  	s1 =	srdreg.scid;
	s10 =	stileid.u32  }
0x6: {  	s4 =	simm.s32 $0x0;
	s17 =	simm.s32 $0x5;
	s19 =	simm.s32 $0x5200  }
0x7: {  	s20 =	simm.s32 $0x7980;
	s28 =	simm.s32 $0x3;
	s29 =	simm.s32 $0x4  }
0x8: {  	s31 =	simm.s32 $0x0;
	s1 =	sand.u32 $0x1, s1;
	s5 =	sshll.u32 s10, $0x1  }
0x9: {  	[smem:$0x7FF] =	sst s4;
	s6 =	sadd.s32 $0xA00, s0;
	s11 =	smul.u32 $0x290000, s10  }
0xa: {  	s21 =	sadd.s32 $0x28200, s0;
	s5 =	sor.u32 s1, s5;
	s12 =	smul.u32 $0x148000, s1  }
0xb: {  	_ =	strace $0x80000047;
	s9 =	ssub.s32 $0x2, s1;
	s8 =	smul.u32 $0x520, s5  }
0xc: {  	[dreg:$0x6] =	wrdreg s21;
	s1 =	sadd.s32 $0x32C00, s0;
	s10 =	smul.u32 $0x148000, s5  }
0xd: {  	s21 =	simm.s32 $0x80;
	s22 =	sshrl.u32 s9, $0x1;
	s26 =	smul.u32 $0x4F0, s5  }
0xe: {  	p0 =	sne.s32 s5, $0x1F;
	s23 =	ssub.s32 s9, s22;
	s24 =	sadd.s32 s12, s11  }
0xf: {  	s12 =	sadd.s32 $0x509000, s3;
	s22 =	simm.s32 $0xF180;
	s13 =	sadd.s32 s8, s0  }
.Ltmp0:
0x10: {  	s2 =	sadd.s32 s2, s8;
	s14 =	sadd.s32 s7, s26;
	(pc) =	sbr.rel .LBB2_1-.Ltmp0, $4  }
0x11: {  	s15 =	smax.u32 s23, $0x1;
	s26 =	simm.s32 $0x2;
	[dreg:$0x7] =	wrdreg s2  }
0x12: {  	s25 =	sadd.s32 $0x28800, s13;
	s2 =	sor.u32 $0x4000, s24;
	s30 =	sadd.s32 $0x5BC00, s13  }
0x13: {  	s24 =	simm.s32 $0x1;
	[dreg:$0x8] =	wrdreg s25;
	s2 =	sshrl.u32 s2, $0x3  }
0x14: {  	v0 =	vimm.f32 $0.0e+00;
	[dreg:$0x9] =	wrdreg s30;
	s25 =	simm.s32 $0xCA00;
	s2 =	sadd.s32 s2, s3  }
.LBB2_9:
0x15: {  	_ =	swait.ge [sflag:s28], $0x4000  }
0x16: {  	[sflag:s28] =	ssyncset.done $0x0  }
0x17: {  	[sflag:s28] =	ssyncadd.s32 $0xFFFFC000  }
0x18: {  	_ =	swait.ge [sflag:s29], $0x4000  }
0x19: {  	[sflag:s29] =	ssyncset.done $0x0  }
0x1a: {  	s7 =	simm.s32 $0xA100;
	s0 =	rddreg [dreg:$0x9];
	[sflag:s29] =	ssyncadd.s32 $0xFFFFC000  }
0x1b: {  	[hbm4b:s0+s4] =	stream.linear.scatter [tilespmem:s7], [sflag:$0x5], $0x2900, $0x38;
	[tilespmem:$0x1F180] =	vst v63  }
0x1c: {  	s31 =	sadd.s32 $0x1, s31;
	_ =	swait.ge [sflag:s17], $0x2900  }
0x1d: {  	p1 =	sne.s32 s31, s15;
	[sflag:s17] =	ssyncset.done $0x0  }
.Ltmp1:
0x1e: {  	[sflag:s17] =	ssyncadd.s32 $0xFFFFD700;
	(pc) =	sbr.rel @!p1 .LBB2_10-.Ltmp1, $4  }
0x1f: {  	[hbm4b:s14+s4] =	stream.linear.scatter [tilespmem:s25], [sflag:$0x5], $0x2780, $0x38;
	[tilespmem:$0x1F180] =	vst v63  }
0x20: {  	_ =	swait.ge [sflag:s17], $0x2780  }
0x21: {  	[sflag:s17] =	ssyncset.done $0x0  }
0x22: {  	[sflag:s17] =	ssyncadd.s32 $0xFFFFD880  }
.LBB2_1:
0x23: {  	s0 =	rddreg [dreg:$0x7]  }
0x24: {  	[tilespmem:s4], [sflag:$0x5] =	stream.linear.gather [hbm4b:s0+s4], $0x2900, $0x38;
	[tilespmem:$0x1F180] =	vst v63  }
0x25: {  	_ =	swait.ge [sflag:s17], $0x2900  }
0x26: {  	[sflag:s17] =	ssyncset.done $0x0  }
0x27: {  	s7 =	simm.s32 $0x2900;
	s18 =	rddreg [dreg:$0x8];
	[sflag:s17] =	ssyncadd.s32 $0xFFFFD700  }
0x28: {  	[tilespmem:s7], [sflag:$0x5] =	stream.linear.gather [hbm4b:s18+s4], $0x2900, $0x38;
	[tilespmem:$0x1F180] =	vst v63  }
0x29: {  	_ =	swait.ge [sflag:s17], $0x2900  }
0x2a: {  	[sflag:s17] =	ssyncset.done $0x0  }
0x2b: {  	s23 =	rddreg [dreg:$0x6];
	[sflag:s17] =	ssyncadd.s32 $0xFFFFD700  }
0x2c: {  	[tilespmem:s19], [sflag:$0x5] =	stream.linear.gather [hbm4b:s23+s4], $0x2780, $0x38;
	[tilespmem:$0x1F180] =	vst v63  }
0x2d: {  	_ =	swait.ge [sflag:s17], $0x2780  }
0x2e: {  	[sflag:s17] =	ssyncset.done $0x0  }
0x2f: {  	[sflag:s17] =	ssyncadd.s32 $0xFFFFD880  }
0x30: {  	s30 =	rddreg [dreg:$0x1]  }
0x31: {  	[tilespmem:s20], [sflag:$0x5] =	stream.linear.gather [hbm4b:s30+s4], $0x2780, $0x38;
	[tilespmem:$0x1F180] =	vst v63  }
0x32: {  	_ =	swait.ge [sflag:s17], $0x2780  }
0x33: {  	[sflag:s17] =	ssyncset.done $0x0  }
0x34: {  	s0 =	simm.s32 $0xCA40;
	[sflag:s17] =	ssyncadd.s32 $0xFFFFD880  }
0x35: {  	[tilespmem:s0+$0xFFFFFFC0] =	vst v0  }
0x36: {  	[tilespmem:s0+$0x30] =	vst v0  }
0x37: {  	[tilespmem:s0+$0x20] =	vst v0  }
0x38: {  	[tilespmem:s0+$0x10] =	vst v0  }
0x39: {  	[tilespmem:s0+$0x0] =	vst v0  }
0x3a: {  	[tilespmem:s0+$0xFFFFFFF0] =	vst v0  }
0x3b: {  	s7 =	simm.s32 $0x0;
	[tilespmem:s0+$0xFFFFFFE0] =	vst v0  }
.LBB2_2:
0x3c: {  	s7 =	sadd.s32 $0x8, s7;
	[tilespmem:s0+$0xFFFFFFD0] =	vst v0;
	s0 =	sadd.s32 $0x80, s0  }
0x3d: {  	[tilespmem:s0+$0xFFFFFFC0] =	vst v0;
	p1 =	slt.u32 s7, $0x270  }
0x3e: {  	[tilespmem:s0+$0x30] =	vst v0  }
.Ltmp2:
0x3f: {  	[tilespmem:s0+$0x20] =	vst v0;
	(pc) =	sbr.rel @p1 .LBB2_2-.Ltmp2, $4  }
0x40: {  	[tilespmem:s0+$0x10] =	vst v0  }
0x41: {  	[tilespmem:s0+$0x0] =	vst v0  }
0x42: {  	[tilespmem:s0+$0xFFFFFFF0] =	vst v0  }
0x43: {  	[tilespmem:s0+$0xFFFFFFE0] =	vst v0  }
.Ltmp3:
0x44: {  	(pc) =	sbr.rel .LBB2_4-.Ltmp3, $4  }
0x45: {  	[tilespmem:s0+$0xFFFFFFD0] =	vst v0;
	s0 =	simm.s32 $0x0;
	s7 =	simm.s32 $0x13180;
	s16 =	smov.u32 s2  }
0x46: {  	[tilespmem:s22], [sflag:$0x1] =	stream.indirect.gather [hbm4b:s6+s21], $0x80, s0, s21, $0xb8;
	[tilespmem:$0x1F180] =	vst v63  }
0x47: {  	s8 =	smov.u32 s1;
	s18 =	simm.s32 $0x0;
	s23 =	simm.s32 $0x0  }
0x48: {  	[tilespmem:s7], [sflag:$0x2] =	stream.indirect.gather [hbm4b:s6+s21], $0x80, s21, s21, $0xb8;
	[tilespmem:$0x1F180] =	vst v63  }
.LBB2_5:
0x49: {  	[hbm4b:s12+s4] =	stream.linear.scatter [tilespmem:s22], [sflag:$0x5], $0x800, $0x38;
	[tilespmem:$0x1F180] =	vst v63  }
0x4a: {  	_ =	swait.ge [sflag:s17], $0x800  }
0x4b: {  	[sflag:s17] =	ssyncset.done $0x0  }
0x4c: {  	[sflag:s17] =	ssyncadd.s32 $0xFFFFF800  }
.LBB2_7:
0x4d: {  	s30 =	sshll.u32 s9, $0xF;
	s11 =	sshra.s32 s0, $0x2  }
0x4e: {  	p3 =	por $0x0, $0x0;
	s30 =	sadd.s32 $0xF180, s30;
	s11 =	sadd.s32 $0x100, s11  }
0x4f: {  	[tilespmem:s30], [sflag:$0x1] =	stream.indirect.gather [hbm4b:s6+s21], $0x80, s11, s21, $0xb8;
	[tilespmem:$0x1F180] =	vst v63  }
.LBB2_8:
0x50: {  	s30 =	sshra.s32 s0, $0x2  }
0x51: {  	v1 =	vld [tilespmem:s30+$0x2900]  }
0x52: {  	v2 =	vld [tilespmem:s30+$0x0];
	_ =	sdelay $0x6  }
0x53: {  	v3 =	vld.idx.msk [tilespmem:v1+s19+$0x0], $0xffff  }
0x54: {  	v2 =	vld.idx.msk [tilespmem:v2+s20+$0x0], $0xffff;
	_ =	sdelay $0x4  }
0x55: {  	v2 =	vadd.f32 v2, v3;
	_ =	sdelay $0x1  }
0x56: {  	v3 =	vmul.f32 $9.999999770e-03, v2;
	_ =	sdelay $0x1  }
0x57: {  	v2 =	vmax.f32 v2, v3  }
0x58: {  	v2 =	vmul.f32 $1.442695020e+00, v2;
	_ =	sdelay $0x1  }
0x59: {  	(erf) = vpow2.f32 v2;
	_ =	sdelay $0x8  }
0x5a: {  	v2 =	vpop (erf)  }
0x5b: {  	[tilespmem:s30+$0xA100] =	vst v2  }
0x5c: {  	[tilespmem:v1+s25+$0x0] =	vst.idx.add.f32.msk $0xffff, v2  }
0x5d: {  	v1 =	vld [tilespmem:s30+$0x2910]  }
0x5e: {  	v2 =	vld [tilespmem:s30+$0x10];
	_ =	sdelay $0x6  }
0x5f: {  	v3 =	vld.idx.msk [tilespmem:v1+s19+$0x0], $0xffff  }
0x60: {  	v2 =	vld.idx.msk [tilespmem:v2+s20+$0x0], $0xffff;
	_ =	sdelay $0x4  }
0x61: {  	v2 =	vadd.f32 v2, v3;
	_ =	sdelay $0x1  }
0x62: {  	v3 =	vmul.f32 $9.999999770e-03, v2;
	_ =	sdelay $0x1  }
0x63: {  	v2 =	vmax.f32 v2, v3  }
0x64: {  	v2 =	vmul.f32 $1.442695020e+00, v2;
	_ =	sdelay $0x1  }
0x65: {  	(erf) = vpow2.f32 v2;
	_ =	sdelay $0x8  }
0x66: {  	v2 =	vpop (erf)  }
0x67: {  	[tilespmem:s30+$0xA110] =	vst v2  }
0x68: {  	[tilespmem:v1+s25+$0x0] =	vst.idx.add.f32.msk $0xffff, v2  }
0x69: {  	v1 =	vld [tilespmem:s30+$0x2920]  }
0x6a: {  	v2 =	vld [tilespmem:s30+$0x20];
	_ =	sdelay $0x6  }
0x6b: {  	v3 =	vld.idx.msk [tilespmem:v1+s19+$0x0], $0xffff  }
0x6c: {  	v2 =	vld.idx.msk [tilespmem:v2+s20+$0x0], $0xffff;
	_ =	sdelay $0x4  }
0x6d: {  	v2 =	vadd.f32 v2, v3;
	_ =	sdelay $0x1  }
0x6e: {  	v3 =	vmul.f32 $9.999999770e-03, v2;
	_ =	sdelay $0x1  }
0x6f: {  	v2 =	vmax.f32 v2, v3  }
0x70: {  	v2 =	vmul.f32 $1.442695020e+00, v2;
	_ =	sdelay $0x1  }
0x71: {  	(erf) = vpow2.f32 v2;
	_ =	sdelay $0x8  }
0x72: {  	v2 =	vpop (erf)  }
0x73: {  	[tilespmem:s30+$0xA120] =	vst v2  }
0x74: {  	[tilespmem:v1+s25+$0x0] =	vst.idx.add.f32.msk $0xffff, v2  }
0x75: {  	v1 =	vld [tilespmem:s30+$0x2930]  }
0x76: {  	v2 =	vld [tilespmem:s30+$0x30];
	_ =	sdelay $0x6  }
0x77: {  	v3 =	vld.idx.msk [tilespmem:v1+s19+$0x0], $0xffff  }
0x78: {  	v2 =	vld.idx.msk [tilespmem:v2+s20+$0x0], $0xffff;
	_ =	sdelay $0x4  }
0x79: {  	v2 =	vadd.f32 v2, v3;
	_ =	sdelay $0x1  }
0x7a: {  	v3 =	vmul.f32 $9.999999770e-03, v2;
	_ =	sdelay $0x1  }
0x7b: {  	v2 =	vmax.f32 v2, v3  }
0x7c: {  	v2 =	vmul.f32 $1.442695020e+00, v2;
	_ =	sdelay $0x1  }
0x7d: {  	(erf) = vpow2.f32 v2;
	_ =	sdelay $0x8  }
0x7e: {  	v2 =	vpop (erf)  }
0x7f: {  	[tilespmem:s30+$0xA130] =	vst v2  }
0x80: {  	[tilespmem:v1+s25+$0x0] =	vst.idx.add.f32.msk $0xffff, v2  }
0x81: {  	v1 =	vld [tilespmem:s30+$0x2940]  }
0x82: {  	v2 =	vld [tilespmem:s30+$0x40];
	_ =	sdelay $0x6  }
0x83: {  	v3 =	vld.idx.msk [tilespmem:v1+s19+$0x0], $0xffff  }
0x84: {  	v2 =	vld.idx.msk [tilespmem:v2+s20+$0x0], $0xffff;
	_ =	sdelay $0x4  }
0x85: {  	v2 =	vadd.f32 v2, v3;
	_ =	sdelay $0x1  }
0x86: {  	v3 =	vmul.f32 $9.999999770e-03, v2;
	_ =	sdelay $0x1  }
0x87: {  	v2 =	vmax.f32 v2, v3  }
0x88: {  	v2 =	vmul.f32 $1.442695020e+00, v2;
	_ =	sdelay $0x1  }
0x89: {  	(erf) = vpow2.f32 v2;
	_ =	sdelay $0x8  }
0x8a: {  	v2 =	vpop (erf)  }
0x8b: {  	[tilespmem:s30+$0xA140] =	vst v2  }
0x8c: {  	[tilespmem:v1+s25+$0x0] =	vst.idx.add.f32.msk $0xffff, v2  }
0x8d: {  	v1 =	vld [tilespmem:s30+$0x2950]  }
0x8e: {  	v2 =	vld [tilespmem:s30+$0x50];
	_ =	sdelay $0x6  }
0x8f: {  	v3 =	vld.idx.msk [tilespmem:v1+s19+$0x0], $0xffff  }
0x90: {  	v2 =	vld.idx.msk [tilespmem:v2+s20+$0x0], $0xffff;
	_ =	sdelay $0x4  }
0x91: {  	v2 =	vadd.f32 v2, v3;
	_ =	sdelay $0x1  }
0x92: {  	v3 =	vmul.f32 $9.999999770e-03, v2;
	_ =	sdelay $0x1  }
0x93: {  	v2 =	vmax.f32 v2, v3  }
0x94: {  	v2 =	vmul.f32 $1.442695020e+00, v2;
	_ =	sdelay $0x1  }
0x95: {  	(erf) = vpow2.f32 v2;
	_ =	sdelay $0x8  }
0x96: {  	v2 =	vpop (erf)  }
0x97: {  	[tilespmem:s30+$0xA150] =	vst v2  }
0x98: {  	[tilespmem:v1+s25+$0x0] =	vst.idx.add.f32.msk $0xffff, v2  }
0x99: {  	v1 =	vld [tilespmem:s30+$0x2960]  }
0x9a: {  	v2 =	vld [tilespmem:s30+$0x60];
	_ =	sdelay $0x6  }
0x9b: {  	v3 =	vld.idx.msk [tilespmem:v1+s19+$0x0], $0xffff  }
0x9c: {  	v2 =	vld.idx.msk [tilespmem:v2+s20+$0x0], $0xffff;
	_ =	sdelay $0x4  }
0x9d: {  	v2 =	vadd.f32 v2, v3;
	_ =	sdelay $0x1  }
0x9e: {  	v3 =	vmul.f32 $9.999999770e-03, v2;
	_ =	sdelay $0x1  }
0x9f: {  	v2 =	vmax.f32 v2, v3  }
0xa0: {  	v2 =	vmul.f32 $1.442695020e+00, v2;
	_ =	sdelay $0x1  }
0xa1: {  	(erf) = vpow2.f32 v2;
	_ =	sdelay $0x8  }
0xa2: {  	v2 =	vpop (erf)  }
0xa3: {  	[tilespmem:s30+$0xA160] =	vst v2  }
0xa4: {  	[tilespmem:v1+s25+$0x0] =	vst.idx.add.f32.msk $0xffff, v2  }
0xa5: {  	v1 =	vld [tilespmem:s30+$0x2970]  }
0xa6: {  	v2 =	vld [tilespmem:s30+$0x70];
	_ =	sdelay $0x6  }
0xa7: {  	v3 =	vld.idx.msk [tilespmem:v1+s19+$0x0], $0xffff  }
0xa8: {  	v2 =	vld.idx.msk [tilespmem:v2+s20+$0x0], $0xffff;
	_ =	sdelay $0x4  }
0xa9: {  	v2 =	vadd.f32 v2, v3;
	_ =	sdelay $0x1  }
0xaa: {  	v3 =	vmul.f32 $9.999999770e-03, v2;
	_ =	sdelay $0x1  }
0xab: {  	v2 =	vmax.f32 v2, v3  }
0xac: {  	v2 =	vmul.f32 $1.442695020e+00, v2;
	_ =	sdelay $0x1  }
0xad: {  	(erf) = vpow2.f32 v2;
	_ =	sdelay $0x8  }
0xae: {  	v2 =	vpop (erf)  }
0xaf: {  	[tilespmem:s30+$0xA170] =	vst v2  }
0xb0: {  	[tilespmem:v1+s25+$0x0] =	vst.idx.add.f32.msk $0xffff, v2  }
0xb1: {  	_ =	swait.ge [sflag:s26], $0x4000  }
0xb2: {  	s11 =	sshll.u32 s23, $0x1;
	[sflag:s26] =	ssyncset.done $0x0  }
0xb3: {  	s13 =	simm.s32 @!p1 $0x4;
	s11 =	sor.u32 $0x1, s11;
	[sflag:s26] =	ssyncadd.s32 $0xFFFFC000  }
0xb4: {  	s11 =	sshll.u32 s11, $0xB;
	_ =	swait.ge @!p1 [sflag:s13], $0x4000  }
0xb5: {  	s11 =	sadd.s32 s1, s11;
	[sflag:s13] =	ssyncset.done @!p1 $0x0  }
0xb6: {  	s7 =	sadd.s32 $0x13180, s7;
	s11 =	smov.u32 @p2 s16;
	[sflag:s13] =	ssyncadd.s32 @!p1 $0xFFFFC000  }
0xb7: {  	[hbm4b:s11+s4] =	stream.linear.scatter [tilespmem:s7], [sflag:$0x4], $0x4000, $0x38;
	[tilespmem:$0x1F180] =	vst v63  }
0xb8: {  	s7 =	sshll.u32 @!p3 s9, $0xF;
	s9 =	sshra.s32 @!p3 s0, $0x2  }
0xb9: {  	s11 =	simm.s32 @!p3 $0x80;
	s7 =	sor.u32 @!p3 $0x13180, s7;
	s9 =	sadd.s32 @!p3 $0x180, s9  }
0xba: {  	[tilespmem:s7], [sflag:$0x2] =	stream.indirect.gather @!p3 [hbm4b:s6+s11], $0x80, s9, s11, $0xb8;
	[tilespmem:$0x1F180] =	vst v63  }
0xbb: {  	v1 =	vld [tilespmem:s30+$0x2980]  }
0xbc: {  	v2 =	vld [tilespmem:s30+$0x80];
	_ =	sdelay $0x6  }
0xbd: {  	v3 =	vld.idx.msk [tilespmem:v1+s19+$0x0], $0xffff  }
0xbe: {  	v2 =	vld.idx.msk [tilespmem:v2+s20+$0x0], $0xffff;
	_ =	sdelay $0x4  }
0xbf: {  	v2 =	vadd.f32 v2, v3;
	_ =	sdelay $0x1  }
0xc0: {  	v3 =	vmul.f32 $9.999999770e-03, v2;
	_ =	sdelay $0x1  }
0xc1: {  	v2 =	vmax.f32 v2, v3  }
0xc2: {  	v2 =	vmul.f32 $1.442695020e+00, v2;
	_ =	sdelay $0x1  }
0xc3: {  	(erf) = vpow2.f32 v2;
	_ =	sdelay $0x8  }
0xc4: {  	v2 =	vpop (erf)  }
0xc5: {  	[tilespmem:s30+$0xA180] =	vst v2  }
0xc6: {  	[tilespmem:v1+s25+$0x0] =	vst.idx.add.f32.msk $0xffff, v2  }
0xc7: {  	v1 =	vld [tilespmem:s30+$0x2990]  }
0xc8: {  	v2 =	vld [tilespmem:s30+$0x90];
	_ =	sdelay $0x6  }
0xc9: {  	v3 =	vld.idx.msk [tilespmem:v1+s19+$0x0], $0xffff  }
0xca: {  	v2 =	vld.idx.msk [tilespmem:v2+s20+$0x0], $0xffff;
	_ =	sdelay $0x4  }
0xcb: {  	v2 =	vadd.f32 v2, v3;
	_ =	sdelay $0x1  }
0xcc: {  	v3 =	vmul.f32 $9.999999770e-03, v2;
	_ =	sdelay $0x1  }
0xcd: {  	v2 =	vmax.f32 v2, v3  }
0xce: {  	v2 =	vmul.f32 $1.442695020e+00, v2;
	_ =	sdelay $0x1  }
0xcf: {  	(erf) = vpow2.f32 v2;
	_ =	sdelay $0x8  }
0xd0: {  	v2 =	vpop (erf)  }
0xd1: {  	[tilespmem:s30+$0xA190] =	vst v2  }
0xd2: {  	[tilespmem:v1+s25+$0x0] =	vst.idx.add.f32.msk $0xffff, v2  }
0xd3: {  	v1 =	vld [tilespmem:s30+$0x29A0]  }
0xd4: {  	v2 =	vld [tilespmem:s30+$0xA0];
	_ =	sdelay $0x6  }
0xd5: {  	v3 =	vld.idx.msk [tilespmem:v1+s19+$0x0], $0xffff  }
0xd6: {  	v2 =	vld.idx.msk [tilespmem:v2+s20+$0x0], $0xffff;
	_ =	sdelay $0x4  }
0xd7: {  	v2 =	vadd.f32 v2, v3;
	_ =	sdelay $0x1  }
0xd8: {  	v3 =	vmul.f32 $9.999999770e-03, v2;
	_ =	sdelay $0x1  }
0xd9: {  	v2 =	vmax.f32 v2, v3  }
0xda: {  	v2 =	vmul.f32 $1.442695020e+00, v2;
	_ =	sdelay $0x1  }
0xdb: {  	(erf) = vpow2.f32 v2;
	_ =	sdelay $0x8  }
0xdc: {  	v2 =	vpop (erf)  }
0xdd: {  	[tilespmem:s30+$0xA1A0] =	vst v2  }
0xde: {  	[tilespmem:v1+s25+$0x0] =	vst.idx.add.f32.msk $0xffff, v2  }
0xdf: {  	v1 =	vld [tilespmem:s30+$0x29B0]  }
0xe0: {  	v2 =	vld [tilespmem:s30+$0xB0];
	_ =	sdelay $0x6  }
0xe1: {  	v3 =	vld.idx.msk [tilespmem:v1+s19+$0x0], $0xffff  }
0xe2: {  	v2 =	vld.idx.msk [tilespmem:v2+s20+$0x0], $0xffff;
	_ =	sdelay $0x4  }
0xe3: {  	v2 =	vadd.f32 v2, v3;
	_ =	sdelay $0x1  }
0xe4: {  	v3 =	vmul.f32 $9.999999770e-03, v2;
	_ =	sdelay $0x1  }
0xe5: {  	v2 =	vmax.f32 v2, v3  }
0xe6: {  	v2 =	vmul.f32 $1.442695020e+00, v2;
	_ =	sdelay $0x1  }
0xe7: {  	(erf) = vpow2.f32 v2;
	_ =	sdelay $0x8  }
0xe8: {  	v2 =	vpop (erf)  }
0xe9: {  	[tilespmem:s30+$0xA1B0] =	vst v2  }
0xea: {  	[tilespmem:v1+s25+$0x0] =	vst.idx.add.f32.msk $0xffff, v2  }
0xeb: {  	v1 =	vld [tilespmem:s30+$0x29C0]  }
0xec: {  	v2 =	vld [tilespmem:s30+$0xC0];
	_ =	sdelay $0x6  }
0xed: {  	v3 =	vld.idx.msk [tilespmem:v1+s19+$0x0], $0xffff  }
0xee: {  	v2 =	vld.idx.msk [tilespmem:v2+s20+$0x0], $0xffff;
	_ =	sdelay $0x4  }
0xef: {  	v2 =	vadd.f32 v2, v3;
	_ =	sdelay $0x1  }
0xf0: {  	v3 =	vmul.f32 $9.999999770e-03, v2;
	_ =	sdelay $0x1  }
0xf1: {  	v2 =	vmax.f32 v2, v3  }
0xf2: {  	v2 =	vmul.f32 $1.442695020e+00, v2;
	_ =	sdelay $0x1  }
0xf3: {  	(erf) = vpow2.f32 v2;
	_ =	sdelay $0x8  }
0xf4: {  	v2 =	vpop (erf)  }
0xf5: {  	[tilespmem:s30+$0xA1C0] =	vst v2  }
0xf6: {  	[tilespmem:v1+s25+$0x0] =	vst.idx.add.f32.msk $0xffff, v2  }
0xf7: {  	v1 =	vld [tilespmem:s30+$0x29D0]  }
0xf8: {  	v2 =	vld [tilespmem:s30+$0xD0];
	_ =	sdelay $0x6  }
0xf9: {  	v3 =	vld.idx.msk [tilespmem:v1+s19+$0x0], $0xffff  }
0xfa: {  	v2 =	vld.idx.msk [tilespmem:v2+s20+$0x0], $0xffff;
	_ =	sdelay $0x4  }
0xfb: {  	v2 =	vadd.f32 v2, v3;
	_ =	sdelay $0x1  }
0xfc: {  	v3 =	vmul.f32 $9.999999770e-03, v2;
	_ =	sdelay $0x1  }
0xfd: {  	v2 =	vmax.f32 v2, v3  }
0xfe: {  	v2 =	vmul.f32 $1.442695020e+00, v2;
	_ =	sdelay $0x1  }
0xff: {  	(erf) = vpow2.f32 v2;
	_ =	sdelay $0x8  }
0x100: {  	v2 =	vpop (erf)  }
0x101: {  	[tilespmem:s30+$0xA1D0] =	vst v2  }
0x102: {  	[tilespmem:v1+s25+$0x0] =	vst.idx.add.f32.msk $0xffff, v2  }
0x103: {  	v1 =	vld [tilespmem:s30+$0x29E0]  }
0x104: {  	v2 =	vld [tilespmem:s30+$0xE0];
	_ =	sdelay $0x6  }
0x105: {  	v3 =	vld.idx.msk [tilespmem:v1+s19+$0x0], $0xffff  }
0x106: {  	v2 =	vld.idx.msk [tilespmem:v2+s20+$0x0], $0xffff;
	_ =	sdelay $0x4  }
0x107: {  	v2 =	vadd.f32 v2, v3;
	_ =	sdelay $0x1  }
0x108: {  	v3 =	vmul.f32 $9.999999770e-03, v2;
	_ =	sdelay $0x1  }
0x109: {  	v2 =	vmax.f32 v2, v3  }
0x10a: {  	v2 =	vmul.f32 $1.442695020e+00, v2;
	_ =	sdelay $0x1  }
0x10b: {  	(erf) = vpow2.f32 v2;
	_ =	sdelay $0x8  }
0x10c: {  	v2 =	vpop (erf)  }
0x10d: {  	[tilespmem:s30+$0xA1E0] =	vst v2  }
0x10e: {  	[tilespmem:v1+s25+$0x0] =	vst.idx.add.f32.msk $0xffff, v2  }
0x10f: {  	v1 =	vld [tilespmem:s30+$0x29F0]  }
0x110: {  	v2 =	vld [tilespmem:s30+$0xF0];
	_ =	sdelay $0x6  }
0x111: {  	v3 =	vld.idx.msk [tilespmem:v1+s19+$0x0], $0xffff  }
0x112: {  	v2 =	vld.idx.msk [tilespmem:v2+s20+$0x0], $0xffff;
	_ =	sdelay $0x4  }
0x113: {  	v2 =	vadd.f32 v2, v3;
	_ =	sdelay $0x1  }
0x114: {  	v3 =	vmul.f32 $9.999999770e-03, v2;
	_ =	sdelay $0x1  }
0x115: {  	v2 =	vmax.f32 v2, v3  }
0x116: {  	v2 =	vmul.f32 $1.442695020e+00, v2;
	_ =	sdelay $0x1  }
0x117: {  	(erf) = vpow2.f32 v2;
	_ =	sdelay $0x4  }
0x118: {  	s0 =	sadd.s32 $0x400, s0  }
0x119: {  	p1 =	sne.s32 s0, $0xA400  }
.Ltmp4:
0x11a: {  	_ = 	snop;
	(pc) =	sbr.rel @!p1 .LBB2_9-.Ltmp4, $4  }
0x11b: {  	_ = 	snop  }
0x11c: {  	v2 =	vpop (erf)  }
0x11d: {  	s18 =	sadd.s32 $0x20000, s18;
	[tilespmem:s30+$0xA1F0] =	vst v2  }
0x11e: {  	s8 =	sadd.s32 $0x1000, s8;
	s23 =	sadd.s32 $0x1, s23;
	s16 =	sadd.s32 $0x1000, s16;
	[tilespmem:v1+s25+$0x0] =	vst.idx.add.f32.msk $0xffff, v2  }
.LBB2_4:
0x11f: {  	_ =	swait.ge [sflag:s24], $0x4000;
	p1 =	seq.s32 s0, $0x0  }
0x120: {  	[sflag:s24] =	ssyncset.done $0x0;
	p2 =	sne.s32 @!p1 s5, $0x1F  }
0x121: {  	s7 =	simm.s32 @!p1 $0x3;
	[sflag:s24] =	ssyncadd.s32 $0xFFFFC000;
	p2 =	por p1, p2  }
0x122: {  	_ =	swait.ge @!p1 [sflag:s7], $0x4000;
	p3 =	sgt.u32 @!p2 s23, $0x11  }
0x123: {  	[sflag:s7] =	ssyncset.done @!p1 $0x0;
	p3 =	por p2, !p3  }
0x124: {  	[sflag:s7] =	ssyncadd.s32 @!p1 $0xFFFFC000;
	s7 =	sshll.u32 @p3 s23, $0xF  }
0x125: {  	s7 =	sadd.s32 @p3 s10, s7  }
0x126: {  	s9 =	smov.u32 s8;
	p2 =	por @!p1 $0x0, $0x0;
	s7 =	sshrl.u32 @p3 s7, $0x3  }
0x127: {  	p2 =	por @p3 $0x1, $0x1;
	s9 =	sadd.s32 @p3 s3, s7;
	p3 =	sne.s32 @!p0 s0, $0x4800  }
0x128: {  	s13 =	sand.u32 $0x20000, s18;
	p3 =	por p0, p3  }
.Ltmp5:
0x129: {  	s7 =	sshrl.u32 s13, $0x2;
	(pc) =	sbr.rel @!p3 .LBB2_5-.Ltmp5, $4  }
0x12a: {  	s30 =	sadd.s32 $0xF180, s7  }
0x12b: {  	[hbm4b:s9+s4] =	stream.linear.scatter [tilespmem:s30], [sflag:$0x3], $0x4000, $0x38;
	[tilespmem:$0x1F180] =	vst v63  }
0x12c: {  	s30 =	sxor.u32 $0xFFFFFFFF, s23  }
0x12d: {  	s9 =	sand.u32 $0x1, s30  }
0x12e: {  	p4 =	seq.s32 s0, $0xA000  }
.Ltmp6:
0x12f: {  	_ = 	snop;
	(pc) =	sbr.rel @p4 .LBB2_8-.Ltmp6, $4  }
.Ltmp7:
0x130: {  	_ = 	snop;
	(pc) =	sbr.rel @!p4 .LBB2_7-.Ltmp7, $4  }
0x131: {  	_ = 	snop  }
0x132: {  	_ = 	snop  }
0x133: {  	p3 =	por $0x1, $0x1  }
0x134: {  	_ = 	snop  }
.LBB2_10:
0x135: {  	_ =	sfence.sel $0x180000  }
0x136: {  	[bflag:$0x0] =	sbarrier.arrive $0xFFFF  }
0x137: {  	_ =	strace $0x90000047  }
0x138: {  	s0 =	stileid.u32;
	[bflag:$0x2] =	sbarrier.arrive $0xFFFF  }
0x139: {  	p0 =	sne.s32 s0, $0x0;
	s0 =	rddreg [dreg:$0x5]  }
0x13a: {  	s0 =	sadd.s32 @!p0 $0x100000, s0  }
0x13b: {  	[sflag:s0] =	ssyncadd.tile.s32 @!p0 $0x1;
	_ =	shalt  }
.Lfunc_end2:
_tile_overlayer_lowered:
.L_overlay_start_2:
0x13c: {  	(tag) =	ssettag $0x2  }
0x13d: {  	s0 =	rddreg [dreg:$0x0];
	s2 =	stileid.u32  }
0x13e: {  	s1 =	rddreg [dreg:$0x1];
	p0 =	sne.s32 s2, $0x0  }
0x13f: {  	s3 =	rddreg [dreg:$0x2];
	[bflag:$0x3] =	sbarrier.arrive $0xFFFF;
	s2 =	simm.s32 @!p0 $0x1C05  }
0x140: {  	[timem:s3], [sflag:s2] =	dma.local @!p0 [hbm:s0], s1  }
0x141: {  	s0 =	simm.s32 @!p0 $0x5  }
0x142: {  	_ =	swait.ge @!p0 [sflag:s0], s1  }
0x143: {  	s1 =	ssub.s32 @!p0 $0x0, s1;
	[sflag:s0] =	ssyncset.done @!p0 $0x0  }
0x144: {  	[sflag:s0] =	ssyncadd.s32 @!p0 s1  }
0x145: {  	[bflag:$0x3] =	sbarrier.arrive $0xFFFF  }
0x146: {  	_ =	shalt  }

// kernel: kernel.8.cloned.1.call-start
scs
__scs_entry_jumppad:
0x0: {  	(pc) =	sbr.rel $0x88, $3  }
0x1: {  	(tag) =	ssettag $0x0;
	lr =	simm.s32 $0x1  }
0x2: {  	[smem:$0x3F9D] =	sst lr;
	_ =	strace $0xD0000000  }
0x3: {  	_ = 	snop  }
0x4: {  	_ = 	snop  }
0x5: {  	_ = 	snop  }
0x6: {  	_ = 	snop  }
0x7: {  	_ = 	snop  }
__scs_overlays_trampoline_lowered:
0x8: {  	[smem:$0x3FAC] =	sst s0  }
0x9: {  	[smem:$0x3FAD] =	sst s1  }
0xa: {  	[smem:$0x3FAE] =	sst s2  }
0xb: {  	[smem:$0x3FAF] =	sst s3  }
0xc: {  	[smem:$0x3FB0] =	sst s4  }
0xd: {  	[smem:$0x3FB1] =	sst s5  }
0xe: {  	[smem:$0x3FB2] =	sst s6  }
0xf: {  	[smem:$0x3FB3] =	sst s7  }
0x10: {  	[smem:$0x3FB4] =	sst s8  }
0x11: {  	[smem:$0x3FB5] =	sst s9;
	s0 =	simm.s32 @!p0 $0x0  }
0x12: {  	s1 =	sld [smem:$0x3F9B];
	s0 =	simm.s32 @p0 $0x1  }
0x13: {  	[smem:$0x3FB6] =	sst s0;
	s0 =	simm.s32 @!p1 $0x0  }
0x14: {  	s2 =	sld [smem:$0x3F9A];
	s0 =	simm.s32 @p1 $0x1  }
0x15: {  	[smem:$0x3FB7] =	sst s0;
	s0 =	simm.s32 @!p2 $0x0  }
0x16: {  	s3 =	sld [smem:$0x3FDB];
	s0 =	simm.s32 @p2 $0x1  }
0x17: {  	s4 =	simm.s32 $0x1BF5;
	[smem:$0x3FB9] =	sst s0  }
0x18: {  	s0 =	sld [smem:$0x3F9C];
	_ =	swait.ge [sflag:s4], $0x0  }
0x19: {  	s7 =	sld [smem:$0x3F9D]  }
0x1a: {  	s8 =	sadd.s32 $0xFFFFE003, lr  }
0x1b: {  	s9 =	sadd.s32 $0xFFFFFEF7, lr;
	s5 =	simm.s32 $0xFFFFFFFF;
	p2 =	slt.u32 s8, $0xFFFFF086  }
0x1c: {  	p1 =	slt.u32 s9, $0xF7A;
	s5 =	simm.s32 @!p2 $0x0  }
0x1d: {  	s5 =	simm.s32 @p1 $0x1;
	p0 =	seq.s32 s7, s2  }
0x1e: {  	s7 =	smul.u32 @!p0 $0xF7A, s2;
	p2 =	seq.s32 @!p0 s5, $0x0  }
0x1f: {  	s9 =	smul.u32 $0xF7A, s1;
	s8 =	simm.s32 @!p0 $0x1BF5;
	p2 =	por !p2, p0  }
0x20: {  	[sflag:s8] =	ssyncset.s32 @!p0 $0xFFFFF086;
	s6 =	sadd.s32 @!p0 s3, s7;
	s7 =	simm.s32 @!p0 $0x108  }
0x21: {  	s3 =	sadd.s32 s3, s9;
	s6 =	sadd.s32 @!p0 $0x88, s6;
	s7 =	simm.s32 @p2 $0x1082  }
0x22: {  	[simem:s7], [sflag:s8] =	dma.local @!p0 [hbm:s6], $0xF7A  }
0x23: {  	s9 =	sor.u32 $0xD0000000, s2;
	s6 =	simm.s32 $0x108;
	_ =	swait.ge @!p0 [sflag:s8], $0x0  }
0x24: {  	s3 =	sadd.s32 $0x88, s3;
	s6 =	simm.s32 @!p1 $0x1082;
	[sflag:s4] =	ssyncset.s32 $0xFFFFF086  }
0x25: {  	[simem:s6], [sflag:s4] =	dma.local [hbm:s3], $0xF7A  }
0x26: {  	[smem:$0x3F9D] =	sst s1;
	(tag) =	ssettag s2;
	_ =	strace s9  }
0x27: {  	s1 =	sld [smem:$0x3FAD]  }
0x28: {  	s2 =	sld [smem:$0x3FAE]  }
0x29: {  	s4 =	sld [smem:$0x3FB0]  }
0x2a: {  	p0 =	seq.s32 s5, $0x0;
	s5 =	sld [smem:$0x3FB1]  }
0x2b: {  	s6 =	sld [smem:$0x3FB2]  }
0x2c: {  	s7 =	sld [smem:$0x3FB3]  }
0x2d: {  	s3 =	simm.s32 $0x108;
	s8 =	sld [smem:$0x3FB4]  }
0x2e: {  	s3 =	simm.s32 @!p0 $0x1082;
	s9 =	sld [smem:$0x3FB5]  }
0x2f: {  	lr =	sadd.s32 s0, s3;
	s0 =	sld [smem:$0x3FAC]  }
0x30: {  	s3 =	sld [smem:$0x3FAF]  }
0x31: {  	[smem:$0x3FB8] =	sst s10  }
0x32: {  	s10 =	sld [smem:$0x3FB6];
	_ =	sdelay $0x3  }
0x33: {  	p0 =	seq.s32 s10, $0x1;
	s10 =	sld [smem:$0x3FB8];
	_ =	sdelay $0x3  }
0x34: {  	[smem:$0x3FB8] =	sst s10  }
0x35: {  	s10 =	sld [smem:$0x3FB7];
	_ =	sdelay $0x3  }
0x36: {  	p1 =	seq.s32 s10, $0x1;
	s10 =	sld [smem:$0x3FB8];
	_ =	sdelay $0x3  }
0x37: {  	[smem:$0x3FB8] =	sst s10  }
0x38: {  	s10 =	sld [smem:$0x3FB9]  }
0x39: {  	_ = 	snop;
	(pc) =	sbr.ind lr, $3  }
0x3a: {  	_ = 	snop  }
0x3b: {  	_ = 	snop  }
0x3c: {  	p2 =	seq.s32 s10, $0x1;
	s10 =	sld [smem:$0x3FB8]  }
0x3d: {  	_ =	shalt  }
0x3e: {  	_ =	shalt  }
0x3f: {  	_ =	shalt  }
0x40: {  	_ =	shalt  }
0x41: {  	_ =	shalt  }
0x42: {  	_ =	shalt  }
0x43: {  	_ =	shalt  }
0x44: {  	_ =	shalt  }
0x45: {  	_ =	shalt  }
0x46: {  	_ =	shalt  }
0x47: {  	_ =	shalt  }
0x48: {  	_ =	shalt  }
0x49: {  	_ =	shalt  }
0x4a: {  	_ =	shalt  }
0x4b: {  	_ =	shalt  }
0x4c: {  	_ =	shalt  }
0x4d: {  	_ =	shalt  }
0x4e: {  	_ =	shalt  }
0x4f: {  	_ =	shalt  }
0x50: {  	_ =	shalt  }
0x51: {  	_ =	shalt  }
0x52: {  	_ =	shalt  }
0x53: {  	_ =	shalt  }
0x54: {  	_ =	shalt  }
0x55: {  	_ =	shalt  }
0x56: {  	_ =	shalt  }
0x57: {  	_ =	shalt  }
0x58: {  	_ =	shalt  }
0x59: {  	_ =	shalt  }
0x5a: {  	_ =	shalt  }
0x5b: {  	_ =	shalt  }
0x5c: {  	_ =	shalt  }
0x5d: {  	_ =	shalt  }
0x5e: {  	_ =	shalt  }
0x5f: {  	_ =	shalt  }
0x60: {  	_ =	shalt  }
0x61: {  	_ =	shalt  }
0x62: {  	_ =	shalt  }
0x63: {  	_ =	shalt  }
0x64: {  	_ =	shalt  }
0x65: {  	_ =	shalt  }
0x66: {  	_ =	shalt  }
0x67: {  	_ =	shalt  }
0x68: {  	_ =	shalt  }
0x69: {  	_ =	shalt  }
0x6a: {  	_ =	shalt  }
0x6b: {  	_ =	shalt  }
0x6c: {  	_ =	shalt  }
0x6d: {  	_ =	shalt  }
0x6e: {  	_ =	shalt  }
0x6f: {  	_ =	shalt  }
0x70: {  	_ =	shalt  }
0x71: {  	_ =	shalt  }
0x72: {  	_ =	shalt  }
0x73: {  	_ =	shalt  }
0x74: {  	_ =	shalt  }
0x75: {  	_ =	shalt  }
0x76: {  	_ =	shalt  }
0x77: {  	_ =	shalt  }
0x78: {  	_ =	shalt  }
0x79: {  	_ =	shalt  }
0x7a: {  	_ =	shalt  }
0x7b: {  	_ =	shalt  }
0x7c: {  	_ =	shalt  }
0x7d: {  	_ =	shalt  }
0x7e: {  	_ =	shalt  }
0x7f: {  	_ =	shalt  }
0x80: {  	_ =	shalt  }
0x81: {  	_ =	shalt  }
0x82: {  	_ =	shalt  }
0x83: {  	_ =	shalt  }
0x84: {  	_ =	shalt  }
0x85: {  	_ =	shalt  }
0x86: {  	_ =	shalt  }
0x87: {  	_ =	shalt  }
.Lfunc_end0:
.L_simem_size_0:
called_computation.1_lowered:
.L_overlay_start_0:
0x88: {  	s2 =	sld [smem:$0x3FD9]  }
0x89: {  	s3 =	sld [smem:$0x3FFE];
	_ =	sdelay $0x1  }
0x8a: {  	s1 =	srdreg.scid  }
0x8b: {  	s0 =	sand.u32 $0x1, s1  }
0x8c: {  	s14 =	sshll.u32 s0, $0xA;
	s2 =	sadd.s32 s3, s2  }
0x8d: {  	s2 =	sadd.s32 s2, s14  }
0x8e: {  	[smem:$0x3FC4] =	sst s2  }
0x8f: {  	_ = 	snop  }
0x90: {  	s2 =	sld [smem:$0x3FD0];
	_ =	sdelay $0x2  }
0x91: {  	s15 =	simm.s32 $0xA;
	s4 =	simm.s32 $0x10  }
0x92: {  	[smem:s4], [sflag:s15] =	dma.local [hbm:s2], $0x1  }
0x93: {  	_ =	swait.eq [sflag:s15], $0x1  }
0x94: {  	[sflag:s15] =	ssyncset.done $0x0  }
0x95: {  	[sflag:s15] =	ssyncadd.s32 $0xFFFFFFFF  }
0x96: {  	s16 =	sld [smem:$0x12];
	(tm) =	ssettm $0x1  }
0x97: {  	s17 =	sld [smem:$0x3FFB];
	_ =	sdelay $0x3  }
0x98: {  	_ =	strace s17  }
0x99: {  	s3 =	sld [smem:$0x3FFC];
	_ =	sdelay $0x3  }
0x9a: {  	_ =	strace s3  }
0x9b: {  	s3 =	sld [smem:$0x3FFD];
	_ =	sdelay $0x3  }
0x9c: {  	_ =	strace s3  }
0x9d: {  	_ =	strace $0x8FFFFFFF  }
0x9e: {  	s18 =	sld [smem:$0x3FDB];
	_ =	sdelay $0x1  }
0x9f: {  	s19 =	simm.s32 $_scs_section_size  }
0xa0: {  	s5 =	simm.s32 $_size__tile_overlayer_lowered;
	s6 =	simm.s32 $_tile_overlayer_lowered  }
0xa1: {  	s22 =	simm.s32 $0x1BFF;
	s21 =	sshll.u32 s6, $0x1;
	s3 =	sadd.s32 s19, s18  }
0xa2: {  	s7 =	simm.s32 $0x0;
	s20 =	sshll.u32 s5, $0x1;
	s5 =	sadd.s32 s21, s3  }
0xa3: {  	[timem:s7], [sflag:s22] =	dma.local [hbm:s5], s20  }
0xa4: {  	_ =	swait.ge [sflag:s22], s20  }
0xa5: {  	s4 =	ssub.s32 $0x0, s20;
	[sflag:s22] =	ssyncset.done $0x0  }
0xa6: {  	[sflag:s22] =	ssyncadd.s32 s4;
	_ =	sdelay $0x1  }
0xa7: {  	s23 =	simm.s32 $0x1B8B  }
0xa8: {  	_ =	swait.ge [sflag:s23], $0x1  }
0xa9: {  	[sflag:s23] =	ssyncset.done $0x0  }
0xaa: {  	s25 =	simm.s32 $0x1B8E;
	s24 =	sld [smem:$0x3FFE];
	[sflag:s23] =	ssyncadd.s32 $0xFFFFFFFF  }
0xab: {  	s26 =	simm.s32 $execute0_lowered;
	[smem:$0x3FD2] =	sst s25  }
0xac: {  	s5 =	sshll.u32 s26, $0x1;
	_ =	strace $0x80000049;
	[dreg:$0x1] =	wrdreg $0xFFFFFFFF  }
0xad: {  	s28 =	simm.s32 $_size_execute0_lowered;
	s3 =	sadd.s32 s3, s5;
	[dreg:$0x0] =	wrdreg $0x0  }
0xae: {  	s5 =	sshll.u32 s28, $0x1;
	[dreg:$0x2] =	wrdreg s3  }
0xaf: {  	[dreg:$0x3] =	wrdreg s5  }
0xb0: {  	[dreg:$0x4] =	wrdreg $0xC0  }
0xb1: {  	_ =	task [dreg:s7], $0x5FFFF  }
0xb2: {  	[dreg:$0x1] =	wrdreg $0xFFFFFFFF  }
0xb3: {  	[dreg:$0x0] =	wrdreg $0x60  }
0xb4: {  	[dreg:$0x2] =	wrdreg s24  }
0xb5: {  	[dreg:$0x3] =	wrdreg s16  }
0xb6: {  	[dreg:$0x4] =	wrdreg $0x9  }
0xb7: {  	_ =	task.clear_ibuf [dreg:s7], $0x5FFFF;
	_ =	strace $0x90000049  }
0xb8: {  	s29 =	simm.s32 $0x9;
	_ =	strace $0x8000004B  }
0xb9: {  	_ =	swait.ge [sflag:s29], $0x1  }
0xba: {  	[sflag:s29] =	ssyncadd.s32 $0xFFFFFFFF  }
0xbb: {  	_ =	strace $0x9000004B  }
0xbc: {  	_ =	sfence  }
0xbd: {  	s30 =	sld [smem:$0x0];
	_ =	sdelay $0x2  }
0xbe: {  	s31 =	sshll.u32 s1, $0xD;
	s1 =	sshrl.u32 s1, $0x2  }
0xbf: {  	s3 =	sand.u32 $0x4000, s31;
	s1 =	sadd.s32 s1, s30  }
0xc0: {  	s0 =	sor.u32 s3, s0;
	s1 =	sshll.u32 s1, $0x11  }
0xc1: {  	s0 =	sor.u32 s1, s0  }
0xc2: {  	s0 =	sadd.s32 $0x8F2B, s0  }
0xc3: {  	[sflag:s0] =	ssyncadd.remote.s32 $0x1  }
0xc4: {  	_ =	sfence.sel $0xFFFF  }
0xc5: {  	[dreg:$0x0] =	wrdreg $0xFFFFFFFF;
	(pc) =	sbr.abs _section_cstart, $3  }
0xc6: {  	[dreg:$0x1] =	wrdreg $0xFFFFFFFF  }
0xc7: {  	_ =	task.clear_ibuf [dreg:s7], $0x2FFFF;
	_ =	strace $0x9FFFFFFF  }
0xc8: {  	(tm) =	ssettm $0x7FFFFFFF  }
0xc9: {  	_ =	shalt  }
tec
execute0_lowered:
.L_overlay_start_1:
0x0: {  	(tag) =	ssettag $0x1  }
0x1: {  	s5 =	rddreg [dreg:$0x0];
	s1 =	srdreg.scid  }
0x2: {  	s0 =	stileid.u32;
	s2 =	rddreg [dreg:$0x1]  }
0x3: {  	s3 =	simm.s32 $0x0;
	s10 =	simm.s32 $0x16380;
	s11 =	simm.s32 $0x18380  }
0x4: {  	s12 =	simm.s32 $0x1;
	s4 =	sand.u32 $0x1, s1;
	s6 =	sshll.u32 s0, $0x1  }
0x5: {  	s13 =	simm.s32 $0x9E00;
	s14 =	simm.s32 $0x13C00;
	s6 =	sor.u32 s4, s6  }
0x6: {  	s15 =	simm.s32 $0x0;
	[smem:$0x7FF] =	sst s3;
	s6 =	smul.u32 $0x13C0, s6  }
0x7: {  	s1 =	rddreg [dreg:$0x2];
	_ =	strace $0x8000004A;
	s7 =	ssub.s32 $0x2, s4  }
0x8: {  	s4 =	sadd.s32 $0x8D800, s5;
	s31 =	sshrl.u32 s7, $0x1;
	s8 =	sadd.s32 s6, s5  }
0x9: {  	s9 =	ssub.s32 s7, s31;
	s5 =	sadd.s32 $0x5BC00, s5;
	s6 =	sadd.s32 $0x66000, s8  }
0xa: {  	v0 =	vimm.f32 $0.0e+00;
	s7 =	sadd.s32 $0xA00, s8;
	s8 =	smax.u32 s9, $0x1;
	s9 =	simm.s32 $0x2  }
.LBB2_1:
0xb: {  	[tilespmem:s3], [sflag:$0x2] =	stream.linear.gather [hbm4b:s6+s3], $0x9E00, $0x38;
	[tilespmem:$0x1A380] =	vst v63  }
0xc: {  	_ =	swait.ge [sflag:s9], $0x9E00  }
0xd: {  	[sflag:s9] =	ssyncset.done $0x0  }
0xe: {  	s16 =	simm.s32 $0x0;
	[sflag:s9] =	ssyncadd.s32 $0xFFFF6200  }
0xf: {  	[tilespmem:s16+$0x114F0] =	vst v0  }
0x10: {  	[tilespmem:s16+$0x13C00] =	vst v0  }
0x11: {  	[tilespmem:s16+$0x9E00] =	vst v0  }
0x12: {  	[tilespmem:s16+$0xC580] =	vst v0  }
0x13: {  	[tilespmem:s16+$0xED00] =	vst v0  }
0x14: {  	[tilespmem:s16+$0x11480] =	vst v0  }
0x15: {  	[tilespmem:s16+$0x13C10] =	vst v0  }
0x16: {  	[tilespmem:s16+$0x9E10] =	vst v0  }
0x17: {  	[tilespmem:s16+$0xC590] =	vst v0  }
0x18: {  	[tilespmem:s16+$0xED10] =	vst v0  }
0x19: {  	[tilespmem:s16+$0x11490] =	vst v0  }
0x1a: {  	[tilespmem:s16+$0x13C20] =	vst v0  }
0x1b: {  	[tilespmem:s16+$0x9E20] =	vst v0  }
0x1c: {  	[tilespmem:s16+$0xC5A0] =	vst v0  }
0x1d: {  	[tilespmem:s16+$0xED20] =	vst v0  }
0x1e: {  	[tilespmem:s16+$0x114A0] =	vst v0  }
0x1f: {  	[tilespmem:s16+$0x13C30] =	vst v0  }
0x20: {  	[tilespmem:s16+$0x9E30] =	vst v0  }
0x21: {  	[tilespmem:s16+$0xC5B0] =	vst v0  }
0x22: {  	[tilespmem:s16+$0xED30] =	vst v0  }
0x23: {  	[tilespmem:s16+$0x114B0] =	vst v0  }
0x24: {  	[tilespmem:s16+$0x13C40] =	vst v0  }
0x25: {  	[tilespmem:s16+$0x9E40] =	vst v0  }
0x26: {  	[tilespmem:s16+$0xC5C0] =	vst v0  }
0x27: {  	[tilespmem:s16+$0xED40] =	vst v0  }
0x28: {  	[tilespmem:s16+$0x114C0] =	vst v0  }
0x29: {  	[tilespmem:s16+$0x13C50] =	vst v0  }
0x2a: {  	[tilespmem:s16+$0x9E50] =	vst v0  }
0x2b: {  	[tilespmem:s16+$0xC5D0] =	vst v0  }
0x2c: {  	[tilespmem:s16+$0xED50] =	vst v0  }
0x2d: {  	[tilespmem:s16+$0x114D0] =	vst v0  }
0x2e: {  	[tilespmem:s16+$0x13C60] =	vst v0  }
0x2f: {  	[tilespmem:s16+$0x9E60] =	vst v0  }
0x30: {  	[tilespmem:s16+$0xC5E0] =	vst v0  }
0x31: {  	[tilespmem:s16+$0xED60] =	vst v0  }
0x32: {  	[tilespmem:s16+$0x114E0] =	vst v0  }
0x33: {  	[tilespmem:s16+$0x13C70] =	vst v0  }
0x34: {  	[tilespmem:s16+$0x9E70] =	vst v0  }
0x35: {  	s17 =	simm.s32 $0x0;
	s18 =	simm.s32 $0x200;
	[tilespmem:s16+$0xC5F0] =	vst v0  }
.LBB2_2:
0x36: {  	s17 =	sadd.s32 $0x8, s17;
	[tilespmem:s16+$0xED70] =	vst v0;
	s16 =	sshra.s32 s18, $0x2  }
0x37: {  	[tilespmem:s16+$0x114F0] =	vst v0;
	p0 =	slt.u32 s17, $0x270  }
0x38: {  	[tilespmem:s16+$0x13C00] =	vst v0  }
0x39: {  	[tilespmem:s16+$0x9E00] =	vst v0  }
0x3a: {  	[tilespmem:s16+$0xC580] =	vst v0  }
0x3b: {  	[tilespmem:s16+$0xED00] =	vst v0  }
0x3c: {  	[tilespmem:s16+$0x11480] =	vst v0  }
0x3d: {  	[tilespmem:s16+$0x13C10] =	vst v0  }
0x3e: {  	[tilespmem:s16+$0x9E10] =	vst v0  }
0x3f: {  	[tilespmem:s16+$0xC590] =	vst v0  }
0x40: {  	[tilespmem:s16+$0xED10] =	vst v0  }
0x41: {  	[tilespmem:s16+$0x11490] =	vst v0  }
0x42: {  	[tilespmem:s16+$0x13C20] =	vst v0  }
0x43: {  	[tilespmem:s16+$0x9E20] =	vst v0  }
0x44: {  	[tilespmem:s16+$0xC5A0] =	vst v0  }
0x45: {  	[tilespmem:s16+$0xED20] =	vst v0  }
0x46: {  	[tilespmem:s16+$0x114A0] =	vst v0  }
0x47: {  	[tilespmem:s16+$0x13C30] =	vst v0  }
0x48: {  	[tilespmem:s16+$0x9E30] =	vst v0  }
0x49: {  	[tilespmem:s16+$0xC5B0] =	vst v0  }
0x4a: {  	[tilespmem:s16+$0xED30] =	vst v0  }
0x4b: {  	[tilespmem:s16+$0x114B0] =	vst v0  }
0x4c: {  	[tilespmem:s16+$0x13C40] =	vst v0  }
0x4d: {  	[tilespmem:s16+$0x9E40] =	vst v0  }
0x4e: {  	[tilespmem:s16+$0xC5C0] =	vst v0  }
0x4f: {  	[tilespmem:s16+$0xED40] =	vst v0  }
0x50: {  	[tilespmem:s16+$0x114C0] =	vst v0  }
0x51: {  	[tilespmem:s16+$0x13C50] =	vst v0  }
0x52: {  	[tilespmem:s16+$0x9E50] =	vst v0  }
0x53: {  	[tilespmem:s16+$0xC5D0] =	vst v0  }
0x54: {  	[tilespmem:s16+$0xED50] =	vst v0  }
0x55: {  	[tilespmem:s16+$0x114D0] =	vst v0  }
0x56: {  	[tilespmem:s16+$0x13C60] =	vst v0  }
0x57: {  	[tilespmem:s16+$0x9E60] =	vst v0  }
0x58: {  	[tilespmem:s16+$0xC5E0] =	vst v0  }
.Ltmp0:
0x59: {  	[tilespmem:s16+$0xED60] =	vst v0;
	(pc) =	sbr.rel @p0 .LBB2_2-.Ltmp0, $4  }
0x5a: {  	[tilespmem:s16+$0x114E0] =	vst v0  }
0x5b: {  	[tilespmem:s16+$0x13C70] =	vst v0  }
0x5c: {  	[tilespmem:s16+$0x9E70] =	vst v0  }
0x5d: {  	s18 =	sadd.s32 $0x200, s18;
	[tilespmem:s16+$0xC5F0] =	vst v0  }
0x5e: {  	[tilespmem:s16+$0xED70] =	vst v0;
	s16 =	simm.s32 $0x0  }
0x5f: {  	[tilespmem:s10], [sflag:$0x1] =	stream.linear.gather [hbm4b:s4+s16], $0x1000, $0x38;
	[tilespmem:$0x1A380] =	vst v63  }
0x60: {  	_ = 	snop  }
0x61: {  	[tilespmem:s11], [sflag:$0x1] =	stream.linear.gather [hbm4b:s5+s16], $0x1000, $0x38;
	[tilespmem:$0x1A380] =	vst v63  }
.LBB2_5:
0x62: {  	_ =	swait.ge [sflag:s12], $0x1000  }
0x63: {  	s17 =	smov.u32 s16;
	[sflag:s12] =	ssyncset.done $0x0  }
0x64: {  	p0 =	seq.s32 s16, $0x51;
	s16 =	sadd.s32 $0x1, s16;
	[sflag:s12] =	ssyncadd.s32 $0xFFFFF000  }
0x65: {  	s17 =	sshll.u32 @!p0 s17, $0xC;
	s18 =	sshll.u32 @!p0 s16, $0x9;
	_ =	swait.ge [sflag:s12], $0x1000  }
0x66: {  	s21 =	simm.s32 @!p0 $0x0;
	s17 =	sand.u32 @!p0 $0x1000, s17;
	[sflag:s12] =	ssyncset.done $0x0  }
0x67: {  	s20 =	sadd.s32 @!p0 s4, s18;
	s19 =	sxor.u32 @!p0 $0x17380, s17;
	[sflag:s12] =	ssyncadd.s32 $0xFFFFF000  }
0x68: {  	[tilespmem:s19], [sflag:$0x1] =	stream.linear.gather @!p0 [hbm4b:s20+s21], $0x1000, $0x38;
	[tilespmem:$0x1A380] =	vst v63  }
0x69: {  	s19 =	sxor.u32 @!p0 $0x19380, s17;
	s17 =	simm.s32 @p0 $0x1000  }
0x6a: {  	s18 =	sadd.s32 @!p0 s5, s18;
	s31 =	sadd.s32 $0x163C0, s17  }
0x6b: {  	[tilespmem:s19], [sflag:$0x1] =	stream.linear.gather @!p0 [hbm4b:s18+s21], $0x1000, $0x38;
	[tilespmem:$0x1A380] =	vst v63  }
0x6c: {  	v1 =	vld [tilespmem:s31+$0x30]  }
0x6d: {  	v3 =	vld [tilespmem:s31+$0xFFFFFFD0]  }
0x6e: {  	v23 =	vld [tilespmem:s31+$0xFFFFFFE0]  }
0x6f: {  	v24 =	vld [tilespmem:s31+$0xFFFFFFF0]  }
0x70: {  	v25 =	vld [tilespmem:s31+$0x0]  }
0x71: {  	v26 =	vld [tilespmem:s31+$0x10]  }
0x72: {  	v27 =	vld [tilespmem:s31+$0xFFFFFFC0]  }
0x73: {  	s17 =	sadd.s32 $0x183C0, s17;
	v28 =	vld [tilespmem:s31+$0x20]  }
0x74: {  	v29 =	vld [tilespmem:s17+$0x30];
	v20 =	vand.u32 $0xFFFF, v1  }
0x75: {  	v7 =	vld [tilespmem:s17+$0x10];
	v18 =	vand.u32 $0xFFFF, v3;
	v14 =	vand.u32 $0xFFFF, v23;
	v9 =	vshra.s32 v3, $0x10  }
0x76: {  	v21 =	vand.u32 $0x7, v3;
	v3 =	vld [tilespmem:s17+$0x0];
	v4 =	vadd.s32 $0x2780, v20;
	v5 =	vadd.s32 $0x4F00, v20  }
0x77: {  	v32 =	vand.u32 $0x7, v1;
	v4 =	vand.u32 $0x1FFF8, v4;
	v6 =	vand.u32 $0x1FFF8, v5;
	v5 =	vld [tilespmem:s17+$0xFFFFFFE0]  }
0x78: {  	v16 =	vand.u32 $0xFFFF, v24;
	v31 =	vshra.s32 v1, $0x10;
	v1 =	vor.u32 v32, v4;
	v4 =	vld [tilespmem:s17+$0xFFFFFFC0]  }
0x79: {  	v22 =	vand.u32 $0xFFFF, v27;
	v37 =	vor.u32 v32, v6;
	v6 =	vld [tilespmem:s17+$0xFFFFFFF0]  }
0x7a: {  	v15 =	vand.u32 $0xFFFF, v25;
	v2 =	vld.idx.msk [tilespmem:v20+s3+$0x0], $0xffff  }
0x7b: {  	v11 =	vand.u32 $0xFFFF, v26;
	v17 =	vld.idx.msk [tilespmem:v18+s3+$0x0], $0xffff  }
0x7c: {  	v30 =	vld.idx.msk [tilespmem:v14+s3+$0x0], $0xffff  }
0x7d: {  	v33 =	vld.idx.msk [tilespmem:v16+s3+$0x0], $0xffff  }
0x7e: {  	v8 =	vand.u32 $0xFFFF, v28;
	v13 =	vld.idx.msk [tilespmem:v22+s3+$0x0], $0xffff  }
0x7f: {  	v34 =	vld.idx.msk [tilespmem:v15+s3+$0x0], $0xffff;
	v2 =	vmul.f32 v2, v29  }
0x80: {  	v12 =	vshra.s32 v27, $0x10;
	v39 =	vadd.s32 $0x2780, v14;
	v35 =	vld.idx.msk [tilespmem:v11+s3+$0x0], $0xffff  }
0x81: {  	v10 =	vshra.s32 v23, $0x10;
	v23 =	vand.u32 $0x7, v23;
	v39 =	vand.u32 $0x1FFF8, v39;
	[tilespmem:v31+s13+$0x0] =	vst.idx.add.f32.msk $0xffff, v2  }
0x82: {  	v48 =	vor.u32 v23, v39;
	v2 =	vld [tilespmem:s17+$0xFFFFFFD0]  }
0x83: {  	v42 =	vadd.s32 $0x2780, v22;
	v36 =	vld.idx.msk [tilespmem:v8+s3+$0x0], $0xffff;
	v41 =	vmul.f32 v13, v4;
	v13 =	vshra.s32 v25, $0x10  }
0x84: {  	v27 =	vand.u32 $0x7, v27;
	v42 =	vand.u32 $0x1FFF8, v42;
	v30 =	vmul.f32 v30, v5;
	v1 =	vld.idx.msk [tilespmem:v1+s3+$0x0], $0xffff  }
0x85: {  	v45 =	vor.u32 v27, v42;
	v20 =	vadd.s32 $0x7680, v20;
	[tilespmem:v12+s13+$0x0] =	vst.idx.add.f32.msk $0xffff, v41  }
0x86: {  	v19 =	vadd.s32 $0x2780, v31;
	v20 =	vand.u32 $0x1FFF8, v20;
	v34 =	vmul.f32 v34, v3;
	[tilespmem:v10+s13+$0x0] =	vst.idx.add.f32.msk $0xffff, v30  }
0x87: {  	v49 =	vadd.s32 $0x2780, v11;
	v63 =	vor.u32 v32, v20;
	v32 =	vld.idx.msk [tilespmem:v48+s3+$0x0], $0xffff;
	v43 =	vmul.f32 v17, v2  }
0x88: {  	[tilespmem:v13+s13+$0x0] =	vst.idx.add.f32.msk $0xffff, v34;
	v34 =	vand.u32 $0x1FFF8, v49  }
0x89: {  	v17 =	vshra.s32 v26, $0x10;
	v26 =	vand.u32 $0x7, v26;
	v1 =	vmul.f32 v1, v29;
	[tilespmem:v9+s13+$0x0] =	vst.idx.add.f32.msk $0xffff, v43  }
0x8a: {  	v38 =	vadd.s32 $0x2780, v18;
	v34 =	vor.u32 v26, v34;
	v43 =	vmul.f32 v35, v7;
	v35 =	vld.idx.msk [tilespmem:v45+s3+$0x0], $0xffff  }
0x8b: {  	v40 =	vadd.s32 $0x2780, v16;
	v38 =	vand.u32 $0x1FFF8, v38;
	[tilespmem:v19+s13+$0x0] =	vst.idx.add.f32.msk $0xffff, v1;
	v19 =	vshra.s32 v24, $0x10  }
0x8c: {  	v40 =	vand.u32 $0x1FFF8, v40;
	v47 =	vor.u32 v21, v38;
	v24 =	vand.u32 $0x7, v24;
	v37 =	vld.idx.msk [tilespmem:v37+s3+$0x0], $0xffff  }
0x8d: {  	v1 =	vld [tilespmem:s17+$0x20];
	v50 =	vor.u32 v24, v40  }
0x8e: {  	v52 =	vadd.s32 $0x2780, v12;
	v33 =	vmul.f32 v33, v6;
	[tilespmem:v17+s13+$0x0] =	vst.idx.add.f32.msk $0xffff, v43  }
0x8f: {  	v20 =	vshra.s32 v28, $0x10;
	v34 =	vld.idx.msk [tilespmem:v34+s3+$0x0], $0xffff  }
0x90: {  	v62 =	vadd.s32 $0x4F00, v31;
	v44 =	vadd.s32 $0x2780, v15;
	[tilespmem:v19+s13+$0x0] =	vst.idx.add.f32.msk $0xffff, v33  }
0x91: {  	v51 =	vadd.s32 $0x2780, v8;
	v35 =	vmul.f32 v35, v4;
	v46 =	vmul.f32 v37, v29;
	v37 =	vld.idx.msk [tilespmem:v47+s3+$0x0], $0xffff  }
0x92: {  	v56 =	vadd.s32 $0x2780, v10;
	v25 =	vand.u32 $0x7, v25;
	v36 =	vmul.f32 v36, v1;
	v38 =	vld.idx.msk [tilespmem:v50+s3+$0x0], $0xffff  }
0x93: {  	v45 =	vadd.s32 $0x2780, v17;
	v43 =	vadd.s32 $0x4F00, v11;
	v33 =	vand.u32 $0x1FFF8, v44;
	[tilespmem:v52+s13+$0x0] =	vst.idx.add.f32.msk $0xffff, v35  }
0x94: {  	v28 =	vand.u32 $0x7, v28;
	v48 =	vand.u32 $0x1FFF8, v43;
	v33 =	vor.u32 v25, v33;
	[tilespmem:v20+s13+$0x0] =	vst.idx.add.f32.msk $0xffff, v36  }
0x95: {  	v32 =	vmul.f32 v32, v5;
	v35 =	vor.u32 v26, v48;
	v36 =	vand.u32 $0x1FFF8, v51;
	[tilespmem:v62+s13+$0x0] =	vst.idx.add.f32.msk $0xffff, v46  }
0x96: {  	v36 =	vor.u32 v28, v36;
	v34 =	vmul.f32 v34, v7;
	v30 =	vld.idx.msk [tilespmem:v63+s3+$0x0], $0xffff  }
0x97: {  	v53 =	vadd.s32 $0x2780, v9;
	[tilespmem:v56+s13+$0x0] =	vst.idx.add.f32.msk $0xffff, v32  }
0x98: {  	v55 =	vadd.s32 $0x4F00, v18;
	v44 =	vadd.s32 $0x2780, v19;
	[tilespmem:v45+s13+$0x0] =	vst.idx.add.f32.msk $0xffff, v34  }
0x99: {  	v54 =	vadd.s32 $0x4F00, v22;
	v31 =	vadd.s32 $0x7680, v31;
	v62 =	vand.u32 $0x1FFF8, v55;
	v33 =	vld.idx.msk [tilespmem:v33+s3+$0x0], $0xffff  }
0x9a: {  	v37 =	vmul.f32 v37, v2;
	v61 =	vmul.f32 v38, v6;
	v38 =	vor.u32 v21, v62;
	v35 =	vld.idx.msk [tilespmem:v35+s3+$0x0], $0xffff  }
0x9b: {  	v59 =	vadd.s32 $0x2780, v13;
	v36 =	vld.idx.msk [tilespmem:v36+s3+$0x0], $0xffff;
	v29 =	vmul.f32 v30, v29;
	v30 =	vand.u32 $0x1FFF8, v54  }
0x9c: {  	v57 =	vadd.s32 $0x4F00, v14;
	v60 =	vadd.s32 $0x4F00, v15;
	[tilespmem:v53+s13+$0x0] =	vst.idx.add.f32.msk $0xffff, v37;
	v30 =	vor.u32 v27, v30  }
0x9d: {  	v42 =	vand.u32 $0x1FFF8, v57;
	v47 =	vadd.s32 $0x4F00, v8;
	v63 =	vadd.s32 $0x2780, v20;
	[tilespmem:v44+s13+$0x0] =	vst.idx.add.f32.msk $0xffff, v61  }
0x9e: {  	v44 =	vand.u32 $0x1FFF8, v60;
	[tilespmem:v31+s13+$0x0] =	vst.idx.add.f32.msk $0xffff, v29;
	v41 =	vmul.f32 v33, v3;
	v33 =	vor.u32 v23, v42  }
0x9f: {  	v34 =	vand.u32 $0x1FFF8, v47;
	v31 =	vor.u32 v25, v44;
	v50 =	vld.idx.msk [tilespmem:v38+s3+$0x0], $0xffff  }
0xa0: {  	v58 =	vadd.s32 $0x4F00, v16;
	v49 =	vor.u32 v28, v34;
	[tilespmem:v59+s13+$0x0] =	vst.idx.add.f32.msk $0xffff, v41;
	v46 =	vmul.f32 v36, v1  }
0xa1: {  	v11 =	vadd.s32 $0x7680, v11;
	v29 =	vand.u32 $0x1FFF8, v58;
	v58 =	vadd.s32 $0x4F00, v17;
	v30 =	vld.idx.msk [tilespmem:v30+s3+$0x0], $0xffff  }
0xa2: {  	v11 =	vand.u32 $0x1FFF8, v11;
	v29 =	vor.u32 v24, v29;
	[tilespmem:v63+s13+$0x0] =	vst.idx.add.f32.msk $0xffff, v46  }
0xa3: {  	v18 =	vadd.s32 $0x7680, v18;
	v11 =	vor.u32 v26, v11;
	v33 =	vld.idx.msk [tilespmem:v33+s3+$0x0], $0xffff  }
0xa4: {  	v18 =	vand.u32 $0x1FFF8, v18;
	v53 =	vadd.s32 $0x4F00, v9;
	v61 =	vmul.f32 v35, v7;
	v31 =	vld.idx.msk [tilespmem:v31+s3+$0x0], $0xffff  }
0xa5: {  	v22 =	vadd.s32 $0x7680, v22;
	v18 =	vor.u32 v21, v18;
	v32 =	vld.idx.msk [tilespmem:v49+s3+$0x0], $0xffff  }
0xa6: {  	v22 =	vand.u32 $0x1FFF8, v22;
	v51 =	vadd.s32 $0x4F00, v12;
	[tilespmem:v58+s13+$0x0] =	vst.idx.add.f32.msk $0xffff, v61  }
0xa7: {  	v22 =	vor.u32 v27, v22;
	v57 =	vmul.f32 v50, v2;
	v52 =	vld.idx.msk [tilespmem:v29+s3+$0x0], $0xffff  }
0xa8: {  	v14 =	vadd.s32 $0x7680, v14;
	v54 =	vadd.s32 $0x4F00, v10;
	v11 =	vld.idx.msk [tilespmem:v11+s3+$0x0], $0xffff  }
0xa9: {  	v16 =	vadd.s32 $0x7680, v16;
	v56 =	vadd.s32 $0x4F00, v13;
	[tilespmem:v53+s13+$0x0] =	vst.idx.add.f32.msk $0xffff, v57;
	v30 =	vmul.f32 v30, v4  }
0xaa: {  	v15 =	vadd.s32 $0x7680, v15;
	v14 =	vand.u32 $0x1FFF8, v14;
	v55 =	vadd.s32 $0x4F00, v19;
	v18 =	vld.idx.msk [tilespmem:v18+s3+$0x0], $0xffff  }
0xab: {  	v16 =	vand.u32 $0x1FFF8, v16;
	v14 =	vor.u32 v23, v14;
	v33 =	vmul.f32 v33, v5;
	[tilespmem:v51+s13+$0x0] =	vst.idx.add.f32.msk $0xffff, v30  }
0xac: {  	v15 =	vand.u32 $0x1FFF8, v15;
	v16 =	vor.u32 v24, v16;
	v60 =	vmul.f32 v31, v3;
	v22 =	vld.idx.msk [tilespmem:v22+s3+$0x0], $0xffff  }
0xad: {  	v15 =	vor.u32 v25, v15;
	v8 =	vadd.s32 $0x7680, v8;
	v27 =	vmul.f32 v52, v6;
	[tilespmem:v54+s13+$0x0] =	vst.idx.add.f32.msk $0xffff, v33  }
0xae: {  	v8 =	vand.u32 $0x1FFF8, v8;
	v59 =	vadd.s32 $0x4F00, v20;
	[tilespmem:v56+s13+$0x0] =	vst.idx.add.f32.msk $0xffff, v60  }
0xaf: {  	v8 =	vor.u32 v28, v8;
	[tilespmem:v55+s13+$0x0] =	vst.idx.add.f32.msk $0xffff, v27  }
0xb0: {  	v9 =	vadd.s32 $0x7680, v9;
	v14 =	vld.idx.msk [tilespmem:v14+s3+$0x0], $0xffff  }
0xb1: {  	v12 =	vadd.s32 $0x7680, v12;
	v62 =	vmul.f32 v32, v1;
	v16 =	vld.idx.msk [tilespmem:v16+s3+$0x0], $0xffff  }
0xb2: {  	v10 =	vadd.s32 $0x7680, v10;
	v63 =	vld.idx.msk [tilespmem:v15+s3+$0x0], $0xffff  }
0xb3: {  	v19 =	vadd.s32 $0x7680, v19;
	[tilespmem:v59+s13+$0x0] =	vst.idx.add.f32.msk $0xffff, v62;
	v2 =	vmul.f32 v18, v2  }
0xb4: {  	v15 =	vmul.f32 v22, v4;
	v4 =	vld.idx.msk [tilespmem:v8+s3+$0x0], $0xffff  }
0xb5: {  	[tilespmem:v9+s13+$0x0] =	vst.idx.add.f32.msk $0xffff, v2;
	v5 =	vmul.f32 v14, v5  }
0xb6: {  	[tilespmem:v12+s13+$0x0] =	vst.idx.add.f32.msk $0xffff, v15;
	v6 =	vmul.f32 v16, v6  }
0xb7: {  	v2 =	vadd.s32 $0x7680, v20;
	v8 =	vmul.f32 v63, v3;
	[tilespmem:v10+s13+$0x0] =	vst.idx.add.f32.msk $0xffff, v5  }
0xb8: {  	s18 =	simm.s32 $0x0;
	s19 =	sadd.s32 $0x80, s31;
	v15 =	vadd.s32 $0x7680, v13;
	v13 =	vadd.s32 $0x7680, v17;
	v5 =	vmul.f32 v11, v7;
	[tilespmem:v19+s13+$0x0] =	vst.idx.add.f32.msk $0xffff, v6  }
.LBB2_6:
0xb9: {  	v7 =	vld [tilespmem:s19+$0x30];
	s18 =	sadd.s32 $0x8, s18;
	v3 =	vmul.f32 v4, v1  }
0xba: {  	v1 =	vld [tilespmem:s19+$0xFFFFFFD0];
	p0 =	slt.u32 s18, $0xF8  }
0xbb: {  	v9 =	vld [tilespmem:s19+$0xFFFFFFE0]  }
0xbc: {  	v11 =	vld [tilespmem:s19+$0xFFFFFFF0]  }
0xbd: {  	v12 =	vld [tilespmem:s19+$0x0]  }
0xbe: {  	v16 =	vld [tilespmem:s19+$0x10];
	v32 =	vand.u32 $0xFFFF, v7  }
0xbf: {  	v23 =	vand.u32 $0xFFFF, v1;
	v4 =	vshra.s32 v1, $0x10;
	v10 =	vand.u32 $0x7, v1;
	v1 =	vld [tilespmem:s19+$0x20]  }
0xc0: {  	v14 =	vld [tilespmem:s19+$0xFFFFFFC0];
	v17 =	vadd.s32 $0x2780, v23;
	v25 =	vand.u32 $0xFFFF, v9;
	v6 =	vshra.s32 v9, $0x10  }
0xc1: {  	v33 =	vand.u32 $0x1FFF8, v17;
	v17 =	vadd.s32 $0x2780, v25;
	v22 =	vand.u32 $0xFFFF, v11;
	[tilespmem:v15+s13+$0x0] =	vst.idx.add.f32.msk $0xffff, v8  }
0xc2: {  	v8 =	vand.u32 $0x1FFF8, v17;
	v15 =	vadd.s32 $0x2780, v22;
	v27 =	vand.u32 $0xFFFF, v12;
	[tilespmem:v13+s13+$0x0] =	vst.idx.add.f32.msk $0xffff, v5  }
0xc3: {  	s17 =	sadd.s32 $0x80, s17;
	v5 =	vand.u32 $0x1FFF8, v15;
	v13 =	vadd.s32 $0x2780, v27;
	v28 =	vand.u32 $0xFFFF, v16;
	v15 =	vld.idx.msk [tilespmem:v32+s3+$0x0], $0xffff  }
0xc4: {  	v34 =	vand.u32 $0x1FFF8, v13;
	v13 =	vadd.s32 $0x2780, v28;
	v29 =	vand.u32 $0xFFFF, v1;
	v17 =	vld [tilespmem:s17+$0x30]  }
0xc5: {  	v18 =	vadd.s32 $0x2780, v32;
	v35 =	vand.u32 $0xFFFF, v14;
	v36 =	vld.idx.msk [tilespmem:v23+s3+$0x0], $0xffff;
	v19 =	vadd.s32 $0x2780, v29  }
0xc6: {  	v31 =	vshra.s32 v7, $0x10;
	v38 =	vand.u32 $0x7, v7;
	v18 =	vand.u32 $0x1FFF8, v18;
	v37 =	vld.idx.msk [tilespmem:v25+s3+$0x0], $0xffff  }
0xc7: {  	v41 =	vor.u32 v38, v18;
	v40 =	vand.u32 $0x1FFF8, v13;
	v7 =	vadd.s32 $0x2780, v35;
	v39 =	vld.idx.msk [tilespmem:v22+s3+$0x0], $0xffff  }
0xc8: {  	v18 =	vshra.s32 v14, $0x10;
	v43 =	vand.u32 $0x1FFF8, v19;
	v7 =	vand.u32 $0x1FFF8, v7;
	v42 =	vld.idx.msk [tilespmem:v27+s3+$0x0], $0xffff  }
0xc9: {  	v21 =	vand.u32 $0x7, v9;
	v30 =	vand.u32 $0x7, v14;
	v44 =	vld.idx.msk [tilespmem:v28+s3+$0x0], $0xffff;
	v9 =	vmul.f32 v15, v17  }
0xca: {  	v26 =	vand.u32 $0x7, v11;
	v13 =	vshra.s32 v12, $0x10;
	v15 =	vshra.s32 v11, $0x10;
	v45 =	vld.idx.msk [tilespmem:v35+s3+$0x0], $0xffff  }
0xcb: {  	v24 =	vand.u32 $0x7, v12;
	v14 =	vshra.s32 v16, $0x10;
	v19 =	vand.u32 $0x7, v16;
	[tilespmem:v31+s13+$0x0] =	vst.idx.add.f32.msk $0xffff, v9  }
0xcc: {  	v20 =	vand.u32 $0x7, v1;
	v16 =	vshra.s32 v1, $0x10;
	v46 =	vor.u32 v30, v7;
	v1 =	vld.idx.msk [tilespmem:v41+s3+$0x0], $0xffff  }
0xcd: {  	v33 =	vor.u32 v10, v33;
	v47 =	vor.u32 v26, v5;
	v41 =	vor.u32 v21, v8;
	v48 =	vld.idx.msk [tilespmem:v29+s3+$0x0], $0xffff  }
0xce: {  	v34 =	vor.u32 v24, v34;
	v40 =	vor.u32 v19, v40;
	v7 =	vadd.s32 $0x4F00, v32;
	v12 =	vld [tilespmem:s17+$0xFFFFFFC0]  }
0xcf: {  	v49 =	vadd.s32 $0x2780, v31;
	v43 =	vor.u32 v20, v43;
	v7 =	vand.u32 $0x1FFF8, v7;
	v5 =	vld [tilespmem:s17+$0xFFFFFFD0]  }
0xd0: {  	v50 =	vadd.s32 $0x4F00, v23;
	v11 =	vadd.s32 $0x4F00, v35;
	v51 =	vor.u32 v38, v7;
	v8 =	vld [tilespmem:s17+$0xFFFFFFE0]  }
0xd1: {  	v52 =	vadd.s32 $0x4F00, v25;
	v53 =	vadd.s32 $0x4F00, v22;
	v54 =	vadd.s32 $0x4F00, v27;
	v7 =	vld [tilespmem:s17+$0xFFFFFFF0]  }
0xd2: {  	v55 =	vadd.s32 $0x4F00, v28;
	v56 =	vadd.s32 $0x4F00, v29;
	v1 =	vmul.f32 v1, v17;
	v9 =	vld [tilespmem:s17+$0x0]  }
0xd3: {  	v50 =	vand.u32 $0x1FFF8, v50;
	v57 =	vand.u32 $0x1FFF8, v11;
	v45 =	vmul.f32 v45, v12;
	v11 =	vld [tilespmem:s17+$0x10]  }
0xd4: {  	v52 =	vand.u32 $0x1FFF8, v52;
	v53 =	vand.u32 $0x1FFF8, v53;
	v36 =	vmul.f32 v36, v5;
	[tilespmem:v49+s13+$0x0] =	vst.idx.add.f32.msk $0xffff, v1  }
0xd5: {  	v49 =	vand.u32 $0x1FFF8, v54;
	v54 =	vand.u32 $0x1FFF8, v55;
	v37 =	vmul.f32 v37, v8;
	v51 =	vld.idx.msk [tilespmem:v51+s3+$0x0], $0xffff  }
0xd6: {  	v56 =	vand.u32 $0x1FFF8, v56;
	v55 =	vadd.s32 $0x2780, v18;
	v39 =	vmul.f32 v39, v7;
	v1 =	vld [tilespmem:s17+$0x20]  }
0xd7: {  	v32 =	vadd.s32 $0x7680, v32;
	[tilespmem:v18+s13+$0x0] =	vst.idx.add.f32.msk $0xffff, v45;
	v45 =	vadd.s32 $0x2780, v4;
	v42 =	vmul.f32 v42, v9  }
0xd8: {  	v32 =	vand.u32 $0x1FFF8, v32;
	[tilespmem:v4+s13+$0x0] =	vst.idx.add.f32.msk $0xffff, v36;
	v36 =	vmul.f32 v44, v11;
	v44 =	vadd.s32 $0x4F00, v31  }
0xd9: {  	v58 =	vadd.s32 $0x2780, v15;
	v32 =	vor.u32 v38, v32;
	[tilespmem:v6+s13+$0x0] =	vst.idx.add.f32.msk $0xffff, v37;
	v37 =	vadd.s32 $0x2780, v6  }
0xda: {  	v59 =	vadd.s32 $0x2780, v16;
	v38 =	vadd.s32 $0x2780, v13;
	[tilespmem:v15+s13+$0x0] =	vst.idx.add.f32.msk $0xffff, v39;
	v39 =	vadd.s32 $0x2780, v14  }
0xdb: {  	v35 =	vadd.s32 $0x7680, v35;
	[tilespmem:v13+s13+$0x0] =	vst.idx.add.f32.msk $0xffff, v42;
	v42 =	vmul.f32 v48, v1;
	v48 =	vmul.f32 v51, v17  }
0xdc: {  	v50 =	vor.u32 v10, v50;
	v23 =	vadd.s32 $0x7680, v23;
	v51 =	vor.u32 v30, v57;
	[tilespmem:v14+s13+$0x0] =	vst.idx.add.f32.msk $0xffff, v36  }
0xdd: {  	v25 =	vadd.s32 $0x7680, v25;
	v36 =	vor.u32 v21, v52;
	v52 =	vor.u32 v26, v53;
	[tilespmem:v44+s13+$0x0] =	vst.idx.add.f32.msk $0xffff, v48  }
0xde: {  	v44 =	vor.u32 v24, v49;
	v48 =	vor.u32 v19, v54;
	v49 =	vor.u32 v20, v56;
	v32 =	vld.idx.msk [tilespmem:v32+s3+$0x0], $0xffff  }
0xdf: {  	v22 =	vadd.s32 $0x7680, v22;
	v27 =	vadd.s32 $0x7680, v27;
	v28 =	vadd.s32 $0x7680, v28;
	[tilespmem:v16+s13+$0x0] =	vst.idx.add.f32.msk $0xffff, v42  }
0xe0: {  	v23 =	vand.u32 $0x1FFF8, v23;
	v35 =	vand.u32 $0x1FFF8, v35;
	v29 =	vadd.s32 $0x7680, v29;
	v42 =	vld.idx.msk [tilespmem:v46+s3+$0x0], $0xffff  }
0xe1: {  	v25 =	vand.u32 $0x1FFF8, v25;
	v22 =	vand.u32 $0x1FFF8, v22;
	v31 =	vadd.s32 $0x7680, v31;
	v33 =	vld.idx.msk [tilespmem:v33+s3+$0x0], $0xffff  }
0xe2: {  	v27 =	vand.u32 $0x1FFF8, v27;
	v28 =	vand.u32 $0x1FFF8, v28;
	v29 =	vand.u32 $0x1FFF8, v29;
	v41 =	vld.idx.msk [tilespmem:v41+s3+$0x0], $0xffff  }
0xe3: {  	v53 =	vadd.s32 $0x4F00, v4;
	v54 =	vadd.s32 $0x4F00, v6;
	v46 =	vadd.s32 $0x4F00, v18;
	v47 =	vld.idx.msk [tilespmem:v47+s3+$0x0], $0xffff  }
0xe4: {  	v57 =	vadd.s32 $0x4F00, v13;
	v56 =	vadd.s32 $0x4F00, v15;
	v17 =	vmul.f32 v32, v17;
	v34 =	vld.idx.msk [tilespmem:v34+s3+$0x0], $0xffff  }
0xe5: {  	v30 =	vor.u32 v30, v35;
	v35 =	vadd.s32 $0x4F00, v14;
	v32 =	vld.idx.msk [tilespmem:v40+s3+$0x0], $0xffff;
	v40 =	vadd.s32 $0x4F00, v16  }
0xe6: {  	v10 =	vor.u32 v10, v23;
	v18 =	vadd.s32 $0x7680, v18;
	v42 =	vmul.f32 v42, v12;
	[tilespmem:v31+s13+$0x0] =	vst.idx.add.f32.msk $0xffff, v17  }
0xe7: {  	v22 =	vor.u32 v26, v22;
	v21 =	vor.u32 v21, v25;
	v17 =	vmul.f32 v33, v5;
	v23 =	vld.idx.msk [tilespmem:v43+s3+$0x0], $0xffff  }
0xe8: {  	v25 =	vadd.s32 $0x7680, v4;
	v24 =	vor.u32 v24, v27;
	v4 =	vmul.f32 v41, v8;
	[tilespmem:v55+s13+$0x0] =	vst.idx.add.f32.msk $0xffff, v42  }
0xe9: {  	v6 =	vadd.s32 $0x7680, v6;
	v19 =	vor.u32 v19, v28;
	[tilespmem:v45+s13+$0x0] =	vst.idx.add.f32.msk $0xffff, v17;
	v17 =	vmul.f32 v47, v7  }
0xea: {  	v26 =	vadd.s32 $0x7680, v15;
	v20 =	vor.u32 v20, v29;
	[tilespmem:v37+s13+$0x0] =	vst.idx.add.f32.msk $0xffff, v4;
	v4 =	vmul.f32 v34, v9  }
0xeb: {  	v15 =	vadd.s32 $0x7680, v13;
	v13 =	vadd.s32 $0x7680, v14;
	[tilespmem:v58+s13+$0x0] =	vst.idx.add.f32.msk $0xffff, v17;
	v17 =	vmul.f32 v32, v11  }
0xec: {  	v14 =	vadd.s32 $0x7680, v16;
	[tilespmem:v38+s13+$0x0] =	vst.idx.add.f32.msk $0xffff, v4  }
0xed: {  	v4 =	vmul.f32 v23, v1;
	[tilespmem:v39+s13+$0x0] =	vst.idx.add.f32.msk $0xffff, v17  }
0xee: {  	v16 =	vld.idx.msk [tilespmem:v51+s3+$0x0], $0xffff  }
0xef: {  	[tilespmem:v59+s13+$0x0] =	vst.idx.add.f32.msk $0xffff, v4  }
0xf0: {  	v4 =	vld.idx.msk [tilespmem:v50+s3+$0x0], $0xffff  }
0xf1: {  	v17 =	vld.idx.msk [tilespmem:v36+s3+$0x0], $0xffff  }
0xf2: {  	v23 =	vld.idx.msk [tilespmem:v52+s3+$0x0], $0xffff  }
0xf3: {  	v27 =	vld.idx.msk [tilespmem:v44+s3+$0x0], $0xffff  }
0xf4: {  	v16 =	vmul.f32 v16, v12;
	v28 =	vld.idx.msk [tilespmem:v48+s3+$0x0], $0xffff  }
0xf5: {  	v29 =	vld.idx.msk [tilespmem:v49+s3+$0x0], $0xffff  }
0xf6: {  	v4 =	vmul.f32 v4, v5;
	[tilespmem:v46+s13+$0x0] =	vst.idx.add.f32.msk $0xffff, v16  }
0xf7: {  	v17 =	vmul.f32 v17, v8;
	v16 =	vld.idx.msk [tilespmem:v30+s3+$0x0], $0xffff  }
0xf8: {  	[tilespmem:v53+s13+$0x0] =	vst.idx.add.f32.msk $0xffff, v4;
	v4 =	vmul.f32 v23, v7  }
0xf9: {  	[tilespmem:v54+s13+$0x0] =	vst.idx.add.f32.msk $0xffff, v17;
	v17 =	vmul.f32 v27, v9  }
0xfa: {  	[tilespmem:v56+s13+$0x0] =	vst.idx.add.f32.msk $0xffff, v4;
	v4 =	vmul.f32 v28, v11  }
0xfb: {  	[tilespmem:v57+s13+$0x0] =	vst.idx.add.f32.msk $0xffff, v17;
	v17 =	vmul.f32 v29, v1  }
0xfc: {  	[tilespmem:v35+s13+$0x0] =	vst.idx.add.f32.msk $0xffff, v4  }
0xfd: {  	v12 =	vmul.f32 v16, v12;
	[tilespmem:v40+s13+$0x0] =	vst.idx.add.f32.msk $0xffff, v17  }
0xfe: {  	v10 =	vld.idx.msk [tilespmem:v10+s3+$0x0], $0xffff  }
0xff: {  	v16 =	vld.idx.msk [tilespmem:v21+s3+$0x0], $0xffff  }
0x100: {  	v17 =	vld.idx.msk [tilespmem:v22+s3+$0x0], $0xffff  }
0x101: {  	v21 =	vld.idx.msk [tilespmem:v24+s3+$0x0], $0xffff  }
0x102: {  	v19 =	vld.idx.msk [tilespmem:v19+s3+$0x0], $0xffff  }
0x103: {  	v4 =	vld.idx.msk [tilespmem:v20+s3+$0x0], $0xffff  }
.Ltmp1:
0x104: {  	v5 =	vmul.f32 v10, v5;
	[tilespmem:v18+s13+$0x0] =	vst.idx.add.f32.msk $0xffff, v12;
	(pc) =	sbr.rel @p0 .LBB2_6-.Ltmp1, $4  }
0x105: {  	v8 =	vmul.f32 v16, v8;
	[tilespmem:v2+s13+$0x0] =	vst.idx.add.f32.msk $0xffff, v3;
	v2 =	vmov v14  }
0x106: {  	v3 =	vmul.f32 v17, v7;
	[tilespmem:v25+s13+$0x0] =	vst.idx.add.f32.msk $0xffff, v5  }
0x107: {  	[tilespmem:v6+s13+$0x0] =	vst.idx.add.f32.msk $0xffff, v8;
	v8 =	vmul.f32 v21, v9  }
0x108: {  	s19 =	sadd.s32 $0x80, s19;
	v5 =	vmul.f32 v19, v11;
	[tilespmem:v26+s13+$0x0] =	vst.idx.add.f32.msk $0xffff, v3  }
0x109: {  	_ =	sdelay $0x3  }
0x10a: {  	v1 =	vmul.f32 v4, v1;
	[tilespmem:v15+s13+$0x0] =	vst.idx.add.f32.msk $0xffff, v8  }
0x10b: {  	[tilespmem:v13+s13+$0x0] =	vst.idx.add.f32.msk $0xffff, v5  }
0x10c: {  	[tilespmem:v2+s13+$0x0] =	vst.idx.add.f32.msk $0xffff, v1  }
0x10d: {  	p0 =	seq.s32 s16, $0x52  }
.Ltmp2:
0x10e: {  	_ = 	snop;
	(pc) =	sbr.rel @!p0 .LBB2_5-.Ltmp2, $1  }
0x10f: {  	_ =	sdelay $0x3  }
0x110: {  	s16 =	simm.s32 $0x0  }
0x111: {  	[tilespmem:s14], [sflag:$0x2] =	stream.linear.gather [hbm4b:s2+s16], $0x2780, $0x38;
	[tilespmem:$0x1A380] =	vst v63  }
0x112: {  	_ =	swait.ge [sflag:s9], $0x2780  }
0x113: {  	[sflag:s9] =	ssyncset.done $0x0  }
0x114: {  	s16 =	simm.s32 $0x0;
	[sflag:s9] =	ssyncadd.s32 $0xFFFFD880  }
0x115: {  	v1 =	vld [tilespmem:s16+$0x13C70]  }
0x116: {  	v2 =	vld [tilespmem:s16+$0x13C00]  }
0x117: {  	v3 =	vld [tilespmem:s16+$0x13C10]  }
0x118: {  	v4 =	vld [tilespmem:s16+$0x13C20]  }
0x119: {  	v5 =	vld [tilespmem:s16+$0x13C30]  }
0x11a: {  	v6 =	vld [tilespmem:s16+$0x13C40];
	(erf) = vrcp.f32 v1  }
0x11b: {  	v7 =	vld [tilespmem:s16+$0x13C50];
	(erf) = vrcp.f32 v2  }
0x11c: {  	v8 =	vld [tilespmem:s16+$0x9E00]  }
0x11d: {  	v9 =	vld [tilespmem:s16+$0xC580]  }
0x11e: {  	v10 =	vld [tilespmem:s16+$0xED00]  }
0x11f: {  	(erf) = vrcp.f32 v3;
	v3 =	vld [tilespmem:s16+$0x114F0]  }
0x120: {  	v11 =	vld [tilespmem:s16+$0x11480]  }
0x121: {  	v12 =	vld [tilespmem:s16+$0x9E10]  }
0x122: {  	v13 =	vld [tilespmem:s16+$0xED10]  }
0x123: {  	v15 =	vld [tilespmem:s16+$0x11490];
	(erf) = vrcp.f32 v4;
	v1 =	vpop (erf)  }
0x124: {  	v58 =	vld [tilespmem:s16+$0xC5B0];
	v3 =	vmul.f32 v3, v1;
	v14 =	vpop (erf)  }
0x125: {  	v4 =	vld [tilespmem:s16+$0xC590];
	(erf) = vrcp.f32 v5;
	v8 =	vmul.f32 v14, v8  }
0x126: {  	v2 =	vld [tilespmem:s16+$0x13C60];
	v9 =	vmul.f32 v9, v14;
	[tilespmem:s16+$0x114F0] =	vst v3  }
0x127: {  	v5 =	vmul.f32 v10, v14;
	v3 =	vld [tilespmem:s16+$0x9E20];
	[tilespmem:s16+$0x9E00] =	vst v8  }
0x128: {  	v10 =	vpop (erf);
	v11 =	vmul.f32 v11, v14;
	v8 =	vld [tilespmem:s16+$0xC5A0];
	[tilespmem:s16+$0xC580] =	vst v9  }
0x129: {  	v12 =	vmul.f32 v10, v12;
	v9 =	vld [tilespmem:s16+$0xED20];
	[tilespmem:s16+$0xED00] =	vst v5  }
0x12a: {  	(erf) = vrcp.f32 v6;
	v4 =	vmul.f32 v4, v10;
	[tilespmem:s16+$0x11480] =	vst v11;
	v11 =	vld [tilespmem:s16+$0x9E30]  }
0x12b: {  	v6 =	vmul.f32 v13, v10;
	v5 =	vld [tilespmem:s16+$0x114A0];
	[tilespmem:s16+$0x9E10] =	vst v12  }
0x12c: {  	v60 =	vld [tilespmem:s16+$0xC5D0];
	v59 =	vpop (erf);
	v10 =	vmul.f32 v15, v10;
	[tilespmem:s16+$0xC590] =	vst v4  }
0x12d: {  	(erf) = vrcp.f32 v7;
	v4 =	vld [tilespmem:s16+$0xED30];
	[tilespmem:s16+$0xED10] =	vst v6;
	v3 =	vmul.f32 v59, v3  }
0x12e: {  	v6 =	vld [tilespmem:s16+$0x114B0];
	[tilespmem:s16+$0x11490] =	vst v10;
	v8 =	vmul.f32 v8, v59;
	v7 =	vmul.f32 v9, v59;
	v9 =	vpop (erf)  }
0x12f: {  	v10 =	vld [tilespmem:s16+$0x9E40];
	(erf) = vrcp.f32 v2;
	[tilespmem:s16+$0x9E20] =	vst v3;
	v2 =	vmul.f32 v9, v11  }
0x130: {  	v61 =	vld [tilespmem:s16+$0x114D0];
	v5 =	vmul.f32 v5, v59;
	[tilespmem:s16+$0xC5A0] =	vst v8  }
0x131: {  	v3 =	vld [tilespmem:s16+$0xC5C0];
	[tilespmem:s16+$0xED20] =	vst v7  }
0x132: {  	v11 =	vmul.f32 v58, v9;
	v8 =	vld [tilespmem:s16+$0xED40];
	[tilespmem:s16+$0x114A0] =	vst v5  }
0x133: {  	v4 =	vmul.f32 v4, v9;
	v7 =	vld [tilespmem:s16+$0x114C0];
	[tilespmem:s16+$0x9E30] =	vst v2;
	v2 =	vpop (erf)  }
0x134: {  	v6 =	vmul.f32 v6, v9;
	v5 =	vld [tilespmem:s16+$0x9E50];
	[tilespmem:s16+$0xC5B0] =	vst v11;
	v10 =	vmul.f32 v2, v10  }
0x135: {  	v9 =	vld [tilespmem:s16+$0xED50];
	[tilespmem:s16+$0xED30] =	vst v4  }
0x136: {  	v62 =	vld [tilespmem:s16+$0x9E60];
	[tilespmem:s16+$0x114B0] =	vst v6;
	v3 =	vmul.f32 v3, v2  }
0x137: {  	v4 =	vld [tilespmem:s16+$0xC5E0];
	v6 =	vmul.f32 v8, v2;
	[tilespmem:s16+$0x9E40] =	vst v10  }
0x138: {  	v7 =	vmul.f32 v7, v2;
	[tilespmem:s16+$0xC5C0] =	vst v3;
	v3 =	vld [tilespmem:s16+$0xED60];
	v10 =	vpop (erf)  }
0x139: {  	[tilespmem:s16+$0xED40] =	vst v6;
	v63 =	vmul.f32 v10, v5;
	v5 =	vld [tilespmem:s16+$0x114E0]  }
0x13a: {  	[tilespmem:s16+$0x114C0] =	vst v7;
	v6 =	vld [tilespmem:s16+$0x9E70];
	v2 =	vpop (erf);
	v11 =	vmul.f32 v60, v10;
	v8 =	vmul.f32 v9, v10  }
0x13b: {  	s17 =	simm.s32 $0x0;
	s18 =	simm.s32 $0x200;
	v7 =	vld [tilespmem:s16+$0xC5F0];
	v9 =	vmul.f32 v61, v10;
	v10 =	vmul.f32 v2, v62;
	[tilespmem:s16+$0x9E50] =	vst v63  }
.LBB2_9:
0x13c: {  	s19 =	sshra.s32 s18, $0x2;
	s17 =	sadd.s32 $0x8, s17;
	[tilespmem:s16+$0xC5D0] =	vst v11;
	v4 =	vmul.f32 v4, v2;
	v11 =	vld [tilespmem:s16+$0xED70]  }
0x13d: {  	v12 =	vld [tilespmem:s19+$0x13C70];
	p0 =	slt.u32 s17, $0x270;
	[tilespmem:s16+$0xED50] =	vst v8;
	v3 =	vmul.f32 v3, v2  }
0x13e: {  	v8 =	vld [tilespmem:s19+$0x13C00];
	[tilespmem:s16+$0x114D0] =	vst v9;
	v2 =	vmul.f32 v5, v2  }
0x13f: {  	v5 =	vld [tilespmem:s19+$0x13C10];
	[tilespmem:s16+$0x9E60] =	vst v10;
	v6 =	vmul.f32 v1, v6  }
0x140: {  	v9 =	vld [tilespmem:s19+$0x13C20];
	[tilespmem:s16+$0xC5E0] =	vst v4;
	v4 =	vmul.f32 v7, v1  }
0x141: {  	v7 =	vld [tilespmem:s19+$0x13C30];
	[tilespmem:s16+$0xED60] =	vst v3;
	v1 =	vmul.f32 v11, v1  }
0x142: {  	v3 =	vld [tilespmem:s19+$0x13C40];
	(erf) = vrcp.f32 v12;
	[tilespmem:s16+$0x114E0] =	vst v2  }
0x143: {  	v2 =	vld [tilespmem:s19+$0x13C50];
	(erf) = vrcp.f32 v8;
	[tilespmem:s16+$0x9E70] =	vst v6  }
0x144: {  	v6 =	vld [tilespmem:s19+$0x13C60];
	(erf) = vrcp.f32 v5;
	[tilespmem:s16+$0xC5F0] =	vst v4  }
0x145: {  	v4 =	vld [tilespmem:s19+$0x9E00];
	(erf) = vrcp.f32 v9;
	[tilespmem:s16+$0xED70] =	vst v1;
	s16 =	smov.u32 s19  }
0x146: {  	v5 =	vld [tilespmem:s16+$0xC580];
	(erf) = vrcp.f32 v7  }
0x147: {  	v7 =	vld [tilespmem:s16+$0x114F0];
	(erf) = vrcp.f32 v3  }
0x148: {  	v3 =	vld [tilespmem:s16+$0xED00];
	(erf) = vrcp.f32 v2  }
0x149: {  	v2 =	vld [tilespmem:s16+$0x11480];
	(erf) = vrcp.f32 v6  }
0x14a: {  	v6 =	vld [tilespmem:s16+$0x9E10]  }
0x14b: {  	v8 =	vld [tilespmem:s16+$0xC590];
	v1 =	vpop (erf)  }
0x14c: {  	v9 =	vld [tilespmem:s16+$0xED10];
	v14 =	vmul.f32 v7, v1;
	v10 =	vpop (erf)  }
0x14d: {  	v4 =	vmul.f32 v10, v4;
	v5 =	vmul.f32 v5, v10;
	v11 =	vld [tilespmem:s16+$0x11490];
	v12 =	vpop (erf)  }
0x14e: {  	v3 =	vmul.f32 v3, v10;
	v2 =	vmul.f32 v2, v10;
	v10 =	vld [tilespmem:s16+$0x9E20];
	[tilespmem:s16+$0x114F0] =	vst v14;
	v7 =	vpop (erf)  }
0x14f: {  	[tilespmem:s16+$0x9E00] =	vst v4;
	v4 =	vmul.f32 v12, v6;
	v6 =	vld [tilespmem:s16+$0xC5A0];
	v13 =	vpop (erf)  }
0x150: {  	[tilespmem:s16+$0xC580] =	vst v5;
	v5 =	vmul.f32 v8, v12;
	v8 =	vld [tilespmem:s16+$0xED20];
	v14 =	vpop (erf)  }
0x151: {  	[tilespmem:s16+$0xED00] =	vst v3;
	v3 =	vmul.f32 v9, v12;
	v9 =	vld [tilespmem:s16+$0x114A0];
	v15 =	vpop (erf)  }
0x152: {  	[tilespmem:s16+$0x11480] =	vst v2;
	v11 =	vmul.f32 v11, v12;
	v12 =	vld [tilespmem:s16+$0x9E30];
	v2 =	vpop (erf)  }
0x153: {  	[tilespmem:s16+$0x9E10] =	vst v4;
	v4 =	vmul.f32 v7, v10;
	v10 =	vld [tilespmem:s16+$0xC5B0]  }
0x154: {  	[tilespmem:s16+$0xC590] =	vst v5;
	v5 =	vmul.f32 v6, v7;
	v6 =	vld [tilespmem:s16+$0xED30]  }
0x155: {  	[tilespmem:s16+$0xED10] =	vst v3;
	v3 =	vmul.f32 v8, v7;
	v8 =	vld [tilespmem:s16+$0x114B0]  }
0x156: {  	[tilespmem:s16+$0x11490] =	vst v11;
	v7 =	vmul.f32 v9, v7;
	v9 =	vld [tilespmem:s16+$0x9E40]  }
0x157: {  	[tilespmem:s16+$0x9E20] =	vst v4;
	v4 =	vmul.f32 v13, v12;
	v11 =	vld [tilespmem:s16+$0xC5C0]  }
0x158: {  	[tilespmem:s16+$0xC5A0] =	vst v5;
	v5 =	vmul.f32 v10, v13;
	v10 =	vld [tilespmem:s16+$0xED40]  }
0x159: {  	[tilespmem:s16+$0xED20] =	vst v3;
	v3 =	vmul.f32 v6, v13;
	v6 =	vld [tilespmem:s16+$0x114C0]  }
0x15a: {  	[tilespmem:s16+$0x114A0] =	vst v7;
	v7 =	vmul.f32 v8, v13;
	v8 =	vld [tilespmem:s16+$0x9E50]  }
0x15b: {  	[tilespmem:s16+$0x9E30] =	vst v4;
	v4 =	vmul.f32 v14, v9;
	v9 =	vld [tilespmem:s16+$0xC5D0]  }
0x15c: {  	[tilespmem:s16+$0xC5B0] =	vst v5;
	v5 =	vmul.f32 v11, v14;
	v12 =	vld [tilespmem:s16+$0xED50]  }
0x15d: {  	[tilespmem:s16+$0xED30] =	vst v3;
	v10 =	vmul.f32 v10, v14;
	v13 =	vld [tilespmem:s16+$0x114D0]  }
0x15e: {  	[tilespmem:s16+$0x114B0] =	vst v7;
	v6 =	vmul.f32 v6, v14;
	v7 =	vld [tilespmem:s16+$0x9E60]  }
.Ltmp3:
0x15f: {  	[tilespmem:s16+$0x9E40] =	vst v4;
	v14 =	vmul.f32 v15, v8;
	v4 =	vld [tilespmem:s16+$0xC5E0];
	(pc) =	sbr.rel @p0 .LBB2_9-.Ltmp3, $4  }
0x160: {  	[tilespmem:s16+$0xC5C0] =	vst v5;
	v11 =	vmul.f32 v9, v15;
	v3 =	vld [tilespmem:s16+$0xED60]  }
0x161: {  	[tilespmem:s16+$0xED40] =	vst v10;
	v8 =	vmul.f32 v12, v15;
	v5 =	vld [tilespmem:s16+$0x114E0]  }
0x162: {  	[tilespmem:s16+$0x114C0] =	vst v6;
	v9 =	vmul.f32 v13, v15;
	v6 =	vld [tilespmem:s16+$0x9E70]  }
0x163: {  	s18 =	sadd.s32 $0x200, s18;
	[tilespmem:s16+$0x9E50] =	vst v14;
	v10 =	vmul.f32 v2, v7;
	v7 =	vld [tilespmem:s16+$0xC5F0]  }
0x164: {  	[tilespmem:s16+$0xC5D0] =	vst v11  }
0x165: {  	[tilespmem:s16+$0xED50] =	vst v8  }
0x166: {  	v4 =	vmul.f32 v4, v2;
	v62 =	vld [tilespmem:s16+$0xED70];
	[tilespmem:s16+$0x114D0] =	vst v9  }
0x167: {  	v3 =	vmul.f32 v3, v2;
	[tilespmem:s16+$0x9E60] =	vst v10  }
0x168: {  	v2 =	vmul.f32 v5, v2;
	[tilespmem:s16+$0xC5E0] =	vst v4  }
0x169: {  	v63 =	vmul.f32 v1, v6;
	[tilespmem:s16+$0xED60] =	vst v3  }
0x16a: {  	v3 =	vmul.f32 v7, v1;
	[tilespmem:s16+$0x114E0] =	vst v2  }
0x16b: {  	s15 =	sadd.s32 $0x1, s15;
	v1 =	vmul.f32 v62, v1;
	[tilespmem:s16+$0x9E70] =	vst v63  }
0x16c: {  	p0 =	sne.s32 s15, s8;
	[tilespmem:s16+$0xC5F0] =	vst v3  }
.Ltmp4:
0x16d: {  	[tilespmem:s16+$0xED70] =	vst v1;
	(pc) =	sbr.rel @p0 .LBB2_1-.Ltmp4, $4  }
0x16e: {  	[hbm4b:s7+s3] =	stream.linear.scatter [tilespmem:s13], [sflag:$0x2], $0x9E00, $0x38;
	[tilespmem:$0x1A380] =	vst v63  }
0x16f: {  	_ =	swait.ge [sflag:s9], $0x9E00  }
0x170: {  	[sflag:s9] =	ssyncset.done $0x0  }
0x171: {  	[sflag:s9] =	ssyncadd.s32 $0xFFFF6200  }
0x172: {  	_ =	sfence.sel $0x180000  }
0x173: {  	[bflag:$0x0] =	sbarrier.arrive $0xFFFF  }
0x174: {  	p0 =	sne.s32 s0, $0x0;
	_ =	strace $0x9000004A  }
0x175: {  	s0 =	sadd.s32 @!p0 $0x100000, s1;
	[bflag:$0x2] =	sbarrier.arrive $0xFFFF  }
0x176: {  	[sflag:s0] =	ssyncadd.tile.s32 @!p0 $0x1;
	_ =	shalt  }
.Lfunc_end2:
_tile_overlayer_lowered:
.L_overlay_start_2:
0x177: {  	(tag) =	ssettag $0x2  }
0x178: {  	s0 =	rddreg [dreg:$0x0];
	s2 =	stileid.u32  }
0x179: {  	s1 =	rddreg [dreg:$0x1];
	p0 =	sne.s32 s2, $0x0  }
0x17a: {  	s3 =	rddreg [dreg:$0x2];
	[bflag:$0x3] =	sbarrier.arrive $0xFFFF;
	s2 =	simm.s32 @!p0 $0x1C02  }
0x17b: {  	[timem:s3], [sflag:s2] =	dma.local @!p0 [hbm:s0], s1  }
0x17c: {  	s0 =	simm.s32 @!p0 $0x2  }
0x17d: {  	_ =	swait.ge @!p0 [sflag:s0], s1  }
0x17e: {  	s1 =	ssub.s32 @!p0 $0x0, s1;
	[sflag:s0] =	ssyncset.done @!p0 $0x0  }
0x17f: {  	[sflag:s0] =	ssyncadd.s32 @!p0 s1  }
0x180: {  	[bflag:$0x3] =	sbarrier.arrive $0xFFFF  }
0x181: {  	_ =	shalt  }

</sc_bundles>
